<compile_context>
chip_gen: v7x
topology: tpu7x:2x2x1
jax: 0.10.2.dev20260603
libtpu: 0.0.44.dev20260713+nightly
codegen_flags: <defaults>
</compile_context>

<pallas_src>
import functools

import jax
import jax.numpy as jnp
from jax import lax
from jax.experimental import pallas as pl
from jax.experimental.pallas import tpu as pltpu
from jax.experimental.pallas import tpu_sc as plsc

SIZE = 65536
DIM = 128
BATCH = 4096
BLK = 4096
NBLK = SIZE // BLK

_NC = 2
_NS = 16
_ROWS_PER_WORKER = DIM // (_NC * _NS)


def _tc_body(out_t_ref, bank_ref, out_copy_ref, nb_ref):
    i = pl.program_id(0)

    @pl.when(i == 0)
    def _():
        out_copy_ref[...] = out_t_ref[...]
        nb_ref[...] = out_t_ref[...].T

    @pl.when(i != 0)
    def _():
        nb_ref[...] = bank_ref[...]


_CHUNK = 8192
_NRING = 8
_CHUNKS_PER_ROW = SIZE // _CHUNK
_NCHUNKS = _ROWS_PER_WORKER * _CHUNKS_PER_ROW


def _sc_copy_body(bank_hbm, out_hbm, *scratch):
    bufs = scratch[:_NRING]
    sem_in = scratch[_NRING:2 * _NRING]
    sem_out = scratch[2 * _NRING:]
    wid = lax.axis_index("s") * _NC + lax.axis_index("c")
    base = wid * _ROWS_PER_WORKER

    def _slice(ref, c):
        r, k = divmod(c, _CHUNKS_PER_ROW)
        return ref.at[base + r, pl.ds(k * _CHUNK, _CHUNK)]

    ins = [None] * _NCHUNKS
    outs = [None] * _NCHUNKS
    for c in range(_NRING):
        ins[c] = pltpu.make_async_copy(_slice(bank_hbm, c), bufs[c], sem_in[c])
        ins[c].start()
    for c in range(_NCHUNKS):
        b = c % _NRING
        ins[c].wait()
        outs[c] = pltpu.make_async_copy(bufs[b], _slice(out_hbm, c), sem_out[b])
        outs[c].start()
        nxt = c + 1
        if c >= _NRING - 1 and nxt < _NCHUNKS:
            outs[nxt - _NRING].wait()
            nb = nxt % _NRING
            ins[nxt] = pltpu.make_async_copy(
                _slice(bank_hbm, nxt), bufs[nb], sem_in[nb])
            ins[nxt].start()
    for c in range(_NCHUNKS - _NRING, _NCHUNKS):
        outs[c].wait()


_sc_bank_copy = functools.partial(
    pl.kernel,
    out_type=jax.ShapeDtypeStruct((DIM, SIZE), jnp.float32),
    mesh=plsc.VectorSubcoreMesh(core_axis_name="c", subcore_axis_name="s"),
    scratch_types=(
        [pltpu.VMEM((_CHUNK,), jnp.float32) for _ in range(_NRING)]
        + [pltpu.SemaphoreType.DMA for _ in range(2 * _NRING)]
    ),
)(_sc_copy_body)


def kernel(output, labels, update, bank, label):
    bank_copy = _sc_bank_copy(bank)
    out_copy, new_bank = pl.pallas_call(
        _tc_body,
        grid=(NBLK,),
        in_specs=[
            pl.BlockSpec((BATCH, DIM), lambda i: (0, 0)),
            pl.BlockSpec((DIM, BLK), lambda i: (0, jnp.maximum(i, 1))),
        ],
        out_specs=[
            pl.BlockSpec((BATCH, DIM), lambda i: (0, 0)),
            pl.BlockSpec((DIM, BLK), lambda i: (0, i)),
        ],
        out_shape=[
            jax.ShapeDtypeStruct((BATCH, DIM), jnp.float32),
            jax.ShapeDtypeStruct((DIM, SIZE), jnp.float32),
        ],
    )(output, bank)
    return (out_copy, bank_copy, new_bank)

# --- scband reference (transcript-rebuilt; emitter-appended) ---
"""Pipeline reference for scband-memory-bank-module-13314398617899 (READ-ONLY COPY).

The authoritative reference and input builder live on the scoring server;
editing this copy changes nothing except your own understanding.
"""

import jax, jax.numpy as jnp
import numpy as np

SIZE = 65536
DIM = 128
BATCH = 4096
CLUSTER = 1000


def setup_inputs(seed: int = 0) -> dict:
    key = jax.random.key(seed)
    k1, k2, k3, k4 = jax.random.split(key, 4)
    output = jax.random.normal(k1, (BATCH, DIM), dtype=jnp.float32)
    labels = jax.random.randint(k2, (BATCH,), 0, CLUSTER, dtype=jnp.int32)
    # bank is initialized lazily in the torch module as normalized randn(dim, size);
    # materialize it here as an explicit buffer.
    bank = jax.random.normal(k3, (DIM, SIZE), dtype=jnp.float32)
    norm = jnp.sqrt(jnp.sum(bank * bank, axis=0, keepdims=True))
    bank = bank / jnp.maximum(norm, 1e-12)
    label = jax.random.randint(k4, (1, SIZE), 0, CLUSTER, dtype=jnp.int32)
    return {"output": output, "labels": labels, "update": 1, "bank": bank, "label": label}


def reference(output, labels, update, bank, label):
    # Faithful functional translation of MemoryBankModule.forward with update=True.
    # Torch semantics: returned bank is a clone taken BEFORE the enqueue; the
    # enqueue mutates internal state. Here state is explicit, so we also return
    # the post-update bank (new_bank) so the scatter-write is observable.
    bank_before = bank
    ptr = 0  # bank_ptr starts at 0 after _init_memory_bank
    batch_size = output.shape[0]
    fits = ptr + batch_size < SIZE
    pred = (update != 0) & fits
    # bank[:, ptr:ptr+batch_size] = batch.T  -> contiguous scatter-overwrite
    updated_bank = jax.lax.dynamic_update_slice(bank, output.T, (0, ptr))
    updated_label = jax.lax.dynamic_update_slice(
        label, labels[None, :].astype(label.dtype), (0, ptr)
    )
    new_bank = jnp.where(pred, updated_bank, bank)
    new_label = jnp.where(pred, updated_label, label)
    return (output, bank_before, new_bank)

if __name__ == "__main__":
    import jax
    _d = setup_inputs()
    print(jax.jit(kernel)(*tuple(_d.values())))

</pallas_src>

<mosaic_0001>
#map = affine_map<(d0, d1) -> (0, 0)>
module attributes {stable_mosaic.version = 14 : i64} {
  func.func @_sc_copy_body(%arg0: i32, %arg1: i32, %arg2: memref<128x65536xf32, #tpu.memory_space<hbm>>, %arg3: memref<128x65536xf32, #tpu.memory_space<hbm>>, %arg4: memref<8192xf32, #tpu.memory_space<vmem>>, %arg5: memref<8192xf32, #tpu.memory_space<vmem>>, %arg6: memref<8192xf32, #tpu.memory_space<vmem>>, %arg7: memref<8192xf32, #tpu.memory_space<vmem>>, %arg8: memref<8192xf32, #tpu.memory_space<vmem>>, %arg9: memref<8192xf32, #tpu.memory_space<vmem>>, %arg10: memref<8192xf32, #tpu.memory_space<vmem>>, %arg11: memref<8192xf32, #tpu.memory_space<vmem>>, %arg12: memref<!tpu.dma_semaphore, #tpu.memory_space<semaphore_mem>>, %arg13: memref<!tpu.dma_semaphore, #tpu.memory_space<semaphore_mem>>, %arg14: memref<!tpu.dma_semaphore, #tpu.memory_space<semaphore_mem>>, %arg15: memref<!tpu.dma_semaphore, #tpu.memory_space<semaphore_mem>>, %arg16: memref<!tpu.dma_semaphore, #tpu.memory_space<semaphore_mem>>, %arg17: memref<!tpu.dma_semaphore, #tpu.memory_space<semaphore_mem>>, %arg18: memref<!tpu.dma_semaphore, #tpu.memory_space<semaphore_mem>>, %arg19: memref<!tpu.dma_semaphore, #tpu.memory_space<semaphore_mem>>, %arg20: memref<!tpu.dma_semaphore, #tpu.memory_space<semaphore_mem>>, %arg21: memref<!tpu.dma_semaphore, #tpu.memory_space<semaphore_mem>>, %arg22: memref<!tpu.dma_semaphore, #tpu.memory_space<semaphore_mem>>, %arg23: memref<!tpu.dma_semaphore, #tpu.memory_space<semaphore_mem>>, %arg24: memref<!tpu.dma_semaphore, #tpu.memory_space<semaphore_mem>>, %arg25: memref<!tpu.dma_semaphore, #tpu.memory_space<semaphore_mem>>, %arg26: memref<!tpu.dma_semaphore, #tpu.memory_space<semaphore_mem>>, %arg27: memref<!tpu.dma_semaphore, #tpu.memory_space<semaphore_mem>>) attributes {dimension_semantics = [#tpu.dimension_semantics<core_parallel>, #tpu.dimension_semantics<subcore_parallel>], iteration_bounds = array<i64: 2, 16>, scalar_prefetch = 0 : i64, scratch_operands = 24 : i64, tpu.core_type = #tpu.core_type<sc_vector_subcore>, window_params = [{transform_indices = #map}, {transform_indices = #map}]} {
    %mul3A = arith.constant 2 : i32
    %mul3A_0 = arith.muli %arg1, %mul3A : i32
    %add3A = arith.addi %mul3A_0, %arg0 : i32
    %mul3A_1 = arith.constant 4 : i32
    %mul3A_2 = arith.muli %add3A, %mul3A_1 : i32
    %add3A_3 = arith.constant 0 : i32
    %add3A_4 = arith.addi %mul3A_2, %add3A_3 : i32
    %dma_start3A = arith.constant 0 : i32
    %dma_start3A_5 = tpu.memref_slice %arg2[%add3A_4, %dma_start3A] : memref<128x65536xf32, #tpu.memory_space<hbm>> -> memref<1x8192xf32, #tpu.memory_space<hbm>>
    %dma_start3A_6 = tpu.memref_squeeze %dma_start3A_5 : memref<1x8192xf32, #tpu.memory_space<hbm>> -> memref<8192xf32, #tpu.memory_space<hbm>>
    %dma_start3A_7 = arith.constant 0 : i32
    %dma_start3A_8 = tpu.memref_slice %arg2[%add3A_4, %dma_start3A_7] : memref<128x65536xf32, #tpu.memory_space<hbm>> -> memref<1x8192xf32, #tpu.memory_space<hbm>>
    %dma_start3A_9 = tpu.memref_squeeze %dma_start3A_8 : memref<1x8192xf32, #tpu.memory_space<hbm>> -> memref<8192xf32, #tpu.memory_space<hbm>>
    tpu.enqueue_dma source(%dma_start3A_9 : memref<8192xf32, #tpu.memory_space<hbm>>) target(%arg4 : memref<8192xf32, #tpu.memory_space<vmem>>) target_semaphore(%arg12 : memref<!tpu.dma_semaphore, #tpu.memory_space<semaphore_mem>>)
    %add3A_10 = arith.constant 0 : i32
    %add3A_11 = arith.addi %mul3A_2, %add3A_10 : i32
    %dma_start3A_12 = arith.constant 8192 : i32
    %dma_start3A_13 = tpu.memref_slice %arg2[%add3A_11, %dma_start3A_12] : memref<128x65536xf32, #tpu.memory_space<hbm>> -> memref<1x8192xf32, #tpu.memory_space<hbm>>
    %dma_start3A_14 = tpu.memref_squeeze %dma_start3A_13 : memref<1x8192xf32, #tpu.memory_space<hbm>> -> memref<8192xf32, #tpu.memory_space<hbm>>
    %dma_start3A_15 = arith.constant 8192 : i32
    %dma_start3A_16 = tpu.memref_slice %arg2[%add3A_11, %dma_start3A_15] : memref<128x65536xf32, #tpu.memory_space<hbm>> -> memref<1x8192xf32, #tpu.memory_space<hbm>>
    %dma_start3A_17 = tpu.memref_squeeze %dma_start3A_16 : memref<1x8192xf32, #tpu.memory_space<hbm>> -> memref<8192xf32, #tpu.memory_space<hbm>>
    tpu.enqueue_dma source(%dma_start3A_17 : memref<8192xf32, #tpu.memory_space<hbm>>) target(%arg5 : memref<8192xf32, #tpu.memory_space<vmem>>) target_semaphore(%arg13 : memref<!tpu.dma_semaphore, #tpu.memory_space<semaphore_mem>>)
    %add3A_18 = arith.constant 0 : i32
    %add3A_19 = arith.addi %mul3A_2, %add3A_18 : i32
    %dma_start3A_20 = arith.constant 16384 : i32
    %dma_start3A_21 = tpu.memref_slice %arg2[%add3A_19, %dma_start3A_20] : memref<128x65536xf32, #tpu.memory_space<hbm>> -> memref<1x8192xf32, #tpu.memory_space<hbm>>
    %dma_start3A_22 = tpu.memref_squeeze %dma_start3A_21 : memref<1x8192xf32, #tpu.memory_space<hbm>> -> memref<8192xf32, #tpu.memory_space<hbm>>
    %dma_start3A_23 = arith.constant 16384 : i32
    %dma_start3A_24 = tpu.memref_slice %arg2[%add3A_19, %dma_start3A_23] : memref<128x65536xf32, #tpu.memory_space<hbm>> -> memref<1x8192xf32, #tpu.memory_space<hbm>>
    %dma_start3A_25 = tpu.memref_squeeze %dma_start3A_24 : memref<1x8192xf32, #tpu.memory_space<hbm>> -> memref<8192xf32, #tpu.memory_space<hbm>>
    tpu.enqueue_dma source(%dma_start3A_25 : memref<8192xf32, #tpu.memory_space<hbm>>) target(%arg6 : memref<8192xf32, #tpu.memory_space<vmem>>) target_semaphore(%arg14 : memref<!tpu.dma_semaphore, #tpu.memory_space<semaphore_mem>>)
    %add3A_26 = arith.constant 0 : i32
    %add3A_27 = arith.addi %mul3A_2, %add3A_26 : i32
    %dma_start3A_28 = arith.constant 24576 : i32
    %dma_start3A_29 = tpu.memref_slice %arg2[%add3A_27, %dma_start3A_28] : memref<128x65536xf32, #tpu.memory_space<hbm>> -> memref<1x8192xf32, #tpu.memory_space<hbm>>
    %dma_start3A_30 = tpu.memref_squeeze %dma_start3A_29 : memref<1x8192xf32, #tpu.memory_space<hbm>> -> memref<8192xf32, #tpu.memory_space<hbm>>
    %dma_start3A_31 = arith.constant 24576 : i32
    %dma_start3A_32 = tpu.memref_slice %arg2[%add3A_27, %dma_start3A_31] : memref<128x65536xf32, #tpu.memory_space<hbm>> -> memref<1x8192xf32, #tpu.memory_space<hbm>>
    %dma_start3A_33 = tpu.memref_squeeze %dma_start3A_32 : memref<1x8192xf32, #tpu.memory_space<hbm>> -> memref<8192xf32, #tpu.memory_space<hbm>>
    tpu.enqueue_dma source(%dma_start3A_33 : memref<8192xf32, #tpu.memory_space<hbm>>) target(%arg7 : memref<8192xf32, #tpu.memory_space<vmem>>) target_semaphore(%arg15 : memref<!tpu.dma_semaphore, #tpu.memory_space<semaphore_mem>>)
    %add3A_34 = arith.constant 0 : i32
    %add3A_35 = arith.addi %mul3A_2, %add3A_34 : i32
    %dma_start3A_36 = arith.constant 32768 : i32
    %dma_start3A_37 = tpu.memref_slice %arg2[%add3A_35, %dma_start3A_36] : memref<128x65536xf32, #tpu.memory_space<hbm>> -> memref<1x8192xf32, #tpu.memory_space<hbm>>
    %dma_start3A_38 = tpu.memref_squeeze %dma_start3A_37 : memref<1x8192xf32, #tpu.memory_space<hbm>> -> memref<8192xf32, #tpu.memory_space<hbm>>
    %dma_start3A_39 = arith.constant 32768 : i32
    %dma_start3A_40 = tpu.memref_slice %arg2[%add3A_35, %dma_start3A_39] : memref<128x65536xf32, #tpu.memory_space<hbm>> -> memref<1x8192xf32, #tpu.memory_space<hbm>>
    %dma_start3A_41 = tpu.memref_squeeze %dma_start3A_40 : memref<1x8192xf32, #tpu.memory_space<hbm>> -> memref<8192xf32, #tpu.memory_space<hbm>>
    tpu.enqueue_dma source(%dma_start3A_41 : memref<8192xf32, #tpu.memory_space<hbm>>) target(%arg8 : memref<8192xf32, #tpu.memory_space<vmem>>) target_semaphore(%arg16 : memref<!tpu.dma_semaphore, #tpu.memory_space<semaphore_mem>>)
    %add3A_42 = arith.constant 0 : i32
    %add3A_43 = arith.addi %mul3A_2, %add3A_42 : i32
    %dma_start3A_44 = arith.constant 40960 : i32
    %dma_start3A_45 = tpu.memref_slice %arg2[%add3A_43, %dma_start3A_44] : memref<128x65536xf32, #tpu.memory_space<hbm>> -> memref<1x8192xf32, #tpu.memory_space<hbm>>
    %dma_start3A_46 = tpu.memref_squeeze %dma_start3A_45 : memref<1x8192xf32, #tpu.memory_space<hbm>> -> memref<8192xf32, #tpu.memory_space<hbm>>
    %dma_start3A_47 = arith.constant 40960 : i32
    %dma_start3A_48 = tpu.memref_slice %arg2[%add3A_43, %dma_start3A_47] : memref<128x65536xf32, #tpu.memory_space<hbm>> -> memref<1x8192xf32, #tpu.memory_space<hbm>>
    %dma_start3A_49 = tpu.memref_squeeze %dma_start3A_48 : memref<1x8192xf32, #tpu.memory_space<hbm>> -> memref<8192xf32, #tpu.memory_space<hbm>>
    tpu.enqueue_dma source(%dma_start3A_49 : memref<8192xf32, #tpu.memory_space<hbm>>) target(%arg9 : memref<8192xf32, #tpu.memory_space<vmem>>) target_semaphore(%arg17 : memref<!tpu.dma_semaphore, #tpu.memory_space<semaphore_mem>>)
    %add3A_50 = arith.constant 0 : i32
    %add3A_51 = arith.addi %mul3A_2, %add3A_50 : i32
    %dma_start3A_52 = arith.constant 49152 : i32
    %dma_start3A_53 = tpu.memref_slice %arg2[%add3A_51, %dma_start3A_52] : memref<128x65536xf32, #tpu.memory_space<hbm>> -> memref<1x8192xf32, #tpu.memory_space<hbm>>
    %dma_start3A_54 = tpu.memref_squeeze %dma_start3A_53 : memref<1x8192xf32, #tpu.memory_space<hbm>> -> memref<8192xf32, #tpu.memory_space<hbm>>
    %dma_start3A_55 = arith.constant 49152 : i32
    %dma_start3A_56 = tpu.memref_slice %arg2[%add3A_51, %dma_start3A_55] : memref<128x65536xf32, #tpu.memory_space<hbm>> -> memref<1x8192xf32, #tpu.memory_space<hbm>>
    %dma_start3A_57 = tpu.memref_squeeze %dma_start3A_56 : memref<1x8192xf32, #tpu.memory_space<hbm>> -> memref<8192xf32, #tpu.memory_space<hbm>>
    tpu.enqueue_dma source(%dma_start3A_57 : memref<8192xf32, #tpu.memory_space<hbm>>) target(%arg10 : memref<8192xf32, #tpu.memory_space<vmem>>) target_semaphore(%arg18 : memref<!tpu.dma_semaphore, #tpu.memory_space<semaphore_mem>>)
    %add3A_58 = arith.constant 0 : i32
    %add3A_59 = arith.addi %mul3A_2, %add3A_58 : i32
    %dma_start3A_60 = arith.constant 57344 : i32
    %dma_start3A_61 = tpu.memref_slice %arg2[%add3A_59, %dma_start3A_60] : memref<128x65536xf32, #tpu.memory_space<hbm>> -> memref<1x8192xf32, #tpu.memory_space<hbm>>
    %dma_start3A_62 = tpu.memref_squeeze %dma_start3A_61 : memref<1x8192xf32, #tpu.memory_space<hbm>> -> memref<8192xf32, #tpu.memory_space<hbm>>
    %dma_start3A_63 = arith.constant 57344 : i32
    %dma_start3A_64 = tpu.memref_slice %arg2[%add3A_59, %dma_start3A_63] : memref<128x65536xf32, #tpu.memory_space<hbm>> -> memref<1x8192xf32, #tpu.memory_space<hbm>>
    %dma_start3A_65 = tpu.memref_squeeze %dma_start3A_64 : memref<1x8192xf32, #tpu.memory_space<hbm>> -> memref<8192xf32, #tpu.memory_space<hbm>>
    tpu.enqueue_dma source(%dma_start3A_65 : memref<8192xf32, #tpu.memory_space<hbm>>) target(%arg11 : memref<8192xf32, #tpu.memory_space<vmem>>) target_semaphore(%arg19 : memref<!tpu.dma_semaphore, #tpu.memory_space<semaphore_mem>>)
    %dma_wait3A = arith.constant 0 : i32
    %dma_wait3A_66 = tpu.memref_slice %arg2[%add3A_4, %dma_wait3A] : memref<128x65536xf32, #tpu.memory_space<hbm>> -> memref<1x8192xf32, #tpu.memory_space<hbm>>
    %dma_wait3A_67 = tpu.memref_squeeze %dma_wait3A_66 : memref<1x8192xf32, #tpu.memory_space<hbm>> -> memref<8192xf32, #tpu.memory_space<hbm>>
    %dma_wait3A_68 = arith.constant 0 : i32
    %dma_wait3A_69 = tpu.memref_slice %arg2[%add3A_4, %dma_wait3A_68] : memref<128x65536xf32, #tpu.memory_space<hbm>> -> memref<1x8192xf32, #tpu.memory_space<hbm>>
    %dma_wait3A_70 = tpu.memref_squeeze %dma_wait3A_69 : memref<1x8192xf32, #tpu.memory_space<hbm>> -> memref<8192xf32, #tpu.memory_space<hbm>>
    tpu.wait_dma2 semaphore(%arg12 : memref<!tpu.dma_semaphore, #tpu.memory_space<semaphore_mem>>) src(%dma_wait3A_70 : memref<8192xf32, #tpu.memory_space<hbm>>) dst(%arg4 : memref<8192xf32, #tpu.memory_space<vmem>>)
    %add3A_71 = arith.constant 0 : i32
    %add3A_72 = arith.addi %mul3A_2, %add3A_71 : i32
    %dma_start3A_73 = arith.constant 0 : i32
    %dma_start3A_74 = tpu.memref_slice %arg3[%add3A_72, %dma_start3A_73] : memref<128x65536xf32, #tpu.memory_space<hbm>> -> memref<1x8192xf32, #tpu.memory_space<hbm>>
    %dma_start3A_75 = tpu.memref_squeeze %dma_start3A_74 : memref<1x8192xf32, #tpu.memory_space<hbm>> -> memref<8192xf32, #tpu.memory_space<hbm>>
    %dma_start3A_76 = arith.constant 0 : i32
    %dma_start3A_77 = tpu.memref_slice %arg3[%add3A_72, %dma_start3A_76] : memref<128x65536xf32, #tpu.memory_space<hbm>> -> memref<1x8192xf32, #tpu.memory_space<hbm>>
    %dma_start3A_78 = tpu.memref_squeeze %dma_start3A_77 : memref<1x8192xf32, #tpu.memory_space<hbm>> -> memref<8192xf32, #tpu.memory_space<hbm>>
    tpu.enqueue_dma source(%arg4 : memref<8192xf32, #tpu.memory_space<vmem>>) target(%dma_start3A_78 : memref<8192xf32, #tpu.memory_space<hbm>>) target_semaphore(%arg20 : memref<!tpu.dma_semaphore, #tpu.memory_space<semaphore_mem>>)
    %dma_wait3A_79 = arith.constant 8192 : i32
    %dma_wait3A_80 = tpu.memref_slice %arg2[%add3A_11, %dma_wait3A_79] : memref<128x65536xf32, #tpu.memory_space<hbm>> -> memref<1x8192xf32, #tpu.memory_space<hbm>>
    %dma_wait3A_81 = tpu.memref_squeeze %dma_wait3A_80 : memref<1x8192xf32, #tpu.memory_space<hbm>> -> memref<8192xf32, #tpu.memory_space<hbm>>
    %dma_wait3A_82 = arith.constant 8192 : i32
    %dma_wait3A_83 = tpu.memref_slice %arg2[%add3A_11, %dma_wait3A_82] : memref<128x65536xf32, #tpu.memory_space<hbm>> -> memref<1x8192xf32, #tpu.memory_space<hbm>>
    %dma_wait3A_84 = tpu.memref_squeeze %dma_wait3A_83 : memref<1x8192xf32, #tpu.memory_space<hbm>> -> memref<8192xf32, #tpu.memory_space<hbm>>
    tpu.wait_dma2 semaphore(%arg13 : memref<!tpu.dma_semaphore, #tpu.memory_space<semaphore_mem>>) src(%dma_wait3A_84 : memref<8192xf32, #tpu.memory_space<hbm>>) dst(%arg5 : memref<8192xf32, #tpu.memory_space<vmem>>)
    %add3A_85 = arith.constant 0 : i32
    %add3A_86 = arith.addi %mul3A_2, %add3A_85 : i32
    %dma_start3A_87 = arith.constant 8192 : i32
    %dma_start3A_88 = tpu.memref_slice %arg3[%add3A_86, %dma_start3A_87] : memref<128x65536xf32, #tpu.memory_space<hbm>> -> memref<1x8192xf32, #tpu.memory_space<hbm>>
    %dma_start3A_89 = tpu.memref_squeeze %dma_start3A_88 : memref<1x8192xf32, #tpu.memory_space<hbm>> -> memref<8192xf32, #tpu.memory_space<hbm>>
    %dma_start3A_90 = arith.constant 8192 : i32
    %dma_start3A_91 = tpu.memref_slice %arg3[%add3A_86, %dma_start3A_90] : memref<128x65536xf32, #tpu.memory_space<hbm>> -> memref<1x8192xf32, #tpu.memory_space<hbm>>
    %dma_start3A_92 = tpu.memref_squeeze %dma_start3A_91 : memref<1x8192xf32, #tpu.memory_space<hbm>> -> memref<8192xf32, #tpu.memory_space<hbm>>
    tpu.enqueue_dma source(%arg5 : memref<8192xf32, #tpu.memory_space<vmem>>) target(%dma_start3A_92 : memref<8192xf32, #tpu.memory_space<hbm>>) target_semaphore(%arg21 : memref<!tpu.dma_semaphore, #tpu.memory_space<semaphore_mem>>)
    %dma_wait3A_93 = arith.constant 16384 : i32
    %dma_wait3A_94 = tpu.memref_slice %arg2[%add3A_19, %dma_wait3A_93] : memref<128x65536xf32, #tpu.memory_space<hbm>> -> memref<1x8192xf32, #tpu.memory_space<hbm>>
    %dma_wait3A_95 = tpu.memref_squeeze %dma_wait3A_94 : memref<1x8192xf32, #tpu.memory_space<hbm>> -> memref<8192xf32, #tpu.memory_space<hbm>>
    %dma_wait3A_96 = arith.constant 16384 : i32
    %dma_wait3A_97 = tpu.memref_slice %arg2[%add3A_19, %dma_wait3A_96] : memref<128x65536xf32, #tpu.memory_space<hbm>> -> memref<1x8192xf32, #tpu.memory_space<hbm>>
    %dma_wait3A_98 = tpu.memref_squeeze %dma_wait3A_97 : memref<1x8192xf32, #tpu.memory_space<hbm>> -> memref<8192xf32, #tpu.memory_space<hbm>>
    tpu.wait_dma2 semaphore(%arg14 : memref<!tpu.dma_semaphore, #tpu.memory_space<semaphore_mem>>) src(%dma_wait3A_98 : memref<8192xf32, #tpu.memory_space<hbm>>) dst(%arg6 : memref<8192xf32, #tpu.memory_space<vmem>>)
    %add3A_99 = arith.constant 0 : i32
    %add3A_100 = arith.addi %mul3A_2, %add3A_99 : i32
    %dma_start3A_101 = arith.constant 16384 : i32
    %dma_start3A_102 = tpu.memref_slice %arg3[%add3A_100, %dma_start3A_101] : memref<128x65536xf32, #tpu.memory_space<hbm>> -> memref<1x8192xf32, #tpu.memory_space<hbm>>
    %dma_start3A_103 = tpu.memref_squeeze %dma_start3A_102 : memref<1x8192xf32, #tpu.memory_space<hbm>> -> memref<8192xf32, #tpu.memory_space<hbm>>
    %dma_start3A_104 = arith.constant 16384 : i32
    %dma_start3A_105 = tpu.memref_slice %arg3[%add3A_100, %dma_start3A_104] : memref<128x65536xf32, #tpu.memory_space<hbm>> -> memref<1x8192xf32, #tpu.memory_space<hbm>>
    %dma_start3A_106 = tpu.memref_squeeze %dma_start3A_105 : memref<1x8192xf32, #tpu.memory_space<hbm>> -> memref<8192xf32, #tpu.memory_space<hbm>>
    tpu.enqueue_dma source(%arg6 : memref<8192xf32, #tpu.memory_space<vmem>>) target(%dma_start3A_106 : memref<8192xf32, #tpu.memory_space<hbm>>) target_semaphore(%arg22 : memref<!tpu.dma_semaphore, #tpu.memory_space<semaphore_mem>>)
    %dma_wait3A_107 = arith.constant 24576 : i32
    %dma_wait3A_108 = tpu.memref_slice %arg2[%add3A_27, %dma_wait3A_107] : memref<128x65536xf32, #tpu.memory_space<hbm>> -> memref<1x8192xf32, #tpu.memory_space<hbm>>
    %dma_wait3A_109 = tpu.memref_squeeze %dma_wait3A_108 : memref<1x8192xf32, #tpu.memory_space<hbm>> -> memref<8192xf32, #tpu.memory_space<hbm>>
    %dma_wait3A_110 = arith.constant 24576 : i32
    %dma_wait3A_111 = tpu.memref_slice %arg2[%add3A_27, %dma_wait3A_110] : memref<128x65536xf32, #tpu.memory_space<hbm>> -> memref<1x8192xf32, #tpu.memory_space<hbm>>
    %dma_wait3A_112 = tpu.memref_squeeze %dma_wait3A_111 : memref<1x8192xf32, #tpu.memory_space<hbm>> -> memref<8192xf32, #tpu.memory_space<hbm>>
    tpu.wait_dma2 semaphore(%arg15 : memref<!tpu.dma_semaphore, #tpu.memory_space<semaphore_mem>>) src(%dma_wait3A_112 : memref<8192xf32, #tpu.memory_space<hbm>>) dst(%arg7 : memref<8192xf32, #tpu.memory_space<vmem>>)
    %add3A_113 = arith.constant 0 : i32
    %add3A_114 = arith.addi %mul3A_2, %add3A_113 : i32
    %dma_start3A_115 = arith.constant 24576 : i32
    %dma_start3A_116 = tpu.memref_slice %arg3[%add3A_114, %dma_start3A_115] : memref<128x65536xf32, #tpu.memory_space<hbm>> -> memref<1x8192xf32, #tpu.memory_space<hbm>>
    %dma_start3A_117 = tpu.memref_squeeze %dma_start3A_116 : memref<1x8192xf32, #tpu.memory_space<hbm>> -> memref<8192xf32, #tpu.memory_space<hbm>>
    %dma_start3A_118 = arith.constant 24576 : i32
    %dma_start3A_119 = tpu.memref_slice %arg3[%add3A_114, %dma_start3A_118] : memref<128x65536xf32, #tpu.memory_space<hbm>> -> memref<1x8192xf32, #tpu.memory_space<hbm>>
    %dma_start3A_120 = tpu.memref_squeeze %dma_start3A_119 : memref<1x8192xf32, #tpu.memory_space<hbm>> -> memref<8192xf32, #tpu.memory_space<hbm>>
    tpu.enqueue_dma source(%arg7 : memref<8192xf32, #tpu.memory_space<vmem>>) target(%dma_start3A_120 : memref<8192xf32, #tpu.memory_space<hbm>>) target_semaphore(%arg23 : memref<!tpu.dma_semaphore, #tpu.memory_space<semaphore_mem>>)
    %dma_wait3A_121 = arith.constant 32768 : i32
    %dma_wait3A_122 = tpu.memref_slice %arg2[%add3A_35, %dma_wait3A_121] : memref<128x65536xf32, #tpu.memory_space<hbm>> -> memref<1x8192xf32, #tpu.memory_space<hbm>>
    %dma_wait3A_123 = tpu.memref_squeeze %dma_wait3A_122 : memref<1x8192xf32, #tpu.memory_space<hbm>> -> memref<8192xf32, #tpu.memory_space<hbm>>
    %dma_wait3A_124 = arith.constant 32768 : i32
    %dma_wait3A_125 = tpu.memref_slice %arg2[%add3A_35, %dma_wait3A_124] : memref<128x65536xf32, #tpu.memory_space<hbm>> -> memref<1x8192xf32, #tpu.memory_space<hbm>>
    %dma_wait3A_126 = tpu.memref_squeeze %dma_wait3A_125 : memref<1x8192xf32, #tpu.memory_space<hbm>> -> memref<8192xf32, #tpu.memory_space<hbm>>
    tpu.wait_dma2 semaphore(%arg16 : memref<!tpu.dma_semaphore, #tpu.memory_space<semaphore_mem>>) src(%dma_wait3A_126 : memref<8192xf32, #tpu.memory_space<hbm>>) dst(%arg8 : memref<8192xf32, #tpu.memory_space<vmem>>)
    %add3A_127 = arith.constant 0 : i32
    %add3A_128 = arith.addi %mul3A_2, %add3A_127 : i32
    %dma_start3A_129 = arith.constant 32768 : i32
    %dma_start3A_130 = tpu.memref_slice %arg3[%add3A_128, %dma_start3A_129] : memref<128x65536xf32, #tpu.memory_space<hbm>> -> memref<1x8192xf32, #tpu.memory_space<hbm>>
    %dma_start3A_131 = tpu.memref_squeeze %dma_start3A_130 : memref<1x8192xf32, #tpu.memory_space<hbm>> -> memref<8192xf32, #tpu.memory_space<hbm>>
    %dma_start3A_132 = arith.constant 32768 : i32
    %dma_start3A_133 = tpu.memref_slice %arg3[%add3A_128, %dma_start3A_132] : memref<128x65536xf32, #tpu.memory_space<hbm>> -> memref<1x8192xf32, #tpu.memory_space<hbm>>
    %dma_start3A_134 = tpu.memref_squeeze %dma_start3A_133 : memref<1x8192xf32, #tpu.memory_space<hbm>> -> memref<8192xf32, #tpu.memory_space<hbm>>
    tpu.enqueue_dma source(%arg8 : memref<8192xf32, #tpu.memory_space<vmem>>) target(%dma_start3A_134 : memref<8192xf32, #tpu.memory_space<hbm>>) target_semaphore(%arg24 : memref<!tpu.dma_semaphore, #tpu.memory_space<semaphore_mem>>)
    %dma_wait3A_135 = arith.constant 40960 : i32
    %dma_wait3A_136 = tpu.memref_slice %arg2[%add3A_43, %dma_wait3A_135] : memref<128x65536xf32, #tpu.memory_space<hbm>> -> memref<1x8192xf32, #tpu.memory_space<hbm>>
    %dma_wait3A_137 = tpu.memref_squeeze %dma_wait3A_136 : memref<1x8192xf32, #tpu.memory_space<hbm>> -> memref<8192xf32, #tpu.memory_space<hbm>>
    %dma_wait3A_138 = arith.constant 40960 : i32
    %dma_wait3A_139 = tpu.memref_slice %arg2[%add3A_43, %dma_wait3A_138] : memref<128x65536xf32, #tpu.memory_space<hbm>> -> memref<1x8192xf32, #tpu.memory_space<hbm>>
    %dma_wait3A_140 = tpu.memref_squeeze %dma_wait3A_139 : memref<1x8192xf32, #tpu.memory_space<hbm>> -> memref<8192xf32, #tpu.memory_space<hbm>>
    tpu.wait_dma2 semaphore(%arg17 : memref<!tpu.dma_semaphore, #tpu.memory_space<semaphore_mem>>) src(%dma_wait3A_140 : memref<8192xf32, #tpu.memory_space<hbm>>) dst(%arg9 : memref<8192xf32, #tpu.memory_space<vmem>>)
    %add3A_141 = arith.constant 0 : i32
    %add3A_142 = arith.addi %mul3A_2, %add3A_141 : i32
    %dma_start3A_143 = arith.constant 40960 : i32
    %dma_start3A_144 = tpu.memref_slice %arg3[%add3A_142, %dma_start3A_143] : memref<128x65536xf32, #tpu.memory_space<hbm>> -> memref<1x8192xf32, #tpu.memory_space<hbm>>
    %dma_start3A_145 = tpu.memref_squeeze %dma_start3A_144 : memref<1x8192xf32, #tpu.memory_space<hbm>> -> memref<8192xf32, #tpu.memory_space<hbm>>
    %dma_start3A_146 = arith.constant 40960 : i32
    %dma_start3A_147 = tpu.memref_slice %arg3[%add3A_142, %dma_start3A_146] : memref<128x65536xf32, #tpu.memory_space<hbm>> -> memref<1x8192xf32, #tpu.memory_space<hbm>>
    %dma_start3A_148 = tpu.memref_squeeze %dma_start3A_147 : memref<1x8192xf32, #tpu.memory_space<hbm>> -> memref<8192xf32, #tpu.memory_space<hbm>>
    tpu.enqueue_dma source(%arg9 : memref<8192xf32, #tpu.memory_space<vmem>>) target(%dma_start3A_148 : memref<8192xf32, #tpu.memory_space<hbm>>) target_semaphore(%arg25 : memref<!tpu.dma_semaphore, #tpu.memory_space<semaphore_mem>>)
    %dma_wait3A_149 = arith.constant 49152 : i32
    %dma_wait3A_150 = tpu.memref_slice %arg2[%add3A_51, %dma_wait3A_149] : memref<128x65536xf32, #tpu.memory_space<hbm>> -> memref<1x8192xf32, #tpu.memory_space<hbm>>
    %dma_wait3A_151 = tpu.memref_squeeze %dma_wait3A_150 : memref<1x8192xf32, #tpu.memory_space<hbm>> -> memref<8192xf32, #tpu.memory_space<hbm>>
    %dma_wait3A_152 = arith.constant 49152 : i32
    %dma_wait3A_153 = tpu.memref_slice %arg2[%add3A_51, %dma_wait3A_152] : memref<128x65536xf32, #tpu.memory_space<hbm>> -> memref<1x8192xf32, #tpu.memory_space<hbm>>
    %dma_wait3A_154 = tpu.memref_squeeze %dma_wait3A_153 : memref<1x8192xf32, #tpu.memory_space<hbm>> -> memref<8192xf32, #tpu.memory_space<hbm>>
    tpu.wait_dma2 semaphore(%arg18 : memref<!tpu.dma_semaphore, #tpu.memory_space<semaphore_mem>>) src(%dma_wait3A_154 : memref<8192xf32, #tpu.memory_space<hbm>>) dst(%arg10 : memref<8192xf32, #tpu.memory_space<vmem>>)
    %add3A_155 = arith.constant 0 : i32
    %add3A_156 = arith.addi %mul3A_2, %add3A_155 : i32
    %dma_start3A_157 = arith.constant 49152 : i32
    %dma_start3A_158 = tpu.memref_slice %arg3[%add3A_156, %dma_start3A_157] : memref<128x65536xf32, #tpu.memory_space<hbm>> -> memref<1x8192xf32, #tpu.memory_space<hbm>>
    %dma_start3A_159 = tpu.memref_squeeze %dma_start3A_158 : memref<1x8192xf32, #tpu.memory_space<hbm>> -> memref<8192xf32, #tpu.memory_space<hbm>>
    %dma_start3A_160 = arith.constant 49152 : i32
    %dma_start3A_161 = tpu.memref_slice %arg3[%add3A_156, %dma_start3A_160] : memref<128x65536xf32, #tpu.memory_space<hbm>> -> memref<1x8192xf32, #tpu.memory_space<hbm>>
    %dma_start3A_162 = tpu.memref_squeeze %dma_start3A_161 : memref<1x8192xf32, #tpu.memory_space<hbm>> -> memref<8192xf32, #tpu.memory_space<hbm>>
    tpu.enqueue_dma source(%arg10 : memref<8192xf32, #tpu.memory_space<vmem>>) target(%dma_start3A_162 : memref<8192xf32, #tpu.memory_space<hbm>>) target_semaphore(%arg26 : memref<!tpu.dma_semaphore, #tpu.memory_space<semaphore_mem>>)
    %dma_wait3A_163 = arith.constant 57344 : i32
    %dma_wait3A_164 = tpu.memref_slice %arg2[%add3A_59, %dma_wait3A_163] : memref<128x65536xf32, #tpu.memory_space<hbm>> -> memref<1x8192xf32, #tpu.memory_space<hbm>>
    %dma_wait3A_165 = tpu.memref_squeeze %dma_wait3A_164 : memref<1x8192xf32, #tpu.memory_space<hbm>> -> memref<8192xf32, #tpu.memory_space<hbm>>
    %dma_wait3A_166 = arith.constant 57344 : i32
    %dma_wait3A_167 = tpu.memref_slice %arg2[%add3A_59, %dma_wait3A_166] : memref<128x65536xf32, #tpu.memory_space<hbm>> -> memref<1x8192xf32, #tpu.memory_space<hbm>>
    %dma_wait3A_168 = tpu.memref_squeeze %dma_wait3A_167 : memref<1x8192xf32, #tpu.memory_space<hbm>> -> memref<8192xf32, #tpu.memory_space<hbm>>
    tpu.wait_dma2 semaphore(%arg19 : memref<!tpu.dma_semaphore, #tpu.memory_space<semaphore_mem>>) src(%dma_wait3A_168 : memref<8192xf32, #tpu.memory_space<hbm>>) dst(%arg11 : memref<8192xf32, #tpu.memory_space<vmem>>)
    %add3A_169 = arith.constant 0 : i32
    %add3A_170 = arith.addi %mul3A_2, %add3A_169 : i32
    %dma_start3A_171 = arith.constant 57344 : i32
    %dma_start3A_172 = tpu.memref_slice %arg3[%add3A_170, %dma_start3A_171] : memref<128x65536xf32, #tpu.memory_space<hbm>> -> memref<1x8192xf32, #tpu.memory_space<hbm>>
    %dma_start3A_173 = tpu.memref_squeeze %dma_start3A_172 : memref<1x8192xf32, #tpu.memory_space<hbm>> -> memref<8192xf32, #tpu.memory_space<hbm>>
    %dma_start3A_174 = arith.constant 57344 : i32
    %dma_start3A_175 = tpu.memref_slice %arg3[%add3A_170, %dma_start3A_174] : memref<128x65536xf32, #tpu.memory_space<hbm>> -> memref<1x8192xf32, #tpu.memory_space<hbm>>
    %dma_start3A_176 = tpu.memref_squeeze %dma_start3A_175 : memref<1x8192xf32, #tpu.memory_space<hbm>> -> memref<8192xf32, #tpu.memory_space<hbm>>
    tpu.enqueue_dma source(%arg11 : memref<8192xf32, #tpu.memory_space<vmem>>) target(%dma_start3A_176 : memref<8192xf32, #tpu.memory_space<hbm>>) target_semaphore(%arg27 : memref<!tpu.dma_semaphore, #tpu.memory_space<semaphore_mem>>)
    %dma_wait3A_177 = arith.constant 0 : i32
    %dma_wait3A_178 = tpu.memref_slice %arg3[%add3A_72, %dma_wait3A_177] : memref<128x65536xf32, #tpu.memory_space<hbm>> -> memref<1x8192xf32, #tpu.memory_space<hbm>>
    %dma_wait3A_179 = tpu.memref_squeeze %dma_wait3A_178 : memref<1x8192xf32, #tpu.memory_space<hbm>> -> memref<8192xf32, #tpu.memory_space<hbm>>
    %dma_wait3A_180 = arith.constant 0 : i32
    %dma_wait3A_181 = tpu.memref_slice %arg3[%add3A_72, %dma_wait3A_180] : memref<128x65536xf32, #tpu.memory_space<hbm>> -> memref<1x8192xf32, #tpu.memory_space<hbm>>
    %dma_wait3A_182 = tpu.memref_squeeze %dma_wait3A_181 : memref<1x8192xf32, #tpu.memory_space<hbm>> -> memref<8192xf32, #tpu.memory_space<hbm>>
    tpu.wait_dma2 semaphore(%arg20 : memref<!tpu.dma_semaphore, #tpu.memory_space<semaphore_mem>>) src(%arg4 : memref<8192xf32, #tpu.memory_space<vmem>>) dst(%dma_wait3A_182 : memref<8192xf32, #tpu.memory_space<hbm>>)
    %add3A_183 = arith.constant 1 : i32
    %add3A_184 = arith.addi %mul3A_2, %add3A_183 : i32
    %dma_start3A_185 = arith.constant 0 : i32
    %dma_start3A_186 = tpu.memref_slice %arg2[%add3A_184, %dma_start3A_185] : memref<128x65536xf32, #tpu.memory_space<hbm>> -> memref<1x8192xf32, #tpu.memory_space<hbm>>
    %dma_start3A_187 = tpu.memref_squeeze %dma_start3A_186 : memref<1x8192xf32, #tpu.memory_space<hbm>> -> memref<8192xf32, #tpu.memory_space<hbm>>
    %dma_start3A_188 = arith.constant 0 : i32
    %dma_start3A_189 = tpu.memref_slice %arg2[%add3A_184, %dma_start3A_188] : memref<128x65536xf32, #tpu.memory_space<hbm>> -> memref<1x8192xf32, #tpu.memory_space<hbm>>
    %dma_start3A_190 = tpu.memref_squeeze %dma_start3A_189 : memref<1x8192xf32, #tpu.memory_space<hbm>> -> memref<8192xf32, #tpu.memory_space<hbm>>
    tpu.enqueue_dma source(%dma_start3A_190 : memref<8192xf32, #tpu.memory_space<hbm>>) target(%arg4 : memref<8192xf32, #tpu.memory_space<vmem>>) target_semaphore(%arg12 : memref<!tpu.dma_semaphore, #tpu.memory_space<semaphore_mem>>)
    %dma_wait3A_191 = arith.constant 0 : i32
    %dma_wait3A_192 = tpu.memref_slice %arg2[%add3A_184, %dma_wait3A_191] : memref<128x65536xf32, #tpu.memory_space<hbm>> -> memref<1x8192xf32, #tpu.memory_space<hbm>>
    %dma_wait3A_193 = tpu.memref_squeeze %dma_wait3A_192 : memref<1x8192xf32, #tpu.memory_space<hbm>> -> memref<8192xf32, #tpu.memory_space<hbm>>
    %dma_wait3A_194 = arith.constant 0 : i32
    %dma_wait3A_195 = tpu.memref_slice %arg2[%add3A_184, %dma_wait3A_194] : memref<128x65536xf32, #tpu.memory_space<hbm>> -> memref<1x8192xf32, #tpu.memory_space<hbm>>
    %dma_wait3A_196 = tpu.memref_squeeze %dma_wait3A_195 : memref<1x8192xf32, #tpu.memory_space<hbm>> -> memref<8192xf32, #tpu.memory_space<hbm>>
    tpu.wait_dma2 semaphore(%arg12 : memref<!tpu.dma_semaphore, #tpu.memory_space<semaphore_mem>>) src(%dma_wait3A_196 : memref<8192xf32, #tpu.memory_space<hbm>>) dst(%arg4 : memref<8192xf32, #tpu.memory_space<vmem>>)
    %add3A_197 = arith.constant 1 : i32
    %add3A_198 = arith.addi %mul3A_2, %add3A_197 : i32
    %dma_start3A_199 = arith.constant 0 : i32
    %dma_start3A_200 = tpu.memref_slice %arg3[%add3A_198, %dma_start3A_199] : memref<128x65536xf32, #tpu.memory_space<hbm>> -> memref<1x8192xf32, #tpu.memory_space<hbm>>
    %dma_start3A_201 = tpu.memref_squeeze %dma_start3A_200 : memref<1x8192xf32, #tpu.memory_space<hbm>> -> memref<8192xf32, #tpu.memory_space<hbm>>
    %dma_start3A_202 = arith.constant 0 : i32
    %dma_start3A_203 = tpu.memref_slice %arg3[%add3A_198, %dma_start3A_202] : memref<128x65536xf32, #tpu.memory_space<hbm>> -> memref<1x8192xf32, #tpu.memory_space<hbm>>
    %dma_start3A_204 = tpu.memref_squeeze %dma_start3A_203 : memref<1x8192xf32, #tpu.memory_space<hbm>> -> memref<8192xf32, #tpu.memory_space<hbm>>
    tpu.enqueue_dma source(%arg4 : memref<8192xf32, #tpu.memory_space<vmem>>) target(%dma_start3A_204 : memref<8192xf32, #tpu.memory_space<hbm>>) target_semaphore(%arg20 : memref<!tpu.dma_semaphore, #tpu.memory_space<semaphore_mem>>)
    %dma_wait3A_205 = arith.constant 8192 : i32
    %dma_wait3A_206 = tpu.memref_slice %arg3[%add3A_86, %dma_wait3A_205] : memref<128x65536xf32, #tpu.memory_space<hbm>> -> memref<1x8192xf32, #tpu.memory_space<hbm>>
    %dma_wait3A_207 = tpu.memref_squeeze %dma_wait3A_206 : memref<1x8192xf32, #tpu.memory_space<hbm>> -> memref<8192xf32, #tpu.memory_space<hbm>>
    %dma_wait3A_208 = arith.constant 8192 : i32
    %dma_wait3A_209 = tpu.memref_slice %arg3[%add3A_86, %dma_wait3A_208] : memref<128x65536xf32, #tpu.memory_space<hbm>> -> memref<1x8192xf32, #tpu.memory_space<hbm>>
    %dma_wait3A_210 = tpu.memref_squeeze %dma_wait3A_209 : memref<1x8192xf32, #tpu.memory_space<hbm>> -> memref<8192xf32, #tpu.memory_space<hbm>>
    tpu.wait_dma2 semaphore(%arg21 : memref<!tpu.dma_semaphore, #tpu.memory_space<semaphore_mem>>) src(%arg5 : memref<8192xf32, #tpu.memory_space<vmem>>) dst(%dma_wait3A_210 : memref<8192xf32, #tpu.memory_space<hbm>>)
    %add3A_211 = arith.constant 1 : i32
    %add3A_212 = arith.addi %mul3A_2, %add3A_211 : i32
    %dma_start3A_213 = arith.constant 8192 : i32
    %dma_start3A_214 = tpu.memref_slice %arg2[%add3A_212, %dma_start3A_213] : memref<128x65536xf32, #tpu.memory_space<hbm>> -> memref<1x8192xf32, #tpu.memory_space<hbm>>
    %dma_start3A_215 = tpu.memref_squeeze %dma_start3A_214 : memref<1x8192xf32, #tpu.memory_space<hbm>> -> memref<8192xf32, #tpu.memory_space<hbm>>
    %dma_start3A_216 = arith.constant 8192 : i32
    %dma_start3A_217 = tpu.memref_slice %arg2[%add3A_212, %dma_start3A_216] : memref<128x65536xf32, #tpu.memory_space<hbm>> -> memref<1x8192xf32, #tpu.memory_space<hbm>>
    %dma_start3A_218 = tpu.memref_squeeze %dma_start3A_217 : memref<1x8192xf32, #tpu.memory_space<hbm>> -> memref<8192xf32, #tpu.memory_space<hbm>>
    tpu.enqueue_dma source(%dma_start3A_218 : memref<8192xf32, #tpu.memory_space<hbm>>) target(%arg5 : memref<8192xf32, #tpu.memory_space<vmem>>) target_semaphore(%arg13 : memref<!tpu.dma_semaphore, #tpu.memory_space<semaphore_mem>>)
    %dma_wait3A_219 = arith.constant 8192 : i32
    %dma_wait3A_220 = tpu.memref_slice %arg2[%add3A_212, %dma_wait3A_219] : memref<128x65536xf32, #tpu.memory_space<hbm>> -> memref<1x8192xf32, #tpu.memory_space<hbm>>
    %dma_wait3A_221 = tpu.memref_squeeze %dma_wait3A_220 : memref<1x8192xf32, #tpu.memory_space<hbm>> -> memref<8192xf32, #tpu.memory_space<hbm>>
    %dma_wait3A_222 = arith.constant 8192 : i32
    %dma_wait3A_223 = tpu.memref_slice %arg2[%add3A_212, %dma_wait3A_222] : memref<128x65536xf32, #tpu.memory_space<hbm>> -> memref<1x8192xf32, #tpu.memory_space<hbm>>
    %dma_wait3A_224 = tpu.memref_squeeze %dma_wait3A_223 : memref<1x8192xf32, #tpu.memory_space<hbm>> -> memref<8192xf32, #tpu.memory_space<hbm>>
    tpu.wait_dma2 semaphore(%arg13 : memref<!tpu.dma_semaphore, #tpu.memory_space<semaphore_mem>>) src(%dma_wait3A_224 : memref<8192xf32, #tpu.memory_space<hbm>>) dst(%arg5 : memref<8192xf32, #tpu.memory_space<vmem>>)
    %add3A_225 = arith.constant 1 : i32
    %add3A_226 = arith.addi %mul3A_2, %add3A_225 : i32
    %dma_start3A_227 = arith.constant 8192 : i32
    %dma_start3A_228 = tpu.memref_slice %arg3[%add3A_226, %dma_start3A_227] : memref<128x65536xf32, #tpu.memory_space<hbm>> -> memref<1x8192xf32, #tpu.memory_space<hbm>>
    %dma_start3A_229 = tpu.memref_squeeze %dma_start3A_228 : memref<1x8192xf32, #tpu.memory_space<hbm>> -> memref<8192xf32, #tpu.memory_space<hbm>>
    %dma_start3A_230 = arith.constant 8192 : i32
    %dma_start3A_231 = tpu.memref_slice %arg3[%add3A_226, %dma_start3A_230] : memref<128x65536xf32, #tpu.memory_space<hbm>> -> memref<1x8192xf32, #tpu.memory_space<hbm>>
    %dma_start3A_232 = tpu.memref_squeeze %dma_start3A_231 : memref<1x8192xf32, #tpu.memory_space<hbm>> -> memref<8192xf32, #tpu.memory_space<hbm>>
    tpu.enqueue_dma source(%arg5 : memref<8192xf32, #tpu.memory_space<vmem>>) target(%dma_start3A_232 : memref<8192xf32, #tpu.memory_space<hbm>>) target_semaphore(%arg21 : memref<!tpu.dma_semaphore, #tpu.memory_space<semaphore_mem>>)
    %dma_wait3A_233 = arith.constant 16384 : i32
    %dma_wait3A_234 = tpu.memref_slice %arg3[%add3A_100, %dma_wait3A_233] : memref<128x65536xf32, #tpu.memory_space<hbm>> -> memref<1x8192xf32, #tpu.memory_space<hbm>>
    %dma_wait3A_235 = tpu.memref_squeeze %dma_wait3A_234 : memref<1x8192xf32, #tpu.memory_space<hbm>> -> memref<8192xf32, #tpu.memory_space<hbm>>
    %dma_wait3A_236 = arith.constant 16384 : i32
    %dma_wait3A_237 = tpu.memref_slice %arg3[%add3A_100, %dma_wait3A_236] : memref<128x65536xf32, #tpu.memory_space<hbm>> -> memref<1x8192xf32, #tpu.memory_space<hbm>>
    %dma_wait3A_238 = tpu.memref_squeeze %dma_wait3A_237 : memref<1x8192xf32, #tpu.memory_space<hbm>> -> memref<8192xf32, #tpu.memory_space<hbm>>
    tpu.wait_dma2 semaphore(%arg22 : memref<!tpu.dma_semaphore, #tpu.memory_space<semaphore_mem>>) src(%arg6 : memref<8192xf32, #tpu.memory_space<vmem>>) dst(%dma_wait3A_238 : memref<8192xf32, #tpu.memory_space<hbm>>)
    %add3A_239 = arith.constant 1 : i32
    %add3A_240 = arith.addi %mul3A_2, %add3A_239 : i32
    %dma_start3A_241 = arith.constant 16384 : i32
    %dma_start3A_242 = tpu.memref_slice %arg2[%add3A_240, %dma_start3A_241] : memref<128x65536xf32, #tpu.memory_space<hbm>> -> memref<1x8192xf32, #tpu.memory_space<hbm>>
    %dma_start3A_243 = tpu.memref_squeeze %dma_start3A_242 : memref<1x8192xf32, #tpu.memory_space<hbm>> -> memref<8192xf32, #tpu.memory_space<hbm>>
    %dma_start3A_244 = arith.constant 16384 : i32
    %dma_start3A_245 = tpu.memref_slice %arg2[%add3A_240, %dma_start3A_244] : memref<128x65536xf32, #tpu.memory_space<hbm>> -> memref<1x8192xf32, #tpu.memory_space<hbm>>
    %dma_start3A_246 = tpu.memref_squeeze %dma_start3A_245 : memref<1x8192xf32, #tpu.memory_space<hbm>> -> memref<8192xf32, #tpu.memory_space<hbm>>
    tpu.enqueue_dma source(%dma_start3A_246 : memref<8192xf32, #tpu.memory_space<hbm>>) target(%arg6 : memref<8192xf32, #tpu.memory_space<vmem>>) target_semaphore(%arg14 : memref<!tpu.dma_semaphore, #tpu.memory_space<semaphore_mem>>)
    %dma_wait3A_247 = arith.constant 16384 : i32
    %dma_wait3A_248 = tpu.memref_slice %arg2[%add3A_240, %dma_wait3A_247] : memref<128x65536xf32, #tpu.memory_space<hbm>> -> memref<1x8192xf32, #tpu.memory_space<hbm>>
    %dma_wait3A_249 = tpu.memref_squeeze %dma_wait3A_248 : memref<1x8192xf32, #tpu.memory_space<hbm>> -> memref<8192xf32, #tpu.memory_space<hbm>>
    %dma_wait3A_250 = arith.constant 16384 : i32
    %dma_wait3A_251 = tpu.memref_slice %arg2[%add3A_240, %dma_wait3A_250] : memref<128x65536xf32, #tpu.memory_space<hbm>> -> memref<1x8192xf32, #tpu.memory_space<hbm>>
    %dma_wait3A_252 = tpu.memref_squeeze %dma_wait3A_251 : memref<1x8192xf32, #tpu.memory_space<hbm>> -> memref<8192xf32, #tpu.memory_space<hbm>>
    tpu.wait_dma2 semaphore(%arg14 : memref<!tpu.dma_semaphore, #tpu.memory_space<semaphore_mem>>) src(%dma_wait3A_252 : memref<8192xf32, #tpu.memory_space<hbm>>) dst(%arg6 : memref<8192xf32, #tpu.memory_space<vmem>>)
    %add3A_253 = arith.constant 1 : i32
    %add3A_254 = arith.addi %mul3A_2, %add3A_253 : i32
    %dma_start3A_255 = arith.constant 16384 : i32
    %dma_start3A_256 = tpu.memref_slice %arg3[%add3A_254, %dma_start3A_255] : memref<128x65536xf32, #tpu.memory_space<hbm>> -> memref<1x8192xf32, #tpu.memory_space<hbm>>
    %dma_start3A_257 = tpu.memref_squeeze %dma_start3A_256 : memref<1x8192xf32, #tpu.memory_space<hbm>> -> memref<8192xf32, #tpu.memory_space<hbm>>
    %dma_start3A_258 = arith.constant 16384 : i32
    %dma_start3A_259 = tpu.memref_slice %arg3[%add3A_254, %dma_start3A_258] : memref<128x65536xf32, #tpu.memory_space<hbm>> -> memref<1x8192xf32, #tpu.memory_space<hbm>>
    %dma_start3A_260 = tpu.memref_squeeze %dma_start3A_259 : memref<1x8192xf32, #tpu.memory_space<hbm>> -> memref<8192xf32, #tpu.memory_space<hbm>>
    tpu.enqueue_dma source(%arg6 : memref<8192xf32, #tpu.memory_space<vmem>>) target(%dma_start3A_260 : memref<8192xf32, #tpu.memory_space<hbm>>) target_semaphore(%arg22 : memref<!tpu.dma_semaphore, #tpu.memory_space<semaphore_mem>>)
    %dma_wait3A_261 = arith.constant 24576 : i32
    %dma_wait3A_262 = tpu.memref_slice %arg3[%add3A_114, %dma_wait3A_261] : memref<128x65536xf32, #tpu.memory_space<hbm>> -> memref<1x8192xf32, #tpu.memory_space<hbm>>
    %dma_wait3A_263 = tpu.memref_squeeze %dma_wait3A_262 : memref<1x8192xf32, #tpu.memory_space<hbm>> -> memref<8192xf32, #tpu.memory_space<hbm>>
    %dma_wait3A_264 = arith.constant 24576 : i32
    %dma_wait3A_265 = tpu.memref_slice %arg3[%add3A_114, %dma_wait3A_264] : memref<128x65536xf32, #tpu.memory_space<hbm>> -> memref<1x8192xf32, #tpu.memory_space<hbm>>
    %dma_wait3A_266 = tpu.memref_squeeze %dma_wait3A_265 : memref<1x8192xf32, #tpu.memory_space<hbm>> -> memref<8192xf32, #tpu.memory_space<hbm>>
    tpu.wait_dma2 semaphore(%arg23 : memref<!tpu.dma_semaphore, #tpu.memory_space<semaphore_mem>>) src(%arg7 : memref<8192xf32, #tpu.memory_space<vmem>>) dst(%dma_wait3A_266 : memref<8192xf32, #tpu.memory_space<hbm>>)
    %add3A_267 = arith.constant 1 : i32
    %add3A_268 = arith.addi %mul3A_2, %add3A_267 : i32
    %dma_start3A_269 = arith.constant 24576 : i32
    %dma_start3A_270 = tpu.memref_slice %arg2[%add3A_268, %dma_start3A_269] : memref<128x65536xf32, #tpu.memory_space<hbm>> -> memref<1x8192xf32, #tpu.memory_space<hbm>>
    %dma_start3A_271 = tpu.memref_squeeze %dma_start3A_270 : memref<1x8192xf32, #tpu.memory_space<hbm>> -> memref<8192xf32, #tpu.memory_space<hbm>>
    %dma_start3A_272 = arith.constant 24576 : i32
    %dma_start3A_273 = tpu.memref_slice %arg2[%add3A_268, %dma_start3A_272] : memref<128x65536xf32, #tpu.memory_space<hbm>> -> memref<1x8192xf32, #tpu.memory_space<hbm>>
    %dma_start3A_274 = tpu.memref_squeeze %dma_start3A_273 : memref<1x8192xf32, #tpu.memory_space<hbm>> -> memref<8192xf32, #tpu.memory_space<hbm>>
    tpu.enqueue_dma source(%dma_start3A_274 : memref<8192xf32, #tpu.memory_space<hbm>>) target(%arg7 : memref<8192xf32, #tpu.memory_space<vmem>>) target_semaphore(%arg15 : memref<!tpu.dma_semaphore, #tpu.memory_space<semaphore_mem>>)
    %dma_wait3A_275 = arith.constant 24576 : i32
    %dma_wait3A_276 = tpu.memref_slice %arg2[%add3A_268, %dma_wait3A_275] : memref<128x65536xf32, #tpu.memory_space<hbm>> -> memref<1x8192xf32, #tpu.memory_space<hbm>>
    %dma_wait3A_277 = tpu.memref_squeeze %dma_wait3A_276 : memref<1x8192xf32, #tpu.memory_space<hbm>> -> memref<8192xf32, #tpu.memory_space<hbm>>
    %dma_wait3A_278 = arith.constant 24576 : i32
    %dma_wait3A_279 = tpu.memref_slice %arg2[%add3A_268, %dma_wait3A_278] : memref<128x65536xf32, #tpu.memory_space<hbm>> -> memref<1x8192xf32, #tpu.memory_space<hbm>>
    %dma_wait3A_280 = tpu.memref_squeeze %dma_wait3A_279 : memref<1x8192xf32, #tpu.memory_space<hbm>> -> memref<8192xf32, #tpu.memory_space<hbm>>
    tpu.wait_dma2 semaphore(%arg15 : memref<!tpu.dma_semaphore, #tpu.memory_space<semaphore_mem>>) src(%dma_wait3A_280 : memref<8192xf32, #tpu.memory_space<hbm>>) dst(%arg7 : memref<8192xf32, #tpu.memory_space<vmem>>)
    %add3A_281 = arith.constant 1 : i32
    %add3A_282 = arith.addi %mul3A_2, %add3A_281 : i32
    %dma_start3A_283 = arith.constant 24576 : i32
    %dma_start3A_284 = tpu.memref_slice %arg3[%add3A_282, %dma_start3A_283] : memref<128x65536xf32, #tpu.memory_space<hbm>> -> memref<1x8192xf32, #tpu.memory_space<hbm>>
    %dma_start3A_285 = tpu.memref_squeeze %dma_start3A_284 : memref<1x8192xf32, #tpu.memory_space<hbm>> -> memref<8192xf32, #tpu.memory_space<hbm>>
    %dma_start3A_286 = arith.constant 24576 : i32
    %dma_start3A_287 = tpu.memref_slice %arg3[%add3A_282, %dma_start3A_286] : memref<128x65536xf32, #tpu.memory_space<hbm>> -> memref<1x8192xf32, #tpu.memory_space<hbm>>
    %dma_start3A_288 = tpu.memref_squeeze %dma_start3A_287 : memref<1x8192xf32, #tpu.memory_space<hbm>> -> memref<8192xf32, #tpu.memory_space<hbm>>
    tpu.enqueue_dma source(%arg7 : memref<8192xf32, #tpu.memory_space<vmem>>) target(%dma_start3A_288 : memref<8192xf32, #tpu.memory_space<hbm>>) target_semaphore(%arg23 : memref<!tpu.dma_semaphore, #tpu.memory_space<semaphore_mem>>)
    %dma_wait3A_289 = arith.constant 32768 : i32
    %dma_wait3A_290 = tpu.memref_slice %arg3[%add3A_128, %dma_wait3A_289] : memref<128x65536xf32, #tpu.memory_space<hbm>> -> memref<1x8192xf32, #tpu.memory_space<hbm>>
    %dma_wait3A_291 = tpu.memref_squeeze %dma_wait3A_290 : memref<1x8192xf32, #tpu.memory_space<hbm>> -> memref<8192xf32, #tpu.memory_space<hbm>>
    %dma_wait3A_292 = arith.constant 32768 : i32
    %dma_wait3A_293 = tpu.memref_slice %arg3[%add3A_128, %dma_wait3A_292] : memref<128x65536xf32, #tpu.memory_space<hbm>> -> memref<1x8192xf32, #tpu.memory_space<hbm>>
    %dma_wait3A_294 = tpu.memref_squeeze %dma_wait3A_293 : memref<1x8192xf32, #tpu.memory_space<hbm>> -> memref<8192xf32, #tpu.memory_space<hbm>>
    tpu.wait_dma2 semaphore(%arg24 : memref<!tpu.dma_semaphore, #tpu.memory_space<semaphore_mem>>) src(%arg8 : memref<8192xf32, #tpu.memory_space<vmem>>) dst(%dma_wait3A_294 : memref<8192xf32, #tpu.memory_space<hbm>>)
    %add3A_295 = arith.constant 1 : i32
    %add3A_296 = arith.addi %mul3A_2, %add3A_295 : i32
    %dma_start3A_297 = arith.constant 32768 : i32
    %dma_start3A_298 = tpu.memref_slice %arg2[%add3A_296, %dma_start3A_297] : memref<128x65536xf32, #tpu.memory_space<hbm>> -> memref<1x8192xf32, #tpu.memory_space<hbm>>
    %dma_start3A_299 = tpu.memref_squeeze %dma_start3A_298 : memref<1x8192xf32, #tpu.memory_space<hbm>> -> memref<8192xf32, #tpu.memory_space<hbm>>
    %dma_start3A_300 = arith.constant 32768 : i32
    %dma_start3A_301 = tpu.memref_slice %arg2[%add3A_296, %dma_start3A_300] : memref<128x65536xf32, #tpu.memory_space<hbm>> -> memref<1x8192xf32, #tpu.memory_space<hbm>>
    %dma_start3A_302 = tpu.memref_squeeze %dma_start3A_301 : memref<1x8192xf32, #tpu.memory_space<hbm>> -> memref<8192xf32, #tpu.memory_space<hbm>>
    tpu.enqueue_dma source(%dma_start3A_302 : memref<8192xf32, #tpu.memory_space<hbm>>) target(%arg8 : memref<8192xf32, #tpu.memory_space<vmem>>) target_semaphore(%arg16 : memref<!tpu.dma_semaphore, #tpu.memory_space<semaphore_mem>>)
    %dma_wait3A_303 = arith.constant 32768 : i32
    %dma_wait3A_304 = tpu.memref_slice %arg2[%add3A_296, %dma_wait3A_303] : memref<128x65536xf32, #tpu.memory_space<hbm>> -> memref<1x8192xf32, #tpu.memory_space<hbm>>
    %dma_wait3A_305 = tpu.memref_squeeze %dma_wait3A_304 : memref<1x8192xf32, #tpu.memory_space<hbm>> -> memref<8192xf32, #tpu.memory_space<hbm>>
    %dma_wait3A_306 = arith.constant 32768 : i32
    %dma_wait3A_307 = tpu.memref_slice %arg2[%add3A_296, %dma_wait3A_306] : memref<128x65536xf32, #tpu.memory_space<hbm>> -> memref<1x8192xf32, #tpu.memory_space<hbm>>
    %dma_wait3A_308 = tpu.memref_squeeze %dma_wait3A_307 : memref<1x8192xf32, #tpu.memory_space<hbm>> -> memref<8192xf32, #tpu.memory_space<hbm>>
    tpu.wait_dma2 semaphore(%arg16 : memref<!tpu.dma_semaphore, #tpu.memory_space<semaphore_mem>>) src(%dma_wait3A_308 : memref<8192xf32, #tpu.memory_space<hbm>>) dst(%arg8 : memref<8192xf32, #tpu.memory_space<vmem>>)
    %add3A_309 = arith.constant 1 : i32
    %add3A_310 = arith.addi %mul3A_2, %add3A_309 : i32
    %dma_start3A_311 = arith.constant 32768 : i32
    %dma_start3A_312 = tpu.memref_slice %arg3[%add3A_310, %dma_start3A_311] : memref<128x65536xf32, #tpu.memory_space<hbm>> -> memref<1x8192xf32, #tpu.memory_space<hbm>>
    %dma_start3A_313 = tpu.memref_squeeze %dma_start3A_312 : memref<1x8192xf32, #tpu.memory_space<hbm>> -> memref<8192xf32, #tpu.memory_space<hbm>>
    %dma_start3A_314 = arith.constant 32768 : i32
    %dma_start3A_315 = tpu.memref_slice %arg3[%add3A_310, %dma_start3A_314] : memref<128x65536xf32, #tpu.memory_space<hbm>> -> memref<1x8192xf32, #tpu.memory_space<hbm>>
    %dma_start3A_316 = tpu.memref_squeeze %dma_start3A_315 : memref<1x8192xf32, #tpu.memory_space<hbm>> -> memref<8192xf32, #tpu.memory_space<hbm>>
    tpu.enqueue_dma source(%arg8 : memref<8192xf32, #tpu.memory_space<vmem>>) target(%dma_start3A_316 : memref<8192xf32, #tpu.memory_space<hbm>>) target_semaphore(%arg24 : memref<!tpu.dma_semaphore, #tpu.memory_space<semaphore_mem>>)
    %dma_wait3A_317 = arith.constant 40960 : i32
    %dma_wait3A_318 = tpu.memref_slice %arg3[%add3A_142, %dma_wait3A_317] : memref<128x65536xf32, #tpu.memory_space<hbm>> -> memref<1x8192xf32, #tpu.memory_space<hbm>>
    %dma_wait3A_319 = tpu.memref_squeeze %dma_wait3A_318 : memref<1x8192xf32, #tpu.memory_space<hbm>> -> memref<8192xf32, #tpu.memory_space<hbm>>
    %dma_wait3A_320 = arith.constant 40960 : i32
    %dma_wait3A_321 = tpu.memref_slice %arg3[%add3A_142, %dma_wait3A_320] : memref<128x65536xf32, #tpu.memory_space<hbm>> -> memref<1x8192xf32, #tpu.memory_space<hbm>>
    %dma_wait3A_322 = tpu.memref_squeeze %dma_wait3A_321 : memref<1x8192xf32, #tpu.memory_space<hbm>> -> memref<8192xf32, #tpu.memory_space<hbm>>
    tpu.wait_dma2 semaphore(%arg25 : memref<!tpu.dma_semaphore, #tpu.memory_space<semaphore_mem>>) src(%arg9 : memref<8192xf32, #tpu.memory_space<vmem>>) dst(%dma_wait3A_322 : memref<8192xf32, #tpu.memory_space<hbm>>)
    %add3A_323 = arith.constant 1 : i32
    %add3A_324 = arith.addi %mul3A_2, %add3A_323 : i32
    %dma_start3A_325 = arith.constant 40960 : i32
    %dma_start3A_326 = tpu.memref_slice %arg2[%add3A_324, %dma_start3A_325] : memref<128x65536xf32, #tpu.memory_space<hbm>> -> memref<1x8192xf32, #tpu.memory_space<hbm>>
    %dma_start3A_327 = tpu.memref_squeeze %dma_start3A_326 : memref<1x8192xf32, #tpu.memory_space<hbm>> -> memref<8192xf32, #tpu.memory_space<hbm>>
    %dma_start3A_328 = arith.constant 40960 : i32
    %dma_start3A_329 = tpu.memref_slice %arg2[%add3A_324, %dma_start3A_328] : memref<128x65536xf32, #tpu.memory_space<hbm>> -> memref<1x8192xf32, #tpu.memory_space<hbm>>
    %dma_start3A_330 = tpu.memref_squeeze %dma_start3A_329 : memref<1x8192xf32, #tpu.memory_space<hbm>> -> memref<8192xf32, #tpu.memory_space<hbm>>
    tpu.enqueue_dma source(%dma_start3A_330 : memref<8192xf32, #tpu.memory_space<hbm>>) target(%arg9 : memref<8192xf32, #tpu.memory_space<vmem>>) target_semaphore(%arg17 : memref<!tpu.dma_semaphore, #tpu.memory_space<semaphore_mem>>)
    %dma_wait3A_331 = arith.constant 40960 : i32
    %dma_wait3A_332 = tpu.memref_slice %arg2[%add3A_324, %dma_wait3A_331] : memref<128x65536xf32, #tpu.memory_space<hbm>> -> memref<1x8192xf32, #tpu.memory_space<hbm>>
    %dma_wait3A_333 = tpu.memref_squeeze %dma_wait3A_332 : memref<1x8192xf32, #tpu.memory_space<hbm>> -> memref<8192xf32, #tpu.memory_space<hbm>>
    %dma_wait3A_334 = arith.constant 40960 : i32
    %dma_wait3A_335 = tpu.memref_slice %arg2[%add3A_324, %dma_wait3A_334] : memref<128x65536xf32, #tpu.memory_space<hbm>> -> memref<1x8192xf32, #tpu.memory_space<hbm>>
    %dma_wait3A_336 = tpu.memref_squeeze %dma_wait3A_335 : memref<1x8192xf32, #tpu.memory_space<hbm>> -> memref<8192xf32, #tpu.memory_space<hbm>>
    tpu.wait_dma2 semaphore(%arg17 : memref<!tpu.dma_semaphore, #tpu.memory_space<semaphore_mem>>) src(%dma_wait3A_336 : memref<8192xf32, #tpu.memory_space<hbm>>) dst(%arg9 : memref<8192xf32, #tpu.memory_space<vmem>>)
    %add3A_337 = arith.constant 1 : i32
    %add3A_338 = arith.addi %mul3A_2, %add3A_337 : i32
    %dma_start3A_339 = arith.constant 40960 : i32
    %dma_start3A_340 = tpu.memref_slice %arg3[%add3A_338, %dma_start3A_339] : memref<128x65536xf32, #tpu.memory_space<hbm>> -> memref<1x8192xf32, #tpu.memory_space<hbm>>
    %dma_start3A_341 = tpu.memref_squeeze %dma_start3A_340 : memref<1x8192xf32, #tpu.memory_space<hbm>> -> memref<8192xf32, #tpu.memory_space<hbm>>
    %dma_start3A_342 = arith.constant 40960 : i32
    %dma_start3A_343 = tpu.memref_slice %arg3[%add3A_338, %dma_start3A_342] : memref<128x65536xf32, #tpu.memory_space<hbm>> -> memref<1x8192xf32, #tpu.memory_space<hbm>>
    %dma_start3A_344 = tpu.memref_squeeze %dma_start3A_343 : memref<1x8192xf32, #tpu.memory_space<hbm>> -> memref<8192xf32, #tpu.memory_space<hbm>>
    tpu.enqueue_dma source(%arg9 : memref<8192xf32, #tpu.memory_space<vmem>>) target(%dma_start3A_344 : memref<8192xf32, #tpu.memory_space<hbm>>) target_semaphore(%arg25 : memref<!tpu.dma_semaphore, #tpu.memory_space<semaphore_mem>>)
    %dma_wait3A_345 = arith.constant 49152 : i32
    %dma_wait3A_346 = tpu.memref_slice %arg3[%add3A_156, %dma_wait3A_345] : memref<128x65536xf32, #tpu.memory_space<hbm>> -> memref<1x8192xf32, #tpu.memory_space<hbm>>
    %dma_wait3A_347 = tpu.memref_squeeze %dma_wait3A_346 : memref<1x8192xf32, #tpu.memory_space<hbm>> -> memref<8192xf32, #tpu.memory_space<hbm>>
    %dma_wait3A_348 = arith.constant 49152 : i32
    %dma_wait3A_349 = tpu.memref_slice %arg3[%add3A_156, %dma_wait3A_348] : memref<128x65536xf32, #tpu.memory_space<hbm>> -> memref<1x8192xf32, #tpu.memory_space<hbm>>
    %dma_wait3A_350 = tpu.memref_squeeze %dma_wait3A_349 : memref<1x8192xf32, #tpu.memory_space<hbm>> -> memref<8192xf32, #tpu.memory_space<hbm>>
    tpu.wait_dma2 semaphore(%arg26 : memref<!tpu.dma_semaphore, #tpu.memory_space<semaphore_mem>>) src(%arg10 : memref<8192xf32, #tpu.memory_space<vmem>>) dst(%dma_wait3A_350 : memref<8192xf32, #tpu.memory_space<hbm>>)
    %add3A_351 = arith.constant 1 : i32
    %add3A_352 = arith.addi %mul3A_2, %add3A_351 : i32
    %dma_start3A_353 = arith.constant 49152 : i32
    %dma_start3A_354 = tpu.memref_slice %arg2[%add3A_352, %dma_start3A_353] : memref<128x65536xf32, #tpu.memory_space<hbm>> -> memref<1x8192xf32, #tpu.memory_space<hbm>>
    %dma_start3A_355 = tpu.memref_squeeze %dma_start3A_354 : memref<1x8192xf32, #tpu.memory_space<hbm>> -> memref<8192xf32, #tpu.memory_space<hbm>>
    %dma_start3A_356 = arith.constant 49152 : i32
    %dma_start3A_357 = tpu.memref_slice %arg2[%add3A_352, %dma_start3A_356] : memref<128x65536xf32, #tpu.memory_space<hbm>> -> memref<1x8192xf32, #tpu.memory_space<hbm>>
    %dma_start3A_358 = tpu.memref_squeeze %dma_start3A_357 : memref<1x8192xf32, #tpu.memory_space<hbm>> -> memref<8192xf32, #tpu.memory_space<hbm>>
    tpu.enqueue_dma source(%dma_start3A_358 : memref<8192xf32, #tpu.memory_space<hbm>>) target(%arg10 : memref<8192xf32, #tpu.memory_space<vmem>>) target_semaphore(%arg18 : memref<!tpu.dma_semaphore, #tpu.memory_space<semaphore_mem>>)
    %dma_wait3A_359 = arith.constant 49152 : i32
    %dma_wait3A_360 = tpu.memref_slice %arg2[%add3A_352, %dma_wait3A_359] : memref<128x65536xf32, #tpu.memory_space<hbm>> -> memref<1x8192xf32, #tpu.memory_space<hbm>>
    %dma_wait3A_361 = tpu.memref_squeeze %dma_wait3A_360 : memref<1x8192xf32, #tpu.memory_space<hbm>> -> memref<8192xf32, #tpu.memory_space<hbm>>
    %dma_wait3A_362 = arith.constant 49152 : i32
    %dma_wait3A_363 = tpu.memref_slice %arg2[%add3A_352, %dma_wait3A_362] : memref<128x65536xf32, #tpu.memory_space<hbm>> -> memref<1x8192xf32, #tpu.memory_space<hbm>>
    %dma_wait3A_364 = tpu.memref_squeeze %dma_wait3A_363 : memref<1x8192xf32, #tpu.memory_space<hbm>> -> memref<8192xf32, #tpu.memory_space<hbm>>
    tpu.wait_dma2 semaphore(%arg18 : memref<!tpu.dma_semaphore, #tpu.memory_space<semaphore_mem>>) src(%dma_wait3A_364 : memref<8192xf32, #tpu.memory_space<hbm>>) dst(%arg10 : memref<8192xf32, #tpu.memory_space<vmem>>)
    %add3A_365 = arith.constant 1 : i32
    %add3A_366 = arith.addi %mul3A_2, %add3A_365 : i32
    %dma_start3A_367 = arith.constant 49152 : i32
    %dma_start3A_368 = tpu.memref_slice %arg3[%add3A_366, %dma_start3A_367] : memref<128x65536xf32, #tpu.memory_space<hbm>> -> memref<1x8192xf32, #tpu.memory_space<hbm>>
    %dma_start3A_369 = tpu.memref_squeeze %dma_start3A_368 : memref<1x8192xf32, #tpu.memory_space<hbm>> -> memref<8192xf32, #tpu.memory_space<hbm>>
    %dma_start3A_370 = arith.constant 49152 : i32
    %dma_start3A_371 = tpu.memref_slice %arg3[%add3A_366, %dma_start3A_370] : memref<128x65536xf32, #tpu.memory_space<hbm>> -> memref<1x8192xf32, #tpu.memory_space<hbm>>
    %dma_start3A_372 = tpu.memref_squeeze %dma_start3A_371 : memref<1x8192xf32, #tpu.memory_space<hbm>> -> memref<8192xf32, #tpu.memory_space<hbm>>
    tpu.enqueue_dma source(%arg10 : memref<8192xf32, #tpu.memory_space<vmem>>) target(%dma_start3A_372 : memref<8192xf32, #tpu.memory_space<hbm>>) target_semaphore(%arg26 : memref<!tpu.dma_semaphore, #tpu.memory_space<semaphore_mem>>)
    %dma_wait3A_373 = arith.constant 57344 : i32
    %dma_wait3A_374 = tpu.memref_slice %arg3[%add3A_170, %dma_wait3A_373] : memref<128x65536xf32, #tpu.memory_space<hbm>> -> memref<1x8192xf32, #tpu.memory_space<hbm>>
    %dma_wait3A_375 = tpu.memref_squeeze %dma_wait3A_374 : memref<1x8192xf32, #tpu.memory_space<hbm>> -> memref<8192xf32, #tpu.memory_space<hbm>>
    %dma_wait3A_376 = arith.constant 57344 : i32
    %dma_wait3A_377 = tpu.memref_slice %arg3[%add3A_170, %dma_wait3A_376] : memref<128x65536xf32, #tpu.memory_space<hbm>> -> memref<1x8192xf32, #tpu.memory_space<hbm>>
    %dma_wait3A_378 = tpu.memref_squeeze %dma_wait3A_377 : memref<1x8192xf32, #tpu.memory_space<hbm>> -> memref<8192xf32, #tpu.memory_space<hbm>>
    tpu.wait_dma2 semaphore(%arg27 : memref<!tpu.dma_semaphore, #tpu.memory_space<semaphore_mem>>) src(%arg11 : memref<8192xf32, #tpu.memory_space<vmem>>) dst(%dma_wait3A_378 : memref<8192xf32, #tpu.memory_space<hbm>>)
    %add3A_379 = arith.constant 1 : i32
    %add3A_380 = arith.addi %mul3A_2, %add3A_379 : i32
    %dma_start3A_381 = arith.constant 57344 : i32
    %dma_start3A_382 = tpu.memref_slice %arg2[%add3A_380, %dma_start3A_381] : memref<128x65536xf32, #tpu.memory_space<hbm>> -> memref<1x8192xf32, #tpu.memory_space<hbm>>
    %dma_start3A_383 = tpu.memref_squeeze %dma_start3A_382 : memref<1x8192xf32, #tpu.memory_space<hbm>> -> memref<8192xf32, #tpu.memory_space<hbm>>
    %dma_start3A_384 = arith.constant 57344 : i32
    %dma_start3A_385 = tpu.memref_slice %arg2[%add3A_380, %dma_start3A_384] : memref<128x65536xf32, #tpu.memory_space<hbm>> -> memref<1x8192xf32, #tpu.memory_space<hbm>>
    %dma_start3A_386 = tpu.memref_squeeze %dma_start3A_385 : memref<1x8192xf32, #tpu.memory_space<hbm>> -> memref<8192xf32, #tpu.memory_space<hbm>>
    tpu.enqueue_dma source(%dma_start3A_386 : memref<8192xf32, #tpu.memory_space<hbm>>) target(%arg11 : memref<8192xf32, #tpu.memory_space<vmem>>) target_semaphore(%arg19 : memref<!tpu.dma_semaphore, #tpu.memory_space<semaphore_mem>>)
    %dma_wait3A_387 = arith.constant 57344 : i32
    %dma_wait3A_388 = tpu.memref_slice %arg2[%add3A_380, %dma_wait3A_387] : memref<128x65536xf32, #tpu.memory_space<hbm>> -> memref<1x8192xf32, #tpu.memory_space<hbm>>
    %dma_wait3A_389 = tpu.memref_squeeze %dma_wait3A_388 : memref<1x8192xf32, #tpu.memory_space<hbm>> -> memref<8192xf32, #tpu.memory_space<hbm>>
    %dma_wait3A_390 = arith.constant 57344 : i32
    %dma_wait3A_391 = tpu.memref_slice %arg2[%add3A_380, %dma_wait3A_390] : memref<128x65536xf32, #tpu.memory_space<hbm>> -> memref<1x8192xf32, #tpu.memory_space<hbm>>
    %dma_wait3A_392 = tpu.memref_squeeze %dma_wait3A_391 : memref<1x8192xf32, #tpu.memory_space<hbm>> -> memref<8192xf32, #tpu.memory_space<hbm>>
    tpu.wait_dma2 semaphore(%arg19 : memref<!tpu.dma_semaphore, #tpu.memory_space<semaphore_mem>>) src(%dma_wait3A_392 : memref<8192xf32, #tpu.memory_space<hbm>>) dst(%arg11 : memref<8192xf32, #tpu.memory_space<vmem>>)
    %add3A_393 = arith.constant 1 : i32
    %add3A_394 = arith.addi %mul3A_2, %add3A_393 : i32
    %dma_start3A_395 = arith.constant 57344 : i32
    %dma_start3A_396 = tpu.memref_slice %arg3[%add3A_394, %dma_start3A_395] : memref<128x65536xf32, #tpu.memory_space<hbm>> -> memref<1x8192xf32, #tpu.memory_space<hbm>>
    %dma_start3A_397 = tpu.memref_squeeze %dma_start3A_396 : memref<1x8192xf32, #tpu.memory_space<hbm>> -> memref<8192xf32, #tpu.memory_space<hbm>>
    %dma_start3A_398 = arith.constant 57344 : i32
    %dma_start3A_399 = tpu.memref_slice %arg3[%add3A_394, %dma_start3A_398] : memref<128x65536xf32, #tpu.memory_space<hbm>> -> memref<1x8192xf32, #tpu.memory_space<hbm>>
    %dma_start3A_400 = tpu.memref_squeeze %dma_start3A_399 : memref<1x8192xf32, #tpu.memory_space<hbm>> -> memref<8192xf32, #tpu.memory_space<hbm>>
    tpu.enqueue_dma source(%arg11 : memref<8192xf32, #tpu.memory_space<vmem>>) target(%dma_start3A_400 : memref<8192xf32, #tpu.memory_space<hbm>>) target_semaphore(%arg27 : memref<!tpu.dma_semaphore, #tpu.memory_space<semaphore_mem>>)
    %dma_wait3A_401 = arith.constant 0 : i32
    %dma_wait3A_402 = tpu.memref_slice %arg3[%add3A_198, %dma_wait3A_401] : memref<128x65536xf32, #tpu.memory_space<hbm>> -> memref<1x8192xf32, #tpu.memory_space<hbm>>
    %dma_wait3A_403 = tpu.memref_squeeze %dma_wait3A_402 : memref<1x8192xf32, #tpu.memory_space<hbm>> -> memref<8192xf32, #tpu.memory_space<hbm>>
    %dma_wait3A_404 = arith.constant 0 : i32
    %dma_wait3A_405 = tpu.memref_slice %arg3[%add3A_198, %dma_wait3A_404] : memref<128x65536xf32, #tpu.memory_space<hbm>> -> memref<1x8192xf32, #tpu.memory_space<hbm>>
    %dma_wait3A_406 = tpu.memref_squeeze %dma_wait3A_405 : memref<1x8192xf32, #tpu.memory_space<hbm>> -> memref<8192xf32, #tpu.memory_space<hbm>>
    tpu.wait_dma2 semaphore(%arg20 : memref<!tpu.dma_semaphore, #tpu.memory_space<semaphore_mem>>) src(%arg4 : memref<8192xf32, #tpu.memory_space<vmem>>) dst(%dma_wait3A_406 : memref<8192xf32, #tpu.memory_space<hbm>>)
    %add3A_407 = arith.constant 2 : i32
    %add3A_408 = arith.addi %mul3A_2, %add3A_407 : i32
    %dma_start3A_409 = arith.constant 0 : i32
    %dma_start3A_410 = tpu.memref_slice %arg2[%add3A_408, %dma_start3A_409] : memref<128x65536xf32, #tpu.memory_space<hbm>> -> memref<1x8192xf32, #tpu.memory_space<hbm>>
    %dma_start3A_411 = tpu.memref_squeeze %dma_start3A_410 : memref<1x8192xf32, #tpu.memory_space<hbm>> -> memref<8192xf32, #tpu.memory_space<hbm>>
    %dma_start3A_412 = arith.constant 0 : i32
    %dma_start3A_413 = tpu.memref_slice %arg2[%add3A_408, %dma_start3A_412] : memref<128x65536xf32, #tpu.memory_space<hbm>> -> memref<1x8192xf32, #tpu.memory_space<hbm>>
    %dma_start3A_414 = tpu.memref_squeeze %dma_start3A_413 : memref<1x8192xf32, #tpu.memory_space<hbm>> -> memref<8192xf32, #tpu.memory_space<hbm>>
    tpu.enqueue_dma source(%dma_start3A_414 : memref<8192xf32, #tpu.memory_space<hbm>>) target(%arg4 : memref<8192xf32, #tpu.memory_space<vmem>>) target_semaphore(%arg12 : memref<!tpu.dma_semaphore, #tpu.memory_space<semaphore_mem>>)
    %dma_wait3A_415 = arith.constant 0 : i32
    %dma_wait3A_416 = tpu.memref_slice %arg2[%add3A_408, %dma_wait3A_415] : memref<128x65536xf32, #tpu.memory_space<hbm>> -> memref<1x8192xf32, #tpu.memory_space<hbm>>
    %dma_wait3A_417 = tpu.memref_squeeze %dma_wait3A_416 : memref<1x8192xf32, #tpu.memory_space<hbm>> -> memref<8192xf32, #tpu.memory_space<hbm>>
    %dma_wait3A_418 = arith.constant 0 : i32
    %dma_wait3A_419 = tpu.memref_slice %arg2[%add3A_408, %dma_wait3A_418] : memref<128x65536xf32, #tpu.memory_space<hbm>> -> memref<1x8192xf32, #tpu.memory_space<hbm>>
    %dma_wait3A_420 = tpu.memref_squeeze %dma_wait3A_419 : memref<1x8192xf32, #tpu.memory_space<hbm>> -> memref<8192xf32, #tpu.memory_space<hbm>>
    tpu.wait_dma2 semaphore(%arg12 : memref<!tpu.dma_semaphore, #tpu.memory_space<semaphore_mem>>) src(%dma_wait3A_420 : memref<8192xf32, #tpu.memory_space<hbm>>) dst(%arg4 : memref<8192xf32, #tpu.memory_space<vmem>>)
    %add3A_421 = arith.constant 2 : i32
    %add3A_422 = arith.addi %mul3A_2, %add3A_421 : i32
    %dma_start3A_423 = arith.constant 0 : i32
    %dma_start3A_424 = tpu.memref_slice %arg3[%add3A_422, %dma_start3A_423] : memref<128x65536xf32, #tpu.memory_space<hbm>> -> memref<1x8192xf32, #tpu.memory_space<hbm>>
    %dma_start3A_425 = tpu.memref_squeeze %dma_start3A_424 : memref<1x8192xf32, #tpu.memory_space<hbm>> -> memref<8192xf32, #tpu.memory_space<hbm>>
    %dma_start3A_426 = arith.constant 0 : i32
    %dma_start3A_427 = tpu.memref_slice %arg3[%add3A_422, %dma_start3A_426] : memref<128x65536xf32, #tpu.memory_space<hbm>> -> memref<1x8192xf32, #tpu.memory_space<hbm>>
    %dma_start3A_428 = tpu.memref_squeeze %dma_start3A_427 : memref<1x8192xf32, #tpu.memory_space<hbm>> -> memref<8192xf32, #tpu.memory_space<hbm>>
    tpu.enqueue_dma source(%arg4 : memref<8192xf32, #tpu.memory_space<vmem>>) target(%dma_start3A_428 : memref<8192xf32, #tpu.memory_space<hbm>>) target_semaphore(%arg20 : memref<!tpu.dma_semaphore, #tpu.memory_space<semaphore_mem>>)
    %dma_wait3A_429 = arith.constant 8192 : i32
    %dma_wait3A_430 = tpu.memref_slice %arg3[%add3A_226, %dma_wait3A_429] : memref<128x65536xf32, #tpu.memory_space<hbm>> -> memref<1x8192xf32, #tpu.memory_space<hbm>>
    %dma_wait3A_431 = tpu.memref_squeeze %dma_wait3A_430 : memref<1x8192xf32, #tpu.memory_space<hbm>> -> memref<8192xf32, #tpu.memory_space<hbm>>
    %dma_wait3A_432 = arith.constant 8192 : i32
    %dma_wait3A_433 = tpu.memref_slice %arg3[%add3A_226, %dma_wait3A_432] : memref<128x65536xf32, #tpu.memory_space<hbm>> -> memref<1x8192xf32, #tpu.memory_space<hbm>>
    %dma_wait3A_434 = tpu.memref_squeeze %dma_wait3A_433 : memref<1x8192xf32, #tpu.memory_space<hbm>> -> memref<8192xf32, #tpu.memory_space<hbm>>
    tpu.wait_dma2 semaphore(%arg21 : memref<!tpu.dma_semaphore, #tpu.memory_space<semaphore_mem>>) src(%arg5 : memref<8192xf32, #tpu.memory_space<vmem>>) dst(%dma_wait3A_434 : memref<8192xf32, #tpu.memory_space<hbm>>)
    %add3A_435 = arith.constant 2 : i32
    %add3A_436 = arith.addi %mul3A_2, %add3A_435 : i32
    %dma_start3A_437 = arith.constant 8192 : i32
    %dma_start3A_438 = tpu.memref_slice %arg2[%add3A_436, %dma_start3A_437] : memref<128x65536xf32, #tpu.memory_space<hbm>> -> memref<1x8192xf32, #tpu.memory_space<hbm>>
    %dma_start3A_439 = tpu.memref_squeeze %dma_start3A_438 : memref<1x8192xf32, #tpu.memory_space<hbm>> -> memref<8192xf32, #tpu.memory_space<hbm>>
    %dma_start3A_440 = arith.constant 8192 : i32
    %dma_start3A_441 = tpu.memref_slice %arg2[%add3A_436, %dma_start3A_440] : memref<128x65536xf32, #tpu.memory_space<hbm>> -> memref<1x8192xf32, #tpu.memory_space<hbm>>
    %dma_start3A_442 = tpu.memref_squeeze %dma_start3A_441 : memref<1x8192xf32, #tpu.memory_space<hbm>> -> memref<8192xf32, #tpu.memory_space<hbm>>
    tpu.enqueue_dma source(%dma_start3A_442 : memref<8192xf32, #tpu.memory_space<hbm>>) target(%arg5 : memref<8192xf32, #tpu.memory_space<vmem>>) target_semaphore(%arg13 : memref<!tpu.dma_semaphore, #tpu.memory_space<semaphore_mem>>)
    %dma_wait3A_443 = arith.constant 8192 : i32
    %dma_wait3A_444 = tpu.memref_slice %arg2[%add3A_436, %dma_wait3A_443] : memref<128x65536xf32, #tpu.memory_space<hbm>> -> memref<1x8192xf32, #tpu.memory_space<hbm>>
    %dma_wait3A_445 = tpu.memref_squeeze %dma_wait3A_444 : memref<1x8192xf32, #tpu.memory_space<hbm>> -> memref<8192xf32, #tpu.memory_space<hbm>>
    %dma_wait3A_446 = arith.constant 8192 : i32
    %dma_wait3A_447 = tpu.memref_slice %arg2[%add3A_436, %dma_wait3A_446] : memref<128x65536xf32, #tpu.memory_space<hbm>> -> memref<1x8192xf32, #tpu.memory_space<hbm>>
    %dma_wait3A_448 = tpu.memref_squeeze %dma_wait3A_447 : memref<1x8192xf32, #tpu.memory_space<hbm>> -> memref<8192xf32, #tpu.memory_space<hbm>>
    tpu.wait_dma2 semaphore(%arg13 : memref<!tpu.dma_semaphore, #tpu.memory_space<semaphore_mem>>) src(%dma_wait3A_448 : memref<8192xf32, #tpu.memory_space<hbm>>) dst(%arg5 : memref<8192xf32, #tpu.memory_space<vmem>>)
    %add3A_449 = arith.constant 2 : i32
    %add3A_450 = arith.addi %mul3A_2, %add3A_449 : i32
    %dma_start3A_451 = arith.constant 8192 : i32
    %dma_start3A_452 = tpu.memref_slice %arg3[%add3A_450, %dma_start3A_451] : memref<128x65536xf32, #tpu.memory_space<hbm>> -> memref<1x8192xf32, #tpu.memory_space<hbm>>
    %dma_start3A_453 = tpu.memref_squeeze %dma_start3A_452 : memref<1x8192xf32, #tpu.memory_space<hbm>> -> memref<8192xf32, #tpu.memory_space<hbm>>
    %dma_start3A_454 = arith.constant 8192 : i32
    %dma_start3A_455 = tpu.memref_slice %arg3[%add3A_450, %dma_start3A_454] : memref<128x65536xf32, #tpu.memory_space<hbm>> -> memref<1x8192xf32, #tpu.memory_space<hbm>>
    %dma_start3A_456 = tpu.memref_squeeze %dma_start3A_455 : memref<1x8192xf32, #tpu.memory_space<hbm>> -> memref<8192xf32, #tpu.memory_space<hbm>>
    tpu.enqueue_dma source(%arg5 : memref<8192xf32, #tpu.memory_space<vmem>>) target(%dma_start3A_456 : memref<8192xf32, #tpu.memory_space<hbm>>) target_semaphore(%arg21 : memref<!tpu.dma_semaphore, #tpu.memory_space<semaphore_mem>>)
    %dma_wait3A_457 = arith.constant 16384 : i32
    %dma_wait3A_458 = tpu.memref_slice %arg3[%add3A_254, %dma_wait3A_457] : memref<128x65536xf32, #tpu.memory_space<hbm>> -> memref<1x8192xf32, #tpu.memory_space<hbm>>
    %dma_wait3A_459 = tpu.memref_squeeze %dma_wait3A_458 : memref<1x8192xf32, #tpu.memory_space<hbm>> -> memref<8192xf32, #tpu.memory_space<hbm>>
    %dma_wait3A_460 = arith.constant 16384 : i32
    %dma_wait3A_461 = tpu.memref_slice %arg3[%add3A_254, %dma_wait3A_460] : memref<128x65536xf32, #tpu.memory_space<hbm>> -> memref<1x8192xf32, #tpu.memory_space<hbm>>
    %dma_wait3A_462 = tpu.memref_squeeze %dma_wait3A_461 : memref<1x8192xf32, #tpu.memory_space<hbm>> -> memref<8192xf32, #tpu.memory_space<hbm>>
    tpu.wait_dma2 semaphore(%arg22 : memref<!tpu.dma_semaphore, #tpu.memory_space<semaphore_mem>>) src(%arg6 : memref<8192xf32, #tpu.memory_space<vmem>>) dst(%dma_wait3A_462 : memref<8192xf32, #tpu.memory_space<hbm>>)
    %add3A_463 = arith.constant 2 : i32
    %add3A_464 = arith.addi %mul3A_2, %add3A_463 : i32
    %dma_start3A_465 = arith.constant 16384 : i32
    %dma_start3A_466 = tpu.memref_slice %arg2[%add3A_464, %dma_start3A_465] : memref<128x65536xf32, #tpu.memory_space<hbm>> -> memref<1x8192xf32, #tpu.memory_space<hbm>>
    %dma_start3A_467 = tpu.memref_squeeze %dma_start3A_466 : memref<1x8192xf32, #tpu.memory_space<hbm>> -> memref<8192xf32, #tpu.memory_space<hbm>>
    %dma_start3A_468 = arith.constant 16384 : i32
    %dma_start3A_469 = tpu.memref_slice %arg2[%add3A_464, %dma_start3A_468] : memref<128x65536xf32, #tpu.memory_space<hbm>> -> memref<1x8192xf32, #tpu.memory_space<hbm>>
    %dma_start3A_470 = tpu.memref_squeeze %dma_start3A_469 : memref<1x8192xf32, #tpu.memory_space<hbm>> -> memref<8192xf32, #tpu.memory_space<hbm>>
    tpu.enqueue_dma source(%dma_start3A_470 : memref<8192xf32, #tpu.memory_space<hbm>>) target(%arg6 : memref<8192xf32, #tpu.memory_space<vmem>>) target_semaphore(%arg14 : memref<!tpu.dma_semaphore, #tpu.memory_space<semaphore_mem>>)
    %dma_wait3A_471 = arith.constant 16384 : i32
    %dma_wait3A_472 = tpu.memref_slice %arg2[%add3A_464, %dma_wait3A_471] : memref<128x65536xf32, #tpu.memory_space<hbm>> -> memref<1x8192xf32, #tpu.memory_space<hbm>>
    %dma_wait3A_473 = tpu.memref_squeeze %dma_wait3A_472 : memref<1x8192xf32, #tpu.memory_space<hbm>> -> memref<8192xf32, #tpu.memory_space<hbm>>
    %dma_wait3A_474 = arith.constant 16384 : i32
    %dma_wait3A_475 = tpu.memref_slice %arg2[%add3A_464, %dma_wait3A_474] : memref<128x65536xf32, #tpu.memory_space<hbm>> -> memref<1x8192xf32, #tpu.memory_space<hbm>>
    %dma_wait3A_476 = tpu.memref_squeeze %dma_wait3A_475 : memref<1x8192xf32, #tpu.memory_space<hbm>> -> memref<8192xf32, #tpu.memory_space<hbm>>
    tpu.wait_dma2 semaphore(%arg14 : memref<!tpu.dma_semaphore, #tpu.memory_space<semaphore_mem>>) src(%dma_wait3A_476 : memref<8192xf32, #tpu.memory_space<hbm>>) dst(%arg6 : memref<8192xf32, #tpu.memory_space<vmem>>)
    %add3A_477 = arith.constant 2 : i32
    %add3A_478 = arith.addi %mul3A_2, %add3A_477 : i32
    %dma_start3A_479 = arith.constant 16384 : i32
    %dma_start3A_480 = tpu.memref_slice %arg3[%add3A_478, %dma_start3A_479] : memref<128x65536xf32, #tpu.memory_space<hbm>> -> memref<1x8192xf32, #tpu.memory_space<hbm>>
    %dma_start3A_481 = tpu.memref_squeeze %dma_start3A_480 : memref<1x8192xf32, #tpu.memory_space<hbm>> -> memref<8192xf32, #tpu.memory_space<hbm>>
    %dma_start3A_482 = arith.constant 16384 : i32
    %dma_start3A_483 = tpu.memref_slice %arg3[%add3A_478, %dma_start3A_482] : memref<128x65536xf32, #tpu.memory_space<hbm>> -> memref<1x8192xf32, #tpu.memory_space<hbm>>
    %dma_start3A_484 = tpu.memref_squeeze %dma_start3A_483 : memref<1x8192xf32, #tpu.memory_space<hbm>> -> memref<8192xf32, #tpu.memory_space<hbm>>
    tpu.enqueue_dma source(%arg6 : memref<8192xf32, #tpu.memory_space<vmem>>) target(%dma_start3A_484 : memref<8192xf32, #tpu.memory_space<hbm>>) target_semaphore(%arg22 : memref<!tpu.dma_semaphore, #tpu.memory_space<semaphore_mem>>)
    %dma_wait3A_485 = arith.constant 24576 : i32
    %dma_wait3A_486 = tpu.memref_slice %arg3[%add3A_282, %dma_wait3A_485] : memref<128x65536xf32, #tpu.memory_space<hbm>> -> memref<1x8192xf32, #tpu.memory_space<hbm>>
    %dma_wait3A_487 = tpu.memref_squeeze %dma_wait3A_486 : memref<1x8192xf32, #tpu.memory_space<hbm>> -> memref<8192xf32, #tpu.memory_space<hbm>>
    %dma_wait3A_488 = arith.constant 24576 : i32
    %dma_wait3A_489 = tpu.memref_slice %arg3[%add3A_282, %dma_wait3A_488] : memref<128x65536xf32, #tpu.memory_space<hbm>> -> memref<1x8192xf32, #tpu.memory_space<hbm>>
    %dma_wait3A_490 = tpu.memref_squeeze %dma_wait3A_489 : memref<1x8192xf32, #tpu.memory_space<hbm>> -> memref<8192xf32, #tpu.memory_space<hbm>>
    tpu.wait_dma2 semaphore(%arg23 : memref<!tpu.dma_semaphore, #tpu.memory_space<semaphore_mem>>) src(%arg7 : memref<8192xf32, #tpu.memory_space<vmem>>) dst(%dma_wait3A_490 : memref<8192xf32, #tpu.memory_space<hbm>>)
    %add3A_491 = arith.constant 2 : i32
    %add3A_492 = arith.addi %mul3A_2, %add3A_491 : i32
    %dma_start3A_493 = arith.constant 24576 : i32
    %dma_start3A_494 = tpu.memref_slice %arg2[%add3A_492, %dma_start3A_493] : memref<128x65536xf32, #tpu.memory_space<hbm>> -> memref<1x8192xf32, #tpu.memory_space<hbm>>
    %dma_start3A_495 = tpu.memref_squeeze %dma_start3A_494 : memref<1x8192xf32, #tpu.memory_space<hbm>> -> memref<8192xf32, #tpu.memory_space<hbm>>
    %dma_start3A_496 = arith.constant 24576 : i32
    %dma_start3A_497 = tpu.memref_slice %arg2[%add3A_492, %dma_start3A_496] : memref<128x65536xf32, #tpu.memory_space<hbm>> -> memref<1x8192xf32, #tpu.memory_space<hbm>>
    %dma_start3A_498 = tpu.memref_squeeze %dma_start3A_497 : memref<1x8192xf32, #tpu.memory_space<hbm>> -> memref<8192xf32, #tpu.memory_space<hbm>>
    tpu.enqueue_dma source(%dma_start3A_498 : memref<8192xf32, #tpu.memory_space<hbm>>) target(%arg7 : memref<8192xf32, #tpu.memory_space<vmem>>) target_semaphore(%arg15 : memref<!tpu.dma_semaphore, #tpu.memory_space<semaphore_mem>>)
    %dma_wait3A_499 = arith.constant 24576 : i32
    %dma_wait3A_500 = tpu.memref_slice %arg2[%add3A_492, %dma_wait3A_499] : memref<128x65536xf32, #tpu.memory_space<hbm>> -> memref<1x8192xf32, #tpu.memory_space<hbm>>
    %dma_wait3A_501 = tpu.memref_squeeze %dma_wait3A_500 : memref<1x8192xf32, #tpu.memory_space<hbm>> -> memref<8192xf32, #tpu.memory_space<hbm>>
    %dma_wait3A_502 = arith.constant 24576 : i32
    %dma_wait3A_503 = tpu.memref_slice %arg2[%add3A_492, %dma_wait3A_502] : memref<128x65536xf32, #tpu.memory_space<hbm>> -> memref<1x8192xf32, #tpu.memory_space<hbm>>
    %dma_wait3A_504 = tpu.memref_squeeze %dma_wait3A_503 : memref<1x8192xf32, #tpu.memory_space<hbm>> -> memref<8192xf32, #tpu.memory_space<hbm>>
    tpu.wait_dma2 semaphore(%arg15 : memref<!tpu.dma_semaphore, #tpu.memory_space<semaphore_mem>>) src(%dma_wait3A_504 : memref<8192xf32, #tpu.memory_space<hbm>>) dst(%arg7 : memref<8192xf32, #tpu.memory_space<vmem>>)
    %add3A_505 = arith.constant 2 : i32
    %add3A_506 = arith.addi %mul3A_2, %add3A_505 : i32
    %dma_start3A_507 = arith.constant 24576 : i32
    %dma_start3A_508 = tpu.memref_slice %arg3[%add3A_506, %dma_start3A_507] : memref<128x65536xf32, #tpu.memory_space<hbm>> -> memref<1x8192xf32, #tpu.memory_space<hbm>>
    %dma_start3A_509 = tpu.memref_squeeze %dma_start3A_508 : memref<1x8192xf32, #tpu.memory_space<hbm>> -> memref<8192xf32, #tpu.memory_space<hbm>>
    %dma_start3A_510 = arith.constant 24576 : i32
    %dma_start3A_511 = tpu.memref_slice %arg3[%add3A_506, %dma_start3A_510] : memref<128x65536xf32, #tpu.memory_space<hbm>> -> memref<1x8192xf32, #tpu.memory_space<hbm>>
    %dma_start3A_512 = tpu.memref_squeeze %dma_start3A_511 : memref<1x8192xf32, #tpu.memory_space<hbm>> -> memref<8192xf32, #tpu.memory_space<hbm>>
    tpu.enqueue_dma source(%arg7 : memref<8192xf32, #tpu.memory_space<vmem>>) target(%dma_start3A_512 : memref<8192xf32, #tpu.memory_space<hbm>>) target_semaphore(%arg23 : memref<!tpu.dma_semaphore, #tpu.memory_space<semaphore_mem>>)
    %dma_wait3A_513 = arith.constant 32768 : i32
    %dma_wait3A_514 = tpu.memref_slice %arg3[%add3A_310, %dma_wait3A_513] : memref<128x65536xf32, #tpu.memory_space<hbm>> -> memref<1x8192xf32, #tpu.memory_space<hbm>>
    %dma_wait3A_515 = tpu.memref_squeeze %dma_wait3A_514 : memref<1x8192xf32, #tpu.memory_space<hbm>> -> memref<8192xf32, #tpu.memory_space<hbm>>
    %dma_wait3A_516 = arith.constant 32768 : i32
    %dma_wait3A_517 = tpu.memref_slice %arg3[%add3A_310, %dma_wait3A_516] : memref<128x65536xf32, #tpu.memory_space<hbm>> -> memref<1x8192xf32, #tpu.memory_space<hbm>>
    %dma_wait3A_518 = tpu.memref_squeeze %dma_wait3A_517 : memref<1x8192xf32, #tpu.memory_space<hbm>> -> memref<8192xf32, #tpu.memory_space<hbm>>
    tpu.wait_dma2 semaphore(%arg24 : memref<!tpu.dma_semaphore, #tpu.memory_space<semaphore_mem>>) src(%arg8 : memref<8192xf32, #tpu.memory_space<vmem>>) dst(%dma_wait3A_518 : memref<8192xf32, #tpu.memory_space<hbm>>)
    %add3A_519 = arith.constant 2 : i32
    %add3A_520 = arith.addi %mul3A_2, %add3A_519 : i32
    %dma_start3A_521 = arith.constant 32768 : i32
    %dma_start3A_522 = tpu.memref_slice %arg2[%add3A_520, %dma_start3A_521] : memref<128x65536xf32, #tpu.memory_space<hbm>> -> memref<1x8192xf32, #tpu.memory_space<hbm>>
    %dma_start3A_523 = tpu.memref_squeeze %dma_start3A_522 : memref<1x8192xf32, #tpu.memory_space<hbm>> -> memref<8192xf32, #tpu.memory_space<hbm>>
    %dma_start3A_524 = arith.constant 32768 : i32
    %dma_start3A_525 = tpu.memref_slice %arg2[%add3A_520, %dma_start3A_524] : memref<128x65536xf32, #tpu.memory_space<hbm>> -> memref<1x8192xf32, #tpu.memory_space<hbm>>
    %dma_start3A_526 = tpu.memref_squeeze %dma_start3A_525 : memref<1x8192xf32, #tpu.memory_space<hbm>> -> memref<8192xf32, #tpu.memory_space<hbm>>
    tpu.enqueue_dma source(%dma_start3A_526 : memref<8192xf32, #tpu.memory_space<hbm>>) target(%arg8 : memref<8192xf32, #tpu.memory_space<vmem>>) target_semaphore(%arg16 : memref<!tpu.dma_semaphore, #tpu.memory_space<semaphore_mem>>)
    %dma_wait3A_527 = arith.constant 32768 : i32
    %dma_wait3A_528 = tpu.memref_slice %arg2[%add3A_520, %dma_wait3A_527] : memref<128x65536xf32, #tpu.memory_space<hbm>> -> memref<1x8192xf32, #tpu.memory_space<hbm>>
    %dma_wait3A_529 = tpu.memref_squeeze %dma_wait3A_528 : memref<1x8192xf32, #tpu.memory_space<hbm>> -> memref<8192xf32, #tpu.memory_space<hbm>>
    %dma_wait3A_530 = arith.constant 32768 : i32
    %dma_wait3A_531 = tpu.memref_slice %arg2[%add3A_520, %dma_wait3A_530] : memref<128x65536xf32, #tpu.memory_space<hbm>> -> memref<1x8192xf32, #tpu.memory_space<hbm>>
    %dma_wait3A_532 = tpu.memref_squeeze %dma_wait3A_531 : memref<1x8192xf32, #tpu.memory_space<hbm>> -> memref<8192xf32, #tpu.memory_space<hbm>>
    tpu.wait_dma2 semaphore(%arg16 : memref<!tpu.dma_semaphore, #tpu.memory_space<semaphore_mem>>) src(%dma_wait3A_532 : memref<8192xf32, #tpu.memory_space<hbm>>) dst(%arg8 : memref<8192xf32, #tpu.memory_space<vmem>>)
    %add3A_533 = arith.constant 2 : i32
    %add3A_534 = arith.addi %mul3A_2, %add3A_533 : i32
    %dma_start3A_535 = arith.constant 32768 : i32
    %dma_start3A_536 = tpu.memref_slice %arg3[%add3A_534, %dma_start3A_535] : memref<128x65536xf32, #tpu.memory_space<hbm>> -> memref<1x8192xf32, #tpu.memory_space<hbm>>
    %dma_start3A_537 = tpu.memref_squeeze %dma_start3A_536 : memref<1x8192xf32, #tpu.memory_space<hbm>> -> memref<8192xf32, #tpu.memory_space<hbm>>
    %dma_start3A_538 = arith.constant 32768 : i32
    %dma_start3A_539 = tpu.memref_slice %arg3[%add3A_534, %dma_start3A_538] : memref<128x65536xf32, #tpu.memory_space<hbm>> -> memref<1x8192xf32, #tpu.memory_space<hbm>>
    %dma_start3A_540 = tpu.memref_squeeze %dma_start3A_539 : memref<1x8192xf32, #tpu.memory_space<hbm>> -> memref<8192xf32, #tpu.memory_space<hbm>>
    tpu.enqueue_dma source(%arg8 : memref<8192xf32, #tpu.memory_space<vmem>>) target(%dma_start3A_540 : memref<8192xf32, #tpu.memory_space<hbm>>) target_semaphore(%arg24 : memref<!tpu.dma_semaphore, #tpu.memory_space<semaphore_mem>>)
    %dma_wait3A_541 = arith.constant 40960 : i32
    %dma_wait3A_542 = tpu.memref_slice %arg3[%add3A_338, %dma_wait3A_541] : memref<128x65536xf32, #tpu.memory_space<hbm>> -> memref<1x8192xf32, #tpu.memory_space<hbm>>
    %dma_wait3A_543 = tpu.memref_squeeze %dma_wait3A_542 : memref<1x8192xf32, #tpu.memory_space<hbm>> -> memref<8192xf32, #tpu.memory_space<hbm>>
    %dma_wait3A_544 = arith.constant 40960 : i32
    %dma_wait3A_545 = tpu.memref_slice %arg3[%add3A_338, %dma_wait3A_544] : memref<128x65536xf32, #tpu.memory_space<hbm>> -> memref<1x8192xf32, #tpu.memory_space<hbm>>
    %dma_wait3A_546 = tpu.memref_squeeze %dma_wait3A_545 : memref<1x8192xf32, #tpu.memory_space<hbm>> -> memref<8192xf32, #tpu.memory_space<hbm>>
    tpu.wait_dma2 semaphore(%arg25 : memref<!tpu.dma_semaphore, #tpu.memory_space<semaphore_mem>>) src(%arg9 : memref<8192xf32, #tpu.memory_space<vmem>>) dst(%dma_wait3A_546 : memref<8192xf32, #tpu.memory_space<hbm>>)
    %add3A_547 = arith.constant 2 : i32
    %add3A_548 = arith.addi %mul3A_2, %add3A_547 : i32
    %dma_start3A_549 = arith.constant 40960 : i32
    %dma_start3A_550 = tpu.memref_slice %arg2[%add3A_548, %dma_start3A_549] : memref<128x65536xf32, #tpu.memory_space<hbm>> -> memref<1x8192xf32, #tpu.memory_space<hbm>>
    %dma_start3A_551 = tpu.memref_squeeze %dma_start3A_550 : memref<1x8192xf32, #tpu.memory_space<hbm>> -> memref<8192xf32, #tpu.memory_space<hbm>>
    %dma_start3A_552 = arith.constant 40960 : i32
    %dma_start3A_553 = tpu.memref_slice %arg2[%add3A_548, %dma_start3A_552] : memref<128x65536xf32, #tpu.memory_space<hbm>> -> memref<1x8192xf32, #tpu.memory_space<hbm>>
    %dma_start3A_554 = tpu.memref_squeeze %dma_start3A_553 : memref<1x8192xf32, #tpu.memory_space<hbm>> -> memref<8192xf32, #tpu.memory_space<hbm>>
    tpu.enqueue_dma source(%dma_start3A_554 : memref<8192xf32, #tpu.memory_space<hbm>>) target(%arg9 : memref<8192xf32, #tpu.memory_space<vmem>>) target_semaphore(%arg17 : memref<!tpu.dma_semaphore, #tpu.memory_space<semaphore_mem>>)
    %dma_wait3A_555 = arith.constant 40960 : i32
    %dma_wait3A_556 = tpu.memref_slice %arg2[%add3A_548, %dma_wait3A_555] : memref<128x65536xf32, #tpu.memory_space<hbm>> -> memref<1x8192xf32, #tpu.memory_space<hbm>>
    %dma_wait3A_557 = tpu.memref_squeeze %dma_wait3A_556 : memref<1x8192xf32, #tpu.memory_space<hbm>> -> memref<8192xf32, #tpu.memory_space<hbm>>
    %dma_wait3A_558 = arith.constant 40960 : i32
    %dma_wait3A_559 = tpu.memref_slice %arg2[%add3A_548, %dma_wait3A_558] : memref<128x65536xf32, #tpu.memory_space<hbm>> -> memref<1x8192xf32, #tpu.memory_space<hbm>>
    %dma_wait3A_560 = tpu.memref_squeeze %dma_wait3A_559 : memref<1x8192xf32, #tpu.memory_space<hbm>> -> memref<8192xf32, #tpu.memory_space<hbm>>
    tpu.wait_dma2 semaphore(%arg17 : memref<!tpu.dma_semaphore, #tpu.memory_space<semaphore_mem>>) src(%dma_wait3A_560 : memref<8192xf32, #tpu.memory_space<hbm>>) dst(%arg9 : memref<8192xf32, #tpu.memory_space<vmem>>)
    %add3A_561 = arith.constant 2 : i32
    %add3A_562 = arith.addi %mul3A_2, %add3A_561 : i32
    %dma_start3A_563 = arith.constant 40960 : i32
    %dma_start3A_564 = tpu.memref_slice %arg3[%add3A_562, %dma_start3A_563] : memref<128x65536xf32, #tpu.memory_space<hbm>> -> memref<1x8192xf32, #tpu.memory_space<hbm>>
    %dma_start3A_565 = tpu.memref_squeeze %dma_start3A_564 : memref<1x8192xf32, #tpu.memory_space<hbm>> -> memref<8192xf32, #tpu.memory_space<hbm>>
    %dma_start3A_566 = arith.constant 40960 : i32
    %dma_start3A_567 = tpu.memref_slice %arg3[%add3A_562, %dma_start3A_566] : memref<128x65536xf32, #tpu.memory_space<hbm>> -> memref<1x8192xf32, #tpu.memory_space<hbm>>
    %dma_start3A_568 = tpu.memref_squeeze %dma_start3A_567 : memref<1x8192xf32, #tpu.memory_space<hbm>> -> memref<8192xf32, #tpu.memory_space<hbm>>
    tpu.enqueue_dma source(%arg9 : memref<8192xf32, #tpu.memory_space<vmem>>) target(%dma_start3A_568 : memref<8192xf32, #tpu.memory_space<hbm>>) target_semaphore(%arg25 : memref<!tpu.dma_semaphore, #tpu.memory_space<semaphore_mem>>)
    %dma_wait3A_569 = arith.constant 49152 : i32
    %dma_wait3A_570 = tpu.memref_slice %arg3[%add3A_366, %dma_wait3A_569] : memref<128x65536xf32, #tpu.memory_space<hbm>> -> memref<1x8192xf32, #tpu.memory_space<hbm>>
    %dma_wait3A_571 = tpu.memref_squeeze %dma_wait3A_570 : memref<1x8192xf32, #tpu.memory_space<hbm>> -> memref<8192xf32, #tpu.memory_space<hbm>>
    %dma_wait3A_572 = arith.constant 49152 : i32
    %dma_wait3A_573 = tpu.memref_slice %arg3[%add3A_366, %dma_wait3A_572] : memref<128x65536xf32, #tpu.memory_space<hbm>> -> memref<1x8192xf32, #tpu.memory_space<hbm>>
    %dma_wait3A_574 = tpu.memref_squeeze %dma_wait3A_573 : memref<1x8192xf32, #tpu.memory_space<hbm>> -> memref<8192xf32, #tpu.memory_space<hbm>>
    tpu.wait_dma2 semaphore(%arg26 : memref<!tpu.dma_semaphore, #tpu.memory_space<semaphore_mem>>) src(%arg10 : memref<8192xf32, #tpu.memory_space<vmem>>) dst(%dma_wait3A_574 : memref<8192xf32, #tpu.memory_space<hbm>>)
    %add3A_575 = arith.constant 2 : i32
    %add3A_576 = arith.addi %mul3A_2, %add3A_575 : i32
    %dma_start3A_577 = arith.constant 49152 : i32
    %dma_start3A_578 = tpu.memref_slice %arg2[%add3A_576, %dma_start3A_577] : memref<128x65536xf32, #tpu.memory_space<hbm>> -> memref<1x8192xf32, #tpu.memory_space<hbm>>
    %dma_start3A_579 = tpu.memref_squeeze %dma_start3A_578 : memref<1x8192xf32, #tpu.memory_space<hbm>> -> memref<8192xf32, #tpu.memory_space<hbm>>
    %dma_start3A_580 = arith.constant 49152 : i32
    %dma_start3A_581 = tpu.memref_slice %arg2[%add3A_576, %dma_start3A_580] : memref<128x65536xf32, #tpu.memory_space<hbm>> -> memref<1x8192xf32, #tpu.memory_space<hbm>>
    %dma_start3A_582 = tpu.memref_squeeze %dma_start3A_581 : memref<1x8192xf32, #tpu.memory_space<hbm>> -> memref<8192xf32, #tpu.memory_space<hbm>>
    tpu.enqueue_dma source(%dma_start3A_582 : memref<8192xf32, #tpu.memory_space<hbm>>) target(%arg10 : memref<8192xf32, #tpu.memory_space<vmem>>) target_semaphore(%arg18 : memref<!tpu.dma_semaphore, #tpu.memory_space<semaphore_mem>>)
    %dma_wait3A_583 = arith.constant 49152 : i32
    %dma_wait3A_584 = tpu.memref_slice %arg2[%add3A_576, %dma_wait3A_583] : memref<128x65536xf32, #tpu.memory_space<hbm>> -> memref<1x8192xf32, #tpu.memory_space<hbm>>
    %dma_wait3A_585 = tpu.memref_squeeze %dma_wait3A_584 : memref<1x8192xf32, #tpu.memory_space<hbm>> -> memref<8192xf32, #tpu.memory_space<hbm>>
    %dma_wait3A_586 = arith.constant 49152 : i32
    %dma_wait3A_587 = tpu.memref_slice %arg2[%add3A_576, %dma_wait3A_586] : memref<128x65536xf32, #tpu.memory_space<hbm>> -> memref<1x8192xf32, #tpu.memory_space<hbm>>
    %dma_wait3A_588 = tpu.memref_squeeze %dma_wait3A_587 : memref<1x8192xf32, #tpu.memory_space<hbm>> -> memref<8192xf32, #tpu.memory_space<hbm>>
    tpu.wait_dma2 semaphore(%arg18 : memref<!tpu.dma_semaphore, #tpu.memory_space<semaphore_mem>>) src(%dma_wait3A_588 : memref<8192xf32, #tpu.memory_space<hbm>>) dst(%arg10 : memref<8192xf32, #tpu.memory_space<vmem>>)
    %add3A_589 = arith.constant 2 : i32
    %add3A_590 = arith.addi %mul3A_2, %add3A_589 : i32
    %dma_start3A_591 = arith.constant 49152 : i32
    %dma_start3A_592 = tpu.memref_slice %arg3[%add3A_590, %dma_start3A_591] : memref<128x65536xf32, #tpu.memory_space<hbm>> -> memref<1x8192xf32, #tpu.memory_space<hbm>>
    %dma_start3A_593 = tpu.memref_squeeze %dma_start3A_592 : memref<1x8192xf32, #tpu.memory_space<hbm>> -> memref<8192xf32, #tpu.memory_space<hbm>>
    %dma_start3A_594 = arith.constant 49152 : i32
    %dma_start3A_595 = tpu.memref_slice %arg3[%add3A_590, %dma_start3A_594] : memref<128x65536xf32, #tpu.memory_space<hbm>> -> memref<1x8192xf32, #tpu.memory_space<hbm>>
    %dma_start3A_596 = tpu.memref_squeeze %dma_start3A_595 : memref<1x8192xf32, #tpu.memory_space<hbm>> -> memref<8192xf32, #tpu.memory_space<hbm>>
    tpu.enqueue_dma source(%arg10 : memref<8192xf32, #tpu.memory_space<vmem>>) target(%dma_start3A_596 : memref<8192xf32, #tpu.memory_space<hbm>>) target_semaphore(%arg26 : memref<!tpu.dma_semaphore, #tpu.memory_space<semaphore_mem>>)
    %dma_wait3A_597 = arith.constant 57344 : i32
    %dma_wait3A_598 = tpu.memref_slice %arg3[%add3A_394, %dma_wait3A_597] : memref<128x65536xf32, #tpu.memory_space<hbm>> -> memref<1x8192xf32, #tpu.memory_space<hbm>>
    %dma_wait3A_599 = tpu.memref_squeeze %dma_wait3A_598 : memref<1x8192xf32, #tpu.memory_space<hbm>> -> memref<8192xf32, #tpu.memory_space<hbm>>
    %dma_wait3A_600 = arith.constant 57344 : i32
    %dma_wait3A_601 = tpu.memref_slice %arg3[%add3A_394, %dma_wait3A_600] : memref<128x65536xf32, #tpu.memory_space<hbm>> -> memref<1x8192xf32, #tpu.memory_space<hbm>>
    %dma_wait3A_602 = tpu.memref_squeeze %dma_wait3A_601 : memref<1x8192xf32, #tpu.memory_space<hbm>> -> memref<8192xf32, #tpu.memory_space<hbm>>
    tpu.wait_dma2 semaphore(%arg27 : memref<!tpu.dma_semaphore, #tpu.memory_space<semaphore_mem>>) src(%arg11 : memref<8192xf32, #tpu.memory_space<vmem>>) dst(%dma_wait3A_602 : memref<8192xf32, #tpu.memory_space<hbm>>)
    %add3A_603 = arith.constant 2 : i32
    %add3A_604 = arith.addi %mul3A_2, %add3A_603 : i32
    %dma_start3A_605 = arith.constant 57344 : i32
    %dma_start3A_606 = tpu.memref_slice %arg2[%add3A_604, %dma_start3A_605] : memref<128x65536xf32, #tpu.memory_space<hbm>> -> memref<1x8192xf32, #tpu.memory_space<hbm>>
    %dma_start3A_607 = tpu.memref_squeeze %dma_start3A_606 : memref<1x8192xf32, #tpu.memory_space<hbm>> -> memref<8192xf32, #tpu.memory_space<hbm>>
    %dma_start3A_608 = arith.constant 57344 : i32
    %dma_start3A_609 = tpu.memref_slice %arg2[%add3A_604, %dma_start3A_608] : memref<128x65536xf32, #tpu.memory_space<hbm>> -> memref<1x8192xf32, #tpu.memory_space<hbm>>
    %dma_start3A_610 = tpu.memref_squeeze %dma_start3A_609 : memref<1x8192xf32, #tpu.memory_space<hbm>> -> memref<8192xf32, #tpu.memory_space<hbm>>
    tpu.enqueue_dma source(%dma_start3A_610 : memref<8192xf32, #tpu.memory_space<hbm>>) target(%arg11 : memref<8192xf32, #tpu.memory_space<vmem>>) target_semaphore(%arg19 : memref<!tpu.dma_semaphore, #tpu.memory_space<semaphore_mem>>)
    %dma_wait3A_611 = arith.constant 57344 : i32
    %dma_wait3A_612 = tpu.memref_slice %arg2[%add3A_604, %dma_wait3A_611] : memref<128x65536xf32, #tpu.memory_space<hbm>> -> memref<1x8192xf32, #tpu.memory_space<hbm>>
    %dma_wait3A_613 = tpu.memref_squeeze %dma_wait3A_612 : memref<1x8192xf32, #tpu.memory_space<hbm>> -> memref<8192xf32, #tpu.memory_space<hbm>>
    %dma_wait3A_614 = arith.constant 57344 : i32
    %dma_wait3A_615 = tpu.memref_slice %arg2[%add3A_604, %dma_wait3A_614] : memref<128x65536xf32, #tpu.memory_space<hbm>> -> memref<1x8192xf32, #tpu.memory_space<hbm>>
    %dma_wait3A_616 = tpu.memref_squeeze %dma_wait3A_615 : memref<1x8192xf32, #tpu.memory_space<hbm>> -> memref<8192xf32, #tpu.memory_space<hbm>>
    tpu.wait_dma2 semaphore(%arg19 : memref<!tpu.dma_semaphore, #tpu.memory_space<semaphore_mem>>) src(%dma_wait3A_616 : memref<8192xf32, #tpu.memory_space<hbm>>) dst(%arg11 : memref<8192xf32, #tpu.memory_space<vmem>>)
    %add3A_617 = arith.constant 2 : i32
    %add3A_618 = arith.addi %mul3A_2, %add3A_617 : i32
    %dma_start3A_619 = arith.constant 57344 : i32
    %dma_start3A_620 = tpu.memref_slice %arg3[%add3A_618, %dma_start3A_619] : memref<128x65536xf32, #tpu.memory_space<hbm>> -> memref<1x8192xf32, #tpu.memory_space<hbm>>
    %dma_start3A_621 = tpu.memref_squeeze %dma_start3A_620 : memref<1x8192xf32, #tpu.memory_space<hbm>> -> memref<8192xf32, #tpu.memory_space<hbm>>
    %dma_start3A_622 = arith.constant 57344 : i32
    %dma_start3A_623 = tpu.memref_slice %arg3[%add3A_618, %dma_start3A_622] : memref<128x65536xf32, #tpu.memory_space<hbm>> -> memref<1x8192xf32, #tpu.memory_space<hbm>>
    %dma_start3A_624 = tpu.memref_squeeze %dma_start3A_623 : memref<1x8192xf32, #tpu.memory_space<hbm>> -> memref<8192xf32, #tpu.memory_space<hbm>>
    tpu.enqueue_dma source(%arg11 : memref<8192xf32, #tpu.memory_space<vmem>>) target(%dma_start3A_624 : memref<8192xf32, #tpu.memory_space<hbm>>) target_semaphore(%arg27 : memref<!tpu.dma_semaphore, #tpu.memory_space<semaphore_mem>>)
    %dma_wait3A_625 = arith.constant 0 : i32
    %dma_wait3A_626 = tpu.memref_slice %arg3[%add3A_422, %dma_wait3A_625] : memref<128x65536xf32, #tpu.memory_space<hbm>> -> memref<1x8192xf32, #tpu.memory_space<hbm>>
    %dma_wait3A_627 = tpu.memref_squeeze %dma_wait3A_626 : memref<1x8192xf32, #tpu.memory_space<hbm>> -> memref<8192xf32, #tpu.memory_space<hbm>>
    %dma_wait3A_628 = arith.constant 0 : i32
    %dma_wait3A_629 = tpu.memref_slice %arg3[%add3A_422, %dma_wait3A_628] : memref<128x65536xf32, #tpu.memory_space<hbm>> -> memref<1x8192xf32, #tpu.memory_space<hbm>>
    %dma_wait3A_630 = tpu.memref_squeeze %dma_wait3A_629 : memref<1x8192xf32, #tpu.memory_space<hbm>> -> memref<8192xf32, #tpu.memory_space<hbm>>
    tpu.wait_dma2 semaphore(%arg20 : memref<!tpu.dma_semaphore, #tpu.memory_space<semaphore_mem>>) src(%arg4 : memref<8192xf32, #tpu.memory_space<vmem>>) dst(%dma_wait3A_630 : memref<8192xf32, #tpu.memory_space<hbm>>)
    %add3A_631 = arith.constant 3 : i32
    %add3A_632 = arith.addi %mul3A_2, %add3A_631 : i32
    %dma_start3A_633 = arith.constant 0 : i32
    %dma_start3A_634 = tpu.memref_slice %arg2[%add3A_632, %dma_start3A_633] : memref<128x65536xf32, #tpu.memory_space<hbm>> -> memref<1x8192xf32, #tpu.memory_space<hbm>>
    %dma_start3A_635 = tpu.memref_squeeze %dma_start3A_634 : memref<1x8192xf32, #tpu.memory_space<hbm>> -> memref<8192xf32, #tpu.memory_space<hbm>>
    %dma_start3A_636 = arith.constant 0 : i32
    %dma_start3A_637 = tpu.memref_slice %arg2[%add3A_632, %dma_start3A_636] : memref<128x65536xf32, #tpu.memory_space<hbm>> -> memref<1x8192xf32, #tpu.memory_space<hbm>>
    %dma_start3A_638 = tpu.memref_squeeze %dma_start3A_637 : memref<1x8192xf32, #tpu.memory_space<hbm>> -> memref<8192xf32, #tpu.memory_space<hbm>>
    tpu.enqueue_dma source(%dma_start3A_638 : memref<8192xf32, #tpu.memory_space<hbm>>) target(%arg4 : memref<8192xf32, #tpu.memory_space<vmem>>) target_semaphore(%arg12 : memref<!tpu.dma_semaphore, #tpu.memory_space<semaphore_mem>>)
    %dma_wait3A_639 = arith.constant 0 : i32
    %dma_wait3A_640 = tpu.memref_slice %arg2[%add3A_632, %dma_wait3A_639] : memref<128x65536xf32, #tpu.memory_space<hbm>> -> memref<1x8192xf32, #tpu.memory_space<hbm>>
    %dma_wait3A_641 = tpu.memref_squeeze %dma_wait3A_640 : memref<1x8192xf32, #tpu.memory_space<hbm>> -> memref<8192xf32, #tpu.memory_space<hbm>>
    %dma_wait3A_642 = arith.constant 0 : i32
    %dma_wait3A_643 = tpu.memref_slice %arg2[%add3A_632, %dma_wait3A_642] : memref<128x65536xf32, #tpu.memory_space<hbm>> -> memref<1x8192xf32, #tpu.memory_space<hbm>>
    %dma_wait3A_644 = tpu.memref_squeeze %dma_wait3A_643 : memref<1x8192xf32, #tpu.memory_space<hbm>> -> memref<8192xf32, #tpu.memory_space<hbm>>
    tpu.wait_dma2 semaphore(%arg12 : memref<!tpu.dma_semaphore, #tpu.memory_space<semaphore_mem>>) src(%dma_wait3A_644 : memref<8192xf32, #tpu.memory_space<hbm>>) dst(%arg4 : memref<8192xf32, #tpu.memory_space<vmem>>)
    %add3A_645 = arith.constant 3 : i32
    %add3A_646 = arith.addi %mul3A_2, %add3A_645 : i32
    %dma_start3A_647 = arith.constant 0 : i32
    %dma_start3A_648 = tpu.memref_slice %arg3[%add3A_646, %dma_start3A_647] : memref<128x65536xf32, #tpu.memory_space<hbm>> -> memref<1x8192xf32, #tpu.memory_space<hbm>>
    %dma_start3A_649 = tpu.memref_squeeze %dma_start3A_648 : memref<1x8192xf32, #tpu.memory_space<hbm>> -> memref<8192xf32, #tpu.memory_space<hbm>>
    %dma_start3A_650 = arith.constant 0 : i32
    %dma_start3A_651 = tpu.memref_slice %arg3[%add3A_646, %dma_start3A_650] : memref<128x65536xf32, #tpu.memory_space<hbm>> -> memref<1x8192xf32, #tpu.memory_space<hbm>>
    %dma_start3A_652 = tpu.memref_squeeze %dma_start3A_651 : memref<1x8192xf32, #tpu.memory_space<hbm>> -> memref<8192xf32, #tpu.memory_space<hbm>>
    tpu.enqueue_dma source(%arg4 : memref<8192xf32, #tpu.memory_space<vmem>>) target(%dma_start3A_652 : memref<8192xf32, #tpu.memory_space<hbm>>) target_semaphore(%arg20 : memref<!tpu.dma_semaphore, #tpu.memory_space<semaphore_mem>>)
    %dma_wait3A_653 = arith.constant 8192 : i32
    %dma_wait3A_654 = tpu.memref_slice %arg3[%add3A_450, %dma_wait3A_653] : memref<128x65536xf32, #tpu.memory_space<hbm>> -> memref<1x8192xf32, #tpu.memory_space<hbm>>
    %dma_wait3A_655 = tpu.memref_squeeze %dma_wait3A_654 : memref<1x8192xf32, #tpu.memory_space<hbm>> -> memref<8192xf32, #tpu.memory_space<hbm>>
    %dma_wait3A_656 = arith.constant 8192 : i32
    %dma_wait3A_657 = tpu.memref_slice %arg3[%add3A_450, %dma_wait3A_656] : memref<128x65536xf32, #tpu.memory_space<hbm>> -> memref<1x8192xf32, #tpu.memory_space<hbm>>
    %dma_wait3A_658 = tpu.memref_squeeze %dma_wait3A_657 : memref<1x8192xf32, #tpu.memory_space<hbm>> -> memref<8192xf32, #tpu.memory_space<hbm>>
    tpu.wait_dma2 semaphore(%arg21 : memref<!tpu.dma_semaphore, #tpu.memory_space<semaphore_mem>>) src(%arg5 : memref<8192xf32, #tpu.memory_space<vmem>>) dst(%dma_wait3A_658 : memref<8192xf32, #tpu.memory_space<hbm>>)
    %add3A_659 = arith.constant 3 : i32
    %add3A_660 = arith.addi %mul3A_2, %add3A_659 : i32
    %dma_start3A_661 = arith.constant 8192 : i32
    %dma_start3A_662 = tpu.memref_slice %arg2[%add3A_660, %dma_start3A_661] : memref<128x65536xf32, #tpu.memory_space<hbm>> -> memref<1x8192xf32, #tpu.memory_space<hbm>>
    %dma_start3A_663 = tpu.memref_squeeze %dma_start3A_662 : memref<1x8192xf32, #tpu.memory_space<hbm>> -> memref<8192xf32, #tpu.memory_space<hbm>>
    %dma_start3A_664 = arith.constant 8192 : i32
    %dma_start3A_665 = tpu.memref_slice %arg2[%add3A_660, %dma_start3A_664] : memref<128x65536xf32, #tpu.memory_space<hbm>> -> memref<1x8192xf32, #tpu.memory_space<hbm>>
    %dma_start3A_666 = tpu.memref_squeeze %dma_start3A_665 : memref<1x8192xf32, #tpu.memory_space<hbm>> -> memref<8192xf32, #tpu.memory_space<hbm>>
    tpu.enqueue_dma source(%dma_start3A_666 : memref<8192xf32, #tpu.memory_space<hbm>>) target(%arg5 : memref<8192xf32, #tpu.memory_space<vmem>>) target_semaphore(%arg13 : memref<!tpu.dma_semaphore, #tpu.memory_space<semaphore_mem>>)
    %dma_wait3A_667 = arith.constant 8192 : i32
    %dma_wait3A_668 = tpu.memref_slice %arg2[%add3A_660, %dma_wait3A_667] : memref<128x65536xf32, #tpu.memory_space<hbm>> -> memref<1x8192xf32, #tpu.memory_space<hbm>>
    %dma_wait3A_669 = tpu.memref_squeeze %dma_wait3A_668 : memref<1x8192xf32, #tpu.memory_space<hbm>> -> memref<8192xf32, #tpu.memory_space<hbm>>
    %dma_wait3A_670 = arith.constant 8192 : i32
    %dma_wait3A_671 = tpu.memref_slice %arg2[%add3A_660, %dma_wait3A_670] : memref<128x65536xf32, #tpu.memory_space<hbm>> -> memref<1x8192xf32, #tpu.memory_space<hbm>>
    %dma_wait3A_672 = tpu.memref_squeeze %dma_wait3A_671 : memref<1x8192xf32, #tpu.memory_space<hbm>> -> memref<8192xf32, #tpu.memory_space<hbm>>
    tpu.wait_dma2 semaphore(%arg13 : memref<!tpu.dma_semaphore, #tpu.memory_space<semaphore_mem>>) src(%dma_wait3A_672 : memref<8192xf32, #tpu.memory_space<hbm>>) dst(%arg5 : memref<8192xf32, #tpu.memory_space<vmem>>)
    %add3A_673 = arith.constant 3 : i32
    %add3A_674 = arith.addi %mul3A_2, %add3A_673 : i32
    %dma_start3A_675 = arith.constant 8192 : i32
    %dma_start3A_676 = tpu.memref_slice %arg3[%add3A_674, %dma_start3A_675] : memref<128x65536xf32, #tpu.memory_space<hbm>> -> memref<1x8192xf32, #tpu.memory_space<hbm>>
    %dma_start3A_677 = tpu.memref_squeeze %dma_start3A_676 : memref<1x8192xf32, #tpu.memory_space<hbm>> -> memref<8192xf32, #tpu.memory_space<hbm>>
    %dma_start3A_678 = arith.constant 8192 : i32
    %dma_start3A_679 = tpu.memref_slice %arg3[%add3A_674, %dma_start3A_678] : memref<128x65536xf32, #tpu.memory_space<hbm>> -> memref<1x8192xf32, #tpu.memory_space<hbm>>
    %dma_start3A_680 = tpu.memref_squeeze %dma_start3A_679 : memref<1x8192xf32, #tpu.memory_space<hbm>> -> memref<8192xf32, #tpu.memory_space<hbm>>
    tpu.enqueue_dma source(%arg5 : memref<8192xf32, #tpu.memory_space<vmem>>) target(%dma_start3A_680 : memref<8192xf32, #tpu.memory_space<hbm>>) target_semaphore(%arg21 : memref<!tpu.dma_semaphore, #tpu.memory_space<semaphore_mem>>)
    %dma_wait3A_681 = arith.constant 16384 : i32
    %dma_wait3A_682 = tpu.memref_slice %arg3[%add3A_478, %dma_wait3A_681] : memref<128x65536xf32, #tpu.memory_space<hbm>> -> memref<1x8192xf32, #tpu.memory_space<hbm>>
    %dma_wait3A_683 = tpu.memref_squeeze %dma_wait3A_682 : memref<1x8192xf32, #tpu.memory_space<hbm>> -> memref<8192xf32, #tpu.memory_space<hbm>>
    %dma_wait3A_684 = arith.constant 16384 : i32
    %dma_wait3A_685 = tpu.memref_slice %arg3[%add3A_478, %dma_wait3A_684] : memref<128x65536xf32, #tpu.memory_space<hbm>> -> memref<1x8192xf32, #tpu.memory_space<hbm>>
    %dma_wait3A_686 = tpu.memref_squeeze %dma_wait3A_685 : memref<1x8192xf32, #tpu.memory_space<hbm>> -> memref<8192xf32, #tpu.memory_space<hbm>>
    tpu.wait_dma2 semaphore(%arg22 : memref<!tpu.dma_semaphore, #tpu.memory_space<semaphore_mem>>) src(%arg6 : memref<8192xf32, #tpu.memory_space<vmem>>) dst(%dma_wait3A_686 : memref<8192xf32, #tpu.memory_space<hbm>>)
    %add3A_687 = arith.constant 3 : i32
    %add3A_688 = arith.addi %mul3A_2, %add3A_687 : i32
    %dma_start3A_689 = arith.constant 16384 : i32
    %dma_start3A_690 = tpu.memref_slice %arg2[%add3A_688, %dma_start3A_689] : memref<128x65536xf32, #tpu.memory_space<hbm>> -> memref<1x8192xf32, #tpu.memory_space<hbm>>
    %dma_start3A_691 = tpu.memref_squeeze %dma_start3A_690 : memref<1x8192xf32, #tpu.memory_space<hbm>> -> memref<8192xf32, #tpu.memory_space<hbm>>
    %dma_start3A_692 = arith.constant 16384 : i32
    %dma_start3A_693 = tpu.memref_slice %arg2[%add3A_688, %dma_start3A_692] : memref<128x65536xf32, #tpu.memory_space<hbm>> -> memref<1x8192xf32, #tpu.memory_space<hbm>>
    %dma_start3A_694 = tpu.memref_squeeze %dma_start3A_693 : memref<1x8192xf32, #tpu.memory_space<hbm>> -> memref<8192xf32, #tpu.memory_space<hbm>>
    tpu.enqueue_dma source(%dma_start3A_694 : memref<8192xf32, #tpu.memory_space<hbm>>) target(%arg6 : memref<8192xf32, #tpu.memory_space<vmem>>) target_semaphore(%arg14 : memref<!tpu.dma_semaphore, #tpu.memory_space<semaphore_mem>>)
    %dma_wait3A_695 = arith.constant 16384 : i32
    %dma_wait3A_696 = tpu.memref_slice %arg2[%add3A_688, %dma_wait3A_695] : memref<128x65536xf32, #tpu.memory_space<hbm>> -> memref<1x8192xf32, #tpu.memory_space<hbm>>
    %dma_wait3A_697 = tpu.memref_squeeze %dma_wait3A_696 : memref<1x8192xf32, #tpu.memory_space<hbm>> -> memref<8192xf32, #tpu.memory_space<hbm>>
    %dma_wait3A_698 = arith.constant 16384 : i32
    %dma_wait3A_699 = tpu.memref_slice %arg2[%add3A_688, %dma_wait3A_698] : memref<128x65536xf32, #tpu.memory_space<hbm>> -> memref<1x8192xf32, #tpu.memory_space<hbm>>
    %dma_wait3A_700 = tpu.memref_squeeze %dma_wait3A_699 : memref<1x8192xf32, #tpu.memory_space<hbm>> -> memref<8192xf32, #tpu.memory_space<hbm>>
    tpu.wait_dma2 semaphore(%arg14 : memref<!tpu.dma_semaphore, #tpu.memory_space<semaphore_mem>>) src(%dma_wait3A_700 : memref<8192xf32, #tpu.memory_space<hbm>>) dst(%arg6 : memref<8192xf32, #tpu.memory_space<vmem>>)
    %add3A_701 = arith.constant 3 : i32
    %add3A_702 = arith.addi %mul3A_2, %add3A_701 : i32
    %dma_start3A_703 = arith.constant 16384 : i32
    %dma_start3A_704 = tpu.memref_slice %arg3[%add3A_702, %dma_start3A_703] : memref<128x65536xf32, #tpu.memory_space<hbm>> -> memref<1x8192xf32, #tpu.memory_space<hbm>>
    %dma_start3A_705 = tpu.memref_squeeze %dma_start3A_704 : memref<1x8192xf32, #tpu.memory_space<hbm>> -> memref<8192xf32, #tpu.memory_space<hbm>>
    %dma_start3A_706 = arith.constant 16384 : i32
    %dma_start3A_707 = tpu.memref_slice %arg3[%add3A_702, %dma_start3A_706] : memref<128x65536xf32, #tpu.memory_space<hbm>> -> memref<1x8192xf32, #tpu.memory_space<hbm>>
    %dma_start3A_708 = tpu.memref_squeeze %dma_start3A_707 : memref<1x8192xf32, #tpu.memory_space<hbm>> -> memref<8192xf32, #tpu.memory_space<hbm>>
    tpu.enqueue_dma source(%arg6 : memref<8192xf32, #tpu.memory_space<vmem>>) target(%dma_start3A_708 : memref<8192xf32, #tpu.memory_space<hbm>>) target_semaphore(%arg22 : memref<!tpu.dma_semaphore, #tpu.memory_space<semaphore_mem>>)
    %dma_wait3A_709 = arith.constant 24576 : i32
    %dma_wait3A_710 = tpu.memref_slice %arg3[%add3A_506, %dma_wait3A_709] : memref<128x65536xf32, #tpu.memory_space<hbm>> -> memref<1x8192xf32, #tpu.memory_space<hbm>>
    %dma_wait3A_711 = tpu.memref_squeeze %dma_wait3A_710 : memref<1x8192xf32, #tpu.memory_space<hbm>> -> memref<8192xf32, #tpu.memory_space<hbm>>
    %dma_wait3A_712 = arith.constant 24576 : i32
    %dma_wait3A_713 = tpu.memref_slice %arg3[%add3A_506, %dma_wait3A_712] : memref<128x65536xf32, #tpu.memory_space<hbm>> -> memref<1x8192xf32, #tpu.memory_space<hbm>>
    %dma_wait3A_714 = tpu.memref_squeeze %dma_wait3A_713 : memref<1x8192xf32, #tpu.memory_space<hbm>> -> memref<8192xf32, #tpu.memory_space<hbm>>
    tpu.wait_dma2 semaphore(%arg23 : memref<!tpu.dma_semaphore, #tpu.memory_space<semaphore_mem>>) src(%arg7 : memref<8192xf32, #tpu.memory_space<vmem>>) dst(%dma_wait3A_714 : memref<8192xf32, #tpu.memory_space<hbm>>)
    %add3A_715 = arith.constant 3 : i32
    %add3A_716 = arith.addi %mul3A_2, %add3A_715 : i32
    %dma_start3A_717 = arith.constant 24576 : i32
    %dma_start3A_718 = tpu.memref_slice %arg2[%add3A_716, %dma_start3A_717] : memref<128x65536xf32, #tpu.memory_space<hbm>> -> memref<1x8192xf32, #tpu.memory_space<hbm>>
    %dma_start3A_719 = tpu.memref_squeeze %dma_start3A_718 : memref<1x8192xf32, #tpu.memory_space<hbm>> -> memref<8192xf32, #tpu.memory_space<hbm>>
    %dma_start3A_720 = arith.constant 24576 : i32
    %dma_start3A_721 = tpu.memref_slice %arg2[%add3A_716, %dma_start3A_720] : memref<128x65536xf32, #tpu.memory_space<hbm>> -> memref<1x8192xf32, #tpu.memory_space<hbm>>
    %dma_start3A_722 = tpu.memref_squeeze %dma_start3A_721 : memref<1x8192xf32, #tpu.memory_space<hbm>> -> memref<8192xf32, #tpu.memory_space<hbm>>
    tpu.enqueue_dma source(%dma_start3A_722 : memref<8192xf32, #tpu.memory_space<hbm>>) target(%arg7 : memref<8192xf32, #tpu.memory_space<vmem>>) target_semaphore(%arg15 : memref<!tpu.dma_semaphore, #tpu.memory_space<semaphore_mem>>)
    %dma_wait3A_723 = arith.constant 24576 : i32
    %dma_wait3A_724 = tpu.memref_slice %arg2[%add3A_716, %dma_wait3A_723] : memref<128x65536xf32, #tpu.memory_space<hbm>> -> memref<1x8192xf32, #tpu.memory_space<hbm>>
    %dma_wait3A_725 = tpu.memref_squeeze %dma_wait3A_724 : memref<1x8192xf32, #tpu.memory_space<hbm>> -> memref<8192xf32, #tpu.memory_space<hbm>>
    %dma_wait3A_726 = arith.constant 24576 : i32
    %dma_wait3A_727 = tpu.memref_slice %arg2[%add3A_716, %dma_wait3A_726] : memref<128x65536xf32, #tpu.memory_space<hbm>> -> memref<1x8192xf32, #tpu.memory_space<hbm>>
    %dma_wait3A_728 = tpu.memref_squeeze %dma_wait3A_727 : memref<1x8192xf32, #tpu.memory_space<hbm>> -> memref<8192xf32, #tpu.memory_space<hbm>>
    tpu.wait_dma2 semaphore(%arg15 : memref<!tpu.dma_semaphore, #tpu.memory_space<semaphore_mem>>) src(%dma_wait3A_728 : memref<8192xf32, #tpu.memory_space<hbm>>) dst(%arg7 : memref<8192xf32, #tpu.memory_space<vmem>>)
    %add3A_729 = arith.constant 3 : i32
    %add3A_730 = arith.addi %mul3A_2, %add3A_729 : i32
    %dma_start3A_731 = arith.constant 24576 : i32
    %dma_start3A_732 = tpu.memref_slice %arg3[%add3A_730, %dma_start3A_731] : memref<128x65536xf32, #tpu.memory_space<hbm>> -> memref<1x8192xf32, #tpu.memory_space<hbm>>
    %dma_start3A_733 = tpu.memref_squeeze %dma_start3A_732 : memref<1x8192xf32, #tpu.memory_space<hbm>> -> memref<8192xf32, #tpu.memory_space<hbm>>
    %dma_start3A_734 = arith.constant 24576 : i32
    %dma_start3A_735 = tpu.memref_slice %arg3[%add3A_730, %dma_start3A_734] : memref<128x65536xf32, #tpu.memory_space<hbm>> -> memref<1x8192xf32, #tpu.memory_space<hbm>>
    %dma_start3A_736 = tpu.memref_squeeze %dma_start3A_735 : memref<1x8192xf32, #tpu.memory_space<hbm>> -> memref<8192xf32, #tpu.memory_space<hbm>>
    tpu.enqueue_dma source(%arg7 : memref<8192xf32, #tpu.memory_space<vmem>>) target(%dma_start3A_736 : memref<8192xf32, #tpu.memory_space<hbm>>) target_semaphore(%arg23 : memref<!tpu.dma_semaphore, #tpu.memory_space<semaphore_mem>>)
    %dma_wait3A_737 = arith.constant 32768 : i32
    %dma_wait3A_738 = tpu.memref_slice %arg3[%add3A_534, %dma_wait3A_737] : memref<128x65536xf32, #tpu.memory_space<hbm>> -> memref<1x8192xf32, #tpu.memory_space<hbm>>
    %dma_wait3A_739 = tpu.memref_squeeze %dma_wait3A_738 : memref<1x8192xf32, #tpu.memory_space<hbm>> -> memref<8192xf32, #tpu.memory_space<hbm>>
    %dma_wait3A_740 = arith.constant 32768 : i32
    %dma_wait3A_741 = tpu.memref_slice %arg3[%add3A_534, %dma_wait3A_740] : memref<128x65536xf32, #tpu.memory_space<hbm>> -> memref<1x8192xf32, #tpu.memory_space<hbm>>
    %dma_wait3A_742 = tpu.memref_squeeze %dma_wait3A_741 : memref<1x8192xf32, #tpu.memory_space<hbm>> -> memref<8192xf32, #tpu.memory_space<hbm>>
    tpu.wait_dma2 semaphore(%arg24 : memref<!tpu.dma_semaphore, #tpu.memory_space<semaphore_mem>>) src(%arg8 : memref<8192xf32, #tpu.memory_space<vmem>>) dst(%dma_wait3A_742 : memref<8192xf32, #tpu.memory_space<hbm>>)
    %add3A_743 = arith.constant 3 : i32
    %add3A_744 = arith.addi %mul3A_2, %add3A_743 : i32
    %dma_start3A_745 = arith.constant 32768 : i32
    %dma_start3A_746 = tpu.memref_slice %arg2[%add3A_744, %dma_start3A_745] : memref<128x65536xf32, #tpu.memory_space<hbm>> -> memref<1x8192xf32, #tpu.memory_space<hbm>>
    %dma_start3A_747 = tpu.memref_squeeze %dma_start3A_746 : memref<1x8192xf32, #tpu.memory_space<hbm>> -> memref<8192xf32, #tpu.memory_space<hbm>>
    %dma_start3A_748 = arith.constant 32768 : i32
    %dma_start3A_749 = tpu.memref_slice %arg2[%add3A_744, %dma_start3A_748] : memref<128x65536xf32, #tpu.memory_space<hbm>> -> memref<1x8192xf32, #tpu.memory_space<hbm>>
    %dma_start3A_750 = tpu.memref_squeeze %dma_start3A_749 : memref<1x8192xf32, #tpu.memory_space<hbm>> -> memref<8192xf32, #tpu.memory_space<hbm>>
    tpu.enqueue_dma source(%dma_start3A_750 : memref<8192xf32, #tpu.memory_space<hbm>>) target(%arg8 : memref<8192xf32, #tpu.memory_space<vmem>>) target_semaphore(%arg16 : memref<!tpu.dma_semaphore, #tpu.memory_space<semaphore_mem>>)
    %dma_wait3A_751 = arith.constant 32768 : i32
    %dma_wait3A_752 = tpu.memref_slice %arg2[%add3A_744, %dma_wait3A_751] : memref<128x65536xf32, #tpu.memory_space<hbm>> -> memref<1x8192xf32, #tpu.memory_space<hbm>>
    %dma_wait3A_753 = tpu.memref_squeeze %dma_wait3A_752 : memref<1x8192xf32, #tpu.memory_space<hbm>> -> memref<8192xf32, #tpu.memory_space<hbm>>
    %dma_wait3A_754 = arith.constant 32768 : i32
    %dma_wait3A_755 = tpu.memref_slice %arg2[%add3A_744, %dma_wait3A_754] : memref<128x65536xf32, #tpu.memory_space<hbm>> -> memref<1x8192xf32, #tpu.memory_space<hbm>>
    %dma_wait3A_756 = tpu.memref_squeeze %dma_wait3A_755 : memref<1x8192xf32, #tpu.memory_space<hbm>> -> memref<8192xf32, #tpu.memory_space<hbm>>
    tpu.wait_dma2 semaphore(%arg16 : memref<!tpu.dma_semaphore, #tpu.memory_space<semaphore_mem>>) src(%dma_wait3A_756 : memref<8192xf32, #tpu.memory_space<hbm>>) dst(%arg8 : memref<8192xf32, #tpu.memory_space<vmem>>)
    %add3A_757 = arith.constant 3 : i32
    %add3A_758 = arith.addi %mul3A_2, %add3A_757 : i32
    %dma_start3A_759 = arith.constant 32768 : i32
    %dma_start3A_760 = tpu.memref_slice %arg3[%add3A_758, %dma_start3A_759] : memref<128x65536xf32, #tpu.memory_space<hbm>> -> memref<1x8192xf32, #tpu.memory_space<hbm>>
    %dma_start3A_761 = tpu.memref_squeeze %dma_start3A_760 : memref<1x8192xf32, #tpu.memory_space<hbm>> -> memref<8192xf32, #tpu.memory_space<hbm>>
    %dma_start3A_762 = arith.constant 32768 : i32
    %dma_start3A_763 = tpu.memref_slice %arg3[%add3A_758, %dma_start3A_762] : memref<128x65536xf32, #tpu.memory_space<hbm>> -> memref<1x8192xf32, #tpu.memory_space<hbm>>
    %dma_start3A_764 = tpu.memref_squeeze %dma_start3A_763 : memref<1x8192xf32, #tpu.memory_space<hbm>> -> memref<8192xf32, #tpu.memory_space<hbm>>
    tpu.enqueue_dma source(%arg8 : memref<8192xf32, #tpu.memory_space<vmem>>) target(%dma_start3A_764 : memref<8192xf32, #tpu.memory_space<hbm>>) target_semaphore(%arg24 : memref<!tpu.dma_semaphore, #tpu.memory_space<semaphore_mem>>)
    %dma_wait3A_765 = arith.constant 40960 : i32
    %dma_wait3A_766 = tpu.memref_slice %arg3[%add3A_562, %dma_wait3A_765] : memref<128x65536xf32, #tpu.memory_space<hbm>> -> memref<1x8192xf32, #tpu.memory_space<hbm>>
    %dma_wait3A_767 = tpu.memref_squeeze %dma_wait3A_766 : memref<1x8192xf32, #tpu.memory_space<hbm>> -> memref<8192xf32, #tpu.memory_space<hbm>>
    %dma_wait3A_768 = arith.constant 40960 : i32
    %dma_wait3A_769 = tpu.memref_slice %arg3[%add3A_562, %dma_wait3A_768] : memref<128x65536xf32, #tpu.memory_space<hbm>> -> memref<1x8192xf32, #tpu.memory_space<hbm>>
    %dma_wait3A_770 = tpu.memref_squeeze %dma_wait3A_769 : memref<1x8192xf32, #tpu.memory_space<hbm>> -> memref<8192xf32, #tpu.memory_space<hbm>>
    tpu.wait_dma2 semaphore(%arg25 : memref<!tpu.dma_semaphore, #tpu.memory_space<semaphore_mem>>) src(%arg9 : memref<8192xf32, #tpu.memory_space<vmem>>) dst(%dma_wait3A_770 : memref<8192xf32, #tpu.memory_space<hbm>>)
    %add3A_771 = arith.constant 3 : i32
    %add3A_772 = arith.addi %mul3A_2, %add3A_771 : i32
    %dma_start3A_773 = arith.constant 40960 : i32
    %dma_start3A_774 = tpu.memref_slice %arg2[%add3A_772, %dma_start3A_773] : memref<128x65536xf32, #tpu.memory_space<hbm>> -> memref<1x8192xf32, #tpu.memory_space<hbm>>
    %dma_start3A_775 = tpu.memref_squeeze %dma_start3A_774 : memref<1x8192xf32, #tpu.memory_space<hbm>> -> memref<8192xf32, #tpu.memory_space<hbm>>
    %dma_start3A_776 = arith.constant 40960 : i32
    %dma_start3A_777 = tpu.memref_slice %arg2[%add3A_772, %dma_start3A_776] : memref<128x65536xf32, #tpu.memory_space<hbm>> -> memref<1x8192xf32, #tpu.memory_space<hbm>>
    %dma_start3A_778 = tpu.memref_squeeze %dma_start3A_777 : memref<1x8192xf32, #tpu.memory_space<hbm>> -> memref<8192xf32, #tpu.memory_space<hbm>>
    tpu.enqueue_dma source(%dma_start3A_778 : memref<8192xf32, #tpu.memory_space<hbm>>) target(%arg9 : memref<8192xf32, #tpu.memory_space<vmem>>) target_semaphore(%arg17 : memref<!tpu.dma_semaphore, #tpu.memory_space<semaphore_mem>>)
    %dma_wait3A_779 = arith.constant 40960 : i32
    %dma_wait3A_780 = tpu.memref_slice %arg2[%add3A_772, %dma_wait3A_779] : memref<128x65536xf32, #tpu.memory_space<hbm>> -> memref<1x8192xf32, #tpu.memory_space<hbm>>
    %dma_wait3A_781 = tpu.memref_squeeze %dma_wait3A_780 : memref<1x8192xf32, #tpu.memory_space<hbm>> -> memref<8192xf32, #tpu.memory_space<hbm>>
    %dma_wait3A_782 = arith.constant 40960 : i32
    %dma_wait3A_783 = tpu.memref_slice %arg2[%add3A_772, %dma_wait3A_782] : memref<128x65536xf32, #tpu.memory_space<hbm>> -> memref<1x8192xf32, #tpu.memory_space<hbm>>
    %dma_wait3A_784 = tpu.memref_squeeze %dma_wait3A_783 : memref<1x8192xf32, #tpu.memory_space<hbm>> -> memref<8192xf32, #tpu.memory_space<hbm>>
    tpu.wait_dma2 semaphore(%arg17 : memref<!tpu.dma_semaphore, #tpu.memory_space<semaphore_mem>>) src(%dma_wait3A_784 : memref<8192xf32, #tpu.memory_space<hbm>>) dst(%arg9 : memref<8192xf32, #tpu.memory_space<vmem>>)
    %add3A_785 = arith.constant 3 : i32
    %add3A_786 = arith.addi %mul3A_2, %add3A_785 : i32
    %dma_start3A_787 = arith.constant 40960 : i32
    %dma_start3A_788 = tpu.memref_slice %arg3[%add3A_786, %dma_start3A_787] : memref<128x65536xf32, #tpu.memory_space<hbm>> -> memref<1x8192xf32, #tpu.memory_space<hbm>>
    %dma_start3A_789 = tpu.memref_squeeze %dma_start3A_788 : memref<1x8192xf32, #tpu.memory_space<hbm>> -> memref<8192xf32, #tpu.memory_space<hbm>>
    %dma_start3A_790 = arith.constant 40960 : i32
    %dma_start3A_791 = tpu.memref_slice %arg3[%add3A_786, %dma_start3A_790] : memref<128x65536xf32, #tpu.memory_space<hbm>> -> memref<1x8192xf32, #tpu.memory_space<hbm>>
    %dma_start3A_792 = tpu.memref_squeeze %dma_start3A_791 : memref<1x8192xf32, #tpu.memory_space<hbm>> -> memref<8192xf32, #tpu.memory_space<hbm>>
    tpu.enqueue_dma source(%arg9 : memref<8192xf32, #tpu.memory_space<vmem>>) target(%dma_start3A_792 : memref<8192xf32, #tpu.memory_space<hbm>>) target_semaphore(%arg25 : memref<!tpu.dma_semaphore, #tpu.memory_space<semaphore_mem>>)
    %dma_wait3A_793 = arith.constant 49152 : i32
    %dma_wait3A_794 = tpu.memref_slice %arg3[%add3A_590, %dma_wait3A_793] : memref<128x65536xf32, #tpu.memory_space<hbm>> -> memref<1x8192xf32, #tpu.memory_space<hbm>>
    %dma_wait3A_795 = tpu.memref_squeeze %dma_wait3A_794 : memref<1x8192xf32, #tpu.memory_space<hbm>> -> memref<8192xf32, #tpu.memory_space<hbm>>
    %dma_wait3A_796 = arith.constant 49152 : i32
    %dma_wait3A_797 = tpu.memref_slice %arg3[%add3A_590, %dma_wait3A_796] : memref<128x65536xf32, #tpu.memory_space<hbm>> -> memref<1x8192xf32, #tpu.memory_space<hbm>>
    %dma_wait3A_798 = tpu.memref_squeeze %dma_wait3A_797 : memref<1x8192xf32, #tpu.memory_space<hbm>> -> memref<8192xf32, #tpu.memory_space<hbm>>
    tpu.wait_dma2 semaphore(%arg26 : memref<!tpu.dma_semaphore, #tpu.memory_space<semaphore_mem>>) src(%arg10 : memref<8192xf32, #tpu.memory_space<vmem>>) dst(%dma_wait3A_798 : memref<8192xf32, #tpu.memory_space<hbm>>)
    %add3A_799 = arith.constant 3 : i32
    %add3A_800 = arith.addi %mul3A_2, %add3A_799 : i32
    %dma_start3A_801 = arith.constant 49152 : i32
    %dma_start3A_802 = tpu.memref_slice %arg2[%add3A_800, %dma_start3A_801] : memref<128x65536xf32, #tpu.memory_space<hbm>> -> memref<1x8192xf32, #tpu.memory_space<hbm>>
    %dma_start3A_803 = tpu.memref_squeeze %dma_start3A_802 : memref<1x8192xf32, #tpu.memory_space<hbm>> -> memref<8192xf32, #tpu.memory_space<hbm>>
    %dma_start3A_804 = arith.constant 49152 : i32
    %dma_start3A_805 = tpu.memref_slice %arg2[%add3A_800, %dma_start3A_804] : memref<128x65536xf32, #tpu.memory_space<hbm>> -> memref<1x8192xf32, #tpu.memory_space<hbm>>
    %dma_start3A_806 = tpu.memref_squeeze %dma_start3A_805 : memref<1x8192xf32, #tpu.memory_space<hbm>> -> memref<8192xf32, #tpu.memory_space<hbm>>
    tpu.enqueue_dma source(%dma_start3A_806 : memref<8192xf32, #tpu.memory_space<hbm>>) target(%arg10 : memref<8192xf32, #tpu.memory_space<vmem>>) target_semaphore(%arg18 : memref<!tpu.dma_semaphore, #tpu.memory_space<semaphore_mem>>)
    %dma_wait3A_807 = arith.constant 49152 : i32
    %dma_wait3A_808 = tpu.memref_slice %arg2[%add3A_800, %dma_wait3A_807] : memref<128x65536xf32, #tpu.memory_space<hbm>> -> memref<1x8192xf32, #tpu.memory_space<hbm>>
    %dma_wait3A_809 = tpu.memref_squeeze %dma_wait3A_808 : memref<1x8192xf32, #tpu.memory_space<hbm>> -> memref<8192xf32, #tpu.memory_space<hbm>>
    %dma_wait3A_810 = arith.constant 49152 : i32
    %dma_wait3A_811 = tpu.memref_slice %arg2[%add3A_800, %dma_wait3A_810] : memref<128x65536xf32, #tpu.memory_space<hbm>> -> memref<1x8192xf32, #tpu.memory_space<hbm>>
    %dma_wait3A_812 = tpu.memref_squeeze %dma_wait3A_811 : memref<1x8192xf32, #tpu.memory_space<hbm>> -> memref<8192xf32, #tpu.memory_space<hbm>>
    tpu.wait_dma2 semaphore(%arg18 : memref<!tpu.dma_semaphore, #tpu.memory_space<semaphore_mem>>) src(%dma_wait3A_812 : memref<8192xf32, #tpu.memory_space<hbm>>) dst(%arg10 : memref<8192xf32, #tpu.memory_space<vmem>>)
    %add3A_813 = arith.constant 3 : i32
    %add3A_814 = arith.addi %mul3A_2, %add3A_813 : i32
    %dma_start3A_815 = arith.constant 49152 : i32
    %dma_start3A_816 = tpu.memref_slice %arg3[%add3A_814, %dma_start3A_815] : memref<128x65536xf32, #tpu.memory_space<hbm>> -> memref<1x8192xf32, #tpu.memory_space<hbm>>
    %dma_start3A_817 = tpu.memref_squeeze %dma_start3A_816 : memref<1x8192xf32, #tpu.memory_space<hbm>> -> memref<8192xf32, #tpu.memory_space<hbm>>
    %dma_start3A_818 = arith.constant 49152 : i32
    %dma_start3A_819 = tpu.memref_slice %arg3[%add3A_814, %dma_start3A_818] : memref<128x65536xf32, #tpu.memory_space<hbm>> -> memref<1x8192xf32, #tpu.memory_space<hbm>>
    %dma_start3A_820 = tpu.memref_squeeze %dma_start3A_819 : memref<1x8192xf32, #tpu.memory_space<hbm>> -> memref<8192xf32, #tpu.memory_space<hbm>>
    tpu.enqueue_dma source(%arg10 : memref<8192xf32, #tpu.memory_space<vmem>>) target(%dma_start3A_820 : memref<8192xf32, #tpu.memory_space<hbm>>) target_semaphore(%arg26 : memref<!tpu.dma_semaphore, #tpu.memory_space<semaphore_mem>>)
    %dma_wait3A_821 = arith.constant 57344 : i32
    %dma_wait3A_822 = tpu.memref_slice %arg3[%add3A_618, %dma_wait3A_821] : memref<128x65536xf32, #tpu.memory_space<hbm>> -> memref<1x8192xf32, #tpu.memory_space<hbm>>
    %dma_wait3A_823 = tpu.memref_squeeze %dma_wait3A_822 : memref<1x8192xf32, #tpu.memory_space<hbm>> -> memref<8192xf32, #tpu.memory_space<hbm>>
    %dma_wait3A_824 = arith.constant 57344 : i32
    %dma_wait3A_825 = tpu.memref_slice %arg3[%add3A_618, %dma_wait3A_824] : memref<128x65536xf32, #tpu.memory_space<hbm>> -> memref<1x8192xf32, #tpu.memory_space<hbm>>
    %dma_wait3A_826 = tpu.memref_squeeze %dma_wait3A_825 : memref<1x8192xf32, #tpu.memory_space<hbm>> -> memref<8192xf32, #tpu.memory_space<hbm>>
    tpu.wait_dma2 semaphore(%arg27 : memref<!tpu.dma_semaphore, #tpu.memory_space<semaphore_mem>>) src(%arg11 : memref<8192xf32, #tpu.memory_space<vmem>>) dst(%dma_wait3A_826 : memref<8192xf32, #tpu.memory_space<hbm>>)
    %add3A_827 = arith.constant 3 : i32
    %add3A_828 = arith.addi %mul3A_2, %add3A_827 : i32
    %dma_start3A_829 = arith.constant 57344 : i32
    %dma_start3A_830 = tpu.memref_slice %arg2[%add3A_828, %dma_start3A_829] : memref<128x65536xf32, #tpu.memory_space<hbm>> -> memref<1x8192xf32, #tpu.memory_space<hbm>>
    %dma_start3A_831 = tpu.memref_squeeze %dma_start3A_830 : memref<1x8192xf32, #tpu.memory_space<hbm>> -> memref<8192xf32, #tpu.memory_space<hbm>>
    %dma_start3A_832 = arith.constant 57344 : i32
    %dma_start3A_833 = tpu.memref_slice %arg2[%add3A_828, %dma_start3A_832] : memref<128x65536xf32, #tpu.memory_space<hbm>> -> memref<1x8192xf32, #tpu.memory_space<hbm>>
    %dma_start3A_834 = tpu.memref_squeeze %dma_start3A_833 : memref<1x8192xf32, #tpu.memory_space<hbm>> -> memref<8192xf32, #tpu.memory_space<hbm>>
    tpu.enqueue_dma source(%dma_start3A_834 : memref<8192xf32, #tpu.memory_space<hbm>>) target(%arg11 : memref<8192xf32, #tpu.memory_space<vmem>>) target_semaphore(%arg19 : memref<!tpu.dma_semaphore, #tpu.memory_space<semaphore_mem>>)
    %dma_wait3A_835 = arith.constant 57344 : i32
    %dma_wait3A_836 = tpu.memref_slice %arg2[%add3A_828, %dma_wait3A_835] : memref<128x65536xf32, #tpu.memory_space<hbm>> -> memref<1x8192xf32, #tpu.memory_space<hbm>>
    %dma_wait3A_837 = tpu.memref_squeeze %dma_wait3A_836 : memref<1x8192xf32, #tpu.memory_space<hbm>> -> memref<8192xf32, #tpu.memory_space<hbm>>
    %dma_wait3A_838 = arith.constant 57344 : i32
    %dma_wait3A_839 = tpu.memref_slice %arg2[%add3A_828, %dma_wait3A_838] : memref<128x65536xf32, #tpu.memory_space<hbm>> -> memref<1x8192xf32, #tpu.memory_space<hbm>>
    %dma_wait3A_840 = tpu.memref_squeeze %dma_wait3A_839 : memref<1x8192xf32, #tpu.memory_space<hbm>> -> memref<8192xf32, #tpu.memory_space<hbm>>
    tpu.wait_dma2 semaphore(%arg19 : memref<!tpu.dma_semaphore, #tpu.memory_space<semaphore_mem>>) src(%dma_wait3A_840 : memref<8192xf32, #tpu.memory_space<hbm>>) dst(%arg11 : memref<8192xf32, #tpu.memory_space<vmem>>)
    %add3A_841 = arith.constant 3 : i32
    %add3A_842 = arith.addi %mul3A_2, %add3A_841 : i32
    %dma_start3A_843 = arith.constant 57344 : i32
    %dma_start3A_844 = tpu.memref_slice %arg3[%add3A_842, %dma_start3A_843] : memref<128x65536xf32, #tpu.memory_space<hbm>> -> memref<1x8192xf32, #tpu.memory_space<hbm>>
    %dma_start3A_845 = tpu.memref_squeeze %dma_start3A_844 : memref<1x8192xf32, #tpu.memory_space<hbm>> -> memref<8192xf32, #tpu.memory_space<hbm>>
    %dma_start3A_846 = arith.constant 57344 : i32
    %dma_start3A_847 = tpu.memref_slice %arg3[%add3A_842, %dma_start3A_846] : memref<128x65536xf32, #tpu.memory_space<hbm>> -> memref<1x8192xf32, #tpu.memory_space<hbm>>
    %dma_start3A_848 = tpu.memref_squeeze %dma_start3A_847 : memref<1x8192xf32, #tpu.memory_space<hbm>> -> memref<8192xf32, #tpu.memory_space<hbm>>
    tpu.enqueue_dma source(%arg11 : memref<8192xf32, #tpu.memory_space<vmem>>) target(%dma_start3A_848 : memref<8192xf32, #tpu.memory_space<hbm>>) target_semaphore(%arg27 : memref<!tpu.dma_semaphore, #tpu.memory_space<semaphore_mem>>)
    %dma_wait3A_849 = arith.constant 0 : i32
    %dma_wait3A_850 = tpu.memref_slice %arg3[%add3A_646, %dma_wait3A_849] : memref<128x65536xf32, #tpu.memory_space<hbm>> -> memref<1x8192xf32, #tpu.memory_space<hbm>>
    %dma_wait3A_851 = tpu.memref_squeeze %dma_wait3A_850 : memref<1x8192xf32, #tpu.memory_space<hbm>> -> memref<8192xf32, #tpu.memory_space<hbm>>
    %dma_wait3A_852 = arith.constant 0 : i32
    %dma_wait3A_853 = tpu.memref_slice %arg3[%add3A_646, %dma_wait3A_852] : memref<128x65536xf32, #tpu.memory_space<hbm>> -> memref<1x8192xf32, #tpu.memory_space<hbm>>
    %dma_wait3A_854 = tpu.memref_squeeze %dma_wait3A_853 : memref<1x8192xf32, #tpu.memory_space<hbm>> -> memref<8192xf32, #tpu.memory_space<hbm>>
    tpu.wait_dma2 semaphore(%arg20 : memref<!tpu.dma_semaphore, #tpu.memory_space<semaphore_mem>>) src(%arg4 : memref<8192xf32, #tpu.memory_space<vmem>>) dst(%dma_wait3A_854 : memref<8192xf32, #tpu.memory_space<hbm>>)
    %dma_wait3A_855 = arith.constant 8192 : i32
    %dma_wait3A_856 = tpu.memref_slice %arg3[%add3A_674, %dma_wait3A_855] : memref<128x65536xf32, #tpu.memory_space<hbm>> -> memref<1x8192xf32, #tpu.memory_space<hbm>>
    %dma_wait3A_857 = tpu.memref_squeeze %dma_wait3A_856 : memref<1x8192xf32, #tpu.memory_space<hbm>> -> memref<8192xf32, #tpu.memory_space<hbm>>
    %dma_wait3A_858 = arith.constant 8192 : i32
    %dma_wait3A_859 = tpu.memref_slice %arg3[%add3A_674, %dma_wait3A_858] : memref<128x65536xf32, #tpu.memory_space<hbm>> -> memref<1x8192xf32, #tpu.memory_space<hbm>>
    %dma_wait3A_860 = tpu.memref_squeeze %dma_wait3A_859 : memref<1x8192xf32, #tpu.memory_space<hbm>> -> memref<8192xf32, #tpu.memory_space<hbm>>
    tpu.wait_dma2 semaphore(%arg21 : memref<!tpu.dma_semaphore, #tpu.memory_space<semaphore_mem>>) src(%arg5 : memref<8192xf32, #tpu.memory_space<vmem>>) dst(%dma_wait3A_860 : memref<8192xf32, #tpu.memory_space<hbm>>)
    %dma_wait3A_861 = arith.constant 16384 : i32
    %dma_wait3A_862 = tpu.memref_slice %arg3[%add3A_702, %dma_wait3A_861] : memref<128x65536xf32, #tpu.memory_space<hbm>> -> memref<1x8192xf32, #tpu.memory_space<hbm>>
    %dma_wait3A_863 = tpu.memref_squeeze %dma_wait3A_862 : memref<1x8192xf32, #tpu.memory_space<hbm>> -> memref<8192xf32, #tpu.memory_space<hbm>>
    %dma_wait3A_864 = arith.constant 16384 : i32
    %dma_wait3A_865 = tpu.memref_slice %arg3[%add3A_702, %dma_wait3A_864] : memref<128x65536xf32, #tpu.memory_space<hbm>> -> memref<1x8192xf32, #tpu.memory_space<hbm>>
    %dma_wait3A_866 = tpu.memref_squeeze %dma_wait3A_865 : memref<1x8192xf32, #tpu.memory_space<hbm>> -> memref<8192xf32, #tpu.memory_space<hbm>>
    tpu.wait_dma2 semaphore(%arg22 : memref<!tpu.dma_semaphore, #tpu.memory_space<semaphore_mem>>) src(%arg6 : memref<8192xf32, #tpu.memory_space<vmem>>) dst(%dma_wait3A_866 : memref<8192xf32, #tpu.memory_space<hbm>>)
    %dma_wait3A_867 = arith.constant 24576 : i32
    %dma_wait3A_868 = tpu.memref_slice %arg3[%add3A_730, %dma_wait3A_867] : memref<128x65536xf32, #tpu.memory_space<hbm>> -> memref<1x8192xf32, #tpu.memory_space<hbm>>
    %dma_wait3A_869 = tpu.memref_squeeze %dma_wait3A_868 : memref<1x8192xf32, #tpu.memory_space<hbm>> -> memref<8192xf32, #tpu.memory_space<hbm>>
    %dma_wait3A_870 = arith.constant 24576 : i32
    %dma_wait3A_871 = tpu.memref_slice %arg3[%add3A_730, %dma_wait3A_870] : memref<128x65536xf32, #tpu.memory_space<hbm>> -> memref<1x8192xf32, #tpu.memory_space<hbm>>
    %dma_wait3A_872 = tpu.memref_squeeze %dma_wait3A_871 : memref<1x8192xf32, #tpu.memory_space<hbm>> -> memref<8192xf32, #tpu.memory_space<hbm>>
    tpu.wait_dma2 semaphore(%arg23 : memref<!tpu.dma_semaphore, #tpu.memory_space<semaphore_mem>>) src(%arg7 : memref<8192xf32, #tpu.memory_space<vmem>>) dst(%dma_wait3A_872 : memref<8192xf32, #tpu.memory_space<hbm>>)
    %dma_wait3A_873 = arith.constant 32768 : i32
    %dma_wait3A_874 = tpu.memref_slice %arg3[%add3A_758, %dma_wait3A_873] : memref<128x65536xf32, #tpu.memory_space<hbm>> -> memref<1x8192xf32, #tpu.memory_space<hbm>>
    %dma_wait3A_875 = tpu.memref_squeeze %dma_wait3A_874 : memref<1x8192xf32, #tpu.memory_space<hbm>> -> memref<8192xf32, #tpu.memory_space<hbm>>
    %dma_wait3A_876 = arith.constant 32768 : i32
    %dma_wait3A_877 = tpu.memref_slice %arg3[%add3A_758, %dma_wait3A_876] : memref<128x65536xf32, #tpu.memory_space<hbm>> -> memref<1x8192xf32, #tpu.memory_space<hbm>>
    %dma_wait3A_878 = tpu.memref_squeeze %dma_wait3A_877 : memref<1x8192xf32, #tpu.memory_space<hbm>> -> memref<8192xf32, #tpu.memory_space<hbm>>
    tpu.wait_dma2 semaphore(%arg24 : memref<!tpu.dma_semaphore, #tpu.memory_space<semaphore_mem>>) src(%arg8 : memref<8192xf32, #tpu.memory_space<vmem>>) dst(%dma_wait3A_878 : memref<8192xf32, #tpu.memory_space<hbm>>)
    %dma_wait3A_879 = arith.constant 40960 : i32
    %dma_wait3A_880 = tpu.memref_slice %arg3[%add3A_786, %dma_wait3A_879] : memref<128x65536xf32, #tpu.memory_space<hbm>> -> memref<1x8192xf32, #tpu.memory_space<hbm>>
    %dma_wait3A_881 = tpu.memref_squeeze %dma_wait3A_880 : memref<1x8192xf32, #tpu.memory_space<hbm>> -> memref<8192xf32, #tpu.memory_space<hbm>>
    %dma_wait3A_882 = arith.constant 40960 : i32
    %dma_wait3A_883 = tpu.memref_slice %arg3[%add3A_786, %dma_wait3A_882] : memref<128x65536xf32, #tpu.memory_space<hbm>> -> memref<1x8192xf32, #tpu.memory_space<hbm>>
    %dma_wait3A_884 = tpu.memref_squeeze %dma_wait3A_883 : memref<1x8192xf32, #tpu.memory_space<hbm>> -> memref<8192xf32, #tpu.memory_space<hbm>>
    tpu.wait_dma2 semaphore(%arg25 : memref<!tpu.dma_semaphore, #tpu.memory_space<semaphore_mem>>) src(%arg9 : memref<8192xf32, #tpu.memory_space<vmem>>) dst(%dma_wait3A_884 : memref<8192xf32, #tpu.memory_space<hbm>>)
    %dma_wait3A_885 = arith.constant 49152 : i32
    %dma_wait3A_886 = tpu.memref_slice %arg3[%add3A_814, %dma_wait3A_885] : memref<128x65536xf32, #tpu.memory_space<hbm>> -> memref<1x8192xf32, #tpu.memory_space<hbm>>
    %dma_wait3A_887 = tpu.memref_squeeze %dma_wait3A_886 : memref<1x8192xf32, #tpu.memory_space<hbm>> -> memref<8192xf32, #tpu.memory_space<hbm>>
    %dma_wait3A_888 = arith.constant 49152 : i32
    %dma_wait3A_889 = tpu.memref_slice %arg3[%add3A_814, %dma_wait3A_888] : memref<128x65536xf32, #tpu.memory_space<hbm>> -> memref<1x8192xf32, #tpu.memory_space<hbm>>
    %dma_wait3A_890 = tpu.memref_squeeze %dma_wait3A_889 : memref<1x8192xf32, #tpu.memory_space<hbm>> -> memref<8192xf32, #tpu.memory_space<hbm>>
    tpu.wait_dma2 semaphore(%arg26 : memref<!tpu.dma_semaphore, #tpu.memory_space<semaphore_mem>>) src(%arg10 : memref<8192xf32, #tpu.memory_space<vmem>>) dst(%dma_wait3A_890 : memref<8192xf32, #tpu.memory_space<hbm>>)
    %dma_wait3A_891 = arith.constant 57344 : i32
    %dma_wait3A_892 = tpu.memref_slice %arg3[%add3A_842, %dma_wait3A_891] : memref<128x65536xf32, #tpu.memory_space<hbm>> -> memref<1x8192xf32, #tpu.memory_space<hbm>>
    %dma_wait3A_893 = tpu.memref_squeeze %dma_wait3A_892 : memref<1x8192xf32, #tpu.memory_space<hbm>> -> memref<8192xf32, #tpu.memory_space<hbm>>
    %dma_wait3A_894 = arith.constant 57344 : i32
    %dma_wait3A_895 = tpu.memref_slice %arg3[%add3A_842, %dma_wait3A_894] : memref<128x65536xf32, #tpu.memory_space<hbm>> -> memref<1x8192xf32, #tpu.memory_space<hbm>>
    %dma_wait3A_896 = tpu.memref_squeeze %dma_wait3A_895 : memref<1x8192xf32, #tpu.memory_space<hbm>> -> memref<8192xf32, #tpu.memory_space<hbm>>
    tpu.wait_dma2 semaphore(%arg27 : memref<!tpu.dma_semaphore, #tpu.memory_space<semaphore_mem>>) src(%arg11 : memref<8192xf32, #tpu.memory_space<vmem>>) dst(%dma_wait3A_896 : memref<8192xf32, #tpu.memory_space<hbm>>)
    return
  }
}

module attributes {stable_mosaic.version = 14 : i64} {
  func.func @_tc_body(%arg0: i32, %arg1: memref<4096x128xf32, #tpu.memory_space<vmem>>, %arg2: memref<128x4096xf32, #tpu.memory_space<vmem>>, %arg3: memref<4096x128xf32, #tpu.memory_space<vmem>>, %arg4: memref<128x4096xf32, #tpu.memory_space<vmem>>) attributes {dimension_semantics = [#tpu.dimension_semantics<arbitrary>], iteration_bounds = array<i64: 16>, scalar_prefetch = 0 : i64, scratch_operands = 0 : i64, tpu.core_type = #tpu.core_type<tc>, window_params = [{pipeline_mode = #tpu.pipeline_mode<synchronous>, transform_indices = @transform_0, window_bounds = array<i64: 4096, 128>}, {transform_indices = @transform_1, window_bounds = array<i64: 128, 4096>}, {pipeline_mode = #tpu.pipeline_mode<synchronous>, transform_indices = @transform_2, window_bounds = array<i64: 4096, 128>}, {transform_indices = @transform_3, window_bounds = array<i64: 128, 4096>}]} {
    %eq3A = arith.constant 0 : i32
    %eq3A_0 = arith.cmpi eq, %arg0, %eq3A : i32
    %convert_element_type3A = arith.extui %eq3A_0 : i1 to i32
    %cond3A = arith.constant 0 : i32
    %cond3A_1 = arith.cmpi ne, %convert_element_type3A, %cond3A : i32
    scf.if %cond3A_1 {
      %get3A = arith.constant 0 : index
      %get3A_6 = arith.constant 0 : index
      %get3A_7 = vector.load %arg1[%get3A, %get3A_6] : memref<4096x128xf32, #tpu.memory_space<vmem>>, vector<4096x128xf32>
      %swap3A = arith.constant 0 : index
      %swap3A_8 = arith.constant 0 : index
      %swap3A_9 = vector.load %arg3[%swap3A, %swap3A_8] : memref<4096x128xf32, #tpu.memory_space<vmem>>, vector<4096x128xf32>
      tpu.vector_store %arg3[%swap3A, %swap3A_8], %get3A_7 {strides = array<i32>} : memref<4096x128xf32, #tpu.memory_space<vmem>>, vector<4096x128xf32>,
      %get3A_10 = arith.constant 0 : index
      %get3A_11 = arith.constant 0 : index
      %get3A_12 = vector.load %arg1[%get3A_10, %get3A_11] : memref<4096x128xf32, #tpu.memory_space<vmem>>, vector<4096x128xf32>
      %transpose3A = tpu.transpose %get3A_12, [1, 0] : vector<4096x128xf32> -> vector<128x4096xf32>
      %swap3A_13 = arith.constant 0 : index
      %swap3A_14 = arith.constant 0 : index
      %swap3A_15 = vector.load %arg4[%swap3A_13, %swap3A_14] : memref<128x4096xf32, #tpu.memory_space<vmem>>, vector<128x4096xf32>
      tpu.vector_store %arg4[%swap3A_13, %swap3A_14], %transpose3A {strides = array<i32>} : memref<128x4096xf32, #tpu.memory_space<vmem>>, vector<128x4096xf32>,
    } else {
    }
    %ne3A = arith.constant 0 : i32
    %ne3A_2 = arith.cmpi ne, %arg0, %ne3A : i32
    %convert_element_type3A_3 = arith.extui %ne3A_2 : i1 to i32
    %cond3A_4 = arith.constant 0 : i32
    %cond3A_5 = arith.cmpi ne, %convert_element_type3A_3, %cond3A_4 : i32
    scf.if %cond3A_5 {
      %get3A = arith.constant 0 : index
      %get3A_6 = arith.constant 0 : index
      %get3A_7 = vector.load %arg2[%get3A, %get3A_6] : memref<128x4096xf32, #tpu.memory_space<vmem>>, vector<128x4096xf32>
      %swap3A = arith.constant 0 : index
      %swap3A_8 = arith.constant 0 : index
      %swap3A_9 = vector.load %arg4[%swap3A, %swap3A_8] : memref<128x4096xf32, #tpu.memory_space<vmem>>, vector<128x4096xf32>
      tpu.vector_store %arg4[%swap3A, %swap3A_8], %get3A_7 {strides = array<i32>} : memref<128x4096xf32, #tpu.memory_space<vmem>>, vector<128x4096xf32>,
    } else {
    }
    return
  }
  func.func @transform_0(%arg0: i32) -> (i32, i32) {
    %c0_i32 = arith.constant 0 : i32
    %c0_i32_0 = arith.constant 0 : i32
    %c0_i32_1 = arith.constant 0 : i32
    return %c0_i32, %c0_i32_0 : i32, i32
  }
  func.func @transform_1(%arg0: i32) -> (i32, i32) {
    %max3A = arith.constant 1 : i32
    %max3A_0 = arith.maxsi %arg0, %max3A : i32
    %c0_i32 = arith.constant 0 : i32
    %c0_i32_1 = arith.constant 0 : i32
    return %c0_i32, %max3A_0 : i32, i32
  }
  func.func @transform_2(%arg0: i32) -> (i32, i32) {
    %c0_i32 = arith.constant 0 : i32
    %c0_i32_0 = arith.constant 0 : i32
    %c0_i32_1 = arith.constant 0 : i32
    return %c0_i32, %c0_i32_0 : i32, i32
  }
  func.func @transform_3(%arg0: i32) -> (i32, i32) {
    %c0_i32 = arith.constant 0 : i32
    %c0_i32_0 = arith.constant 0 : i32
    return %c0_i32, %arg0 : i32, i32
  }
}

</mosaic_0001>

<sc_bundles>
// kernel: kernel.4.cloned.1.call-start
scs
__scs_entry_jumppad:
0x0: {  	(pc) =	sbr.rel $0x88, $3  }
0x1: {  	(tag) =	ssettag $0x0;
	lr =	simm.s32 $0x1  }
0x2: {  	[smem:$0x3F9F] =	sst lr;
	_ =	strace $0xD0000000  }
0x3: {  	_ = 	snop  }
0x4: {  	_ = 	snop  }
0x5: {  	_ = 	snop  }
0x6: {  	_ = 	snop  }
0x7: {  	_ = 	snop  }
__scs_overlays_trampoline_lowered:
0x8: {  	[smem:$0x3FAE] =	sst s0  }
0x9: {  	[smem:$0x3FAF] =	sst s1  }
0xa: {  	[smem:$0x3FB0] =	sst s2  }
0xb: {  	[smem:$0x3FB1] =	sst s3  }
0xc: {  	[smem:$0x3FB2] =	sst s4  }
0xd: {  	[smem:$0x3FB3] =	sst s5  }
0xe: {  	[smem:$0x3FB4] =	sst s6  }
0xf: {  	[smem:$0x3FB5] =	sst s7  }
0x10: {  	[smem:$0x3FB6] =	sst s8  }
0x11: {  	[smem:$0x3FB7] =	sst s9;
	s0 =	simm.s32 @!p0 $0x0  }
0x12: {  	s1 =	sld [smem:$0x3F9D];
	s0 =	simm.s32 @p0 $0x1  }
0x13: {  	[smem:$0x3FB8] =	sst s0;
	s0 =	simm.s32 @!p1 $0x0  }
0x14: {  	s2 =	sld [smem:$0x3F9C];
	s0 =	simm.s32 @p1 $0x1  }
0x15: {  	[smem:$0x3FB9] =	sst s0;
	s0 =	simm.s32 @!p2 $0x0  }
0x16: {  	s3 =	sld [smem:$0x3FDB];
	s0 =	simm.s32 @p2 $0x1  }
0x17: {  	s4 =	simm.s32 $0x1BF5;
	[smem:$0x3FBB] =	sst s0  }
0x18: {  	s0 =	sld [smem:$0x3F9E];
	_ =	swait.ge [sflag:s4], $0x0  }
0x19: {  	s7 =	sld [smem:$0x3F9F]  }
0x1a: {  	s8 =	sadd.s32 $0xFFFFE003, lr  }
0x1b: {  	s9 =	sadd.s32 $0xFFFFFEF7, lr;
	s5 =	simm.s32 $0xFFFFFFFF;
	p2 =	slt.u32 s8, $0xFFFFF086  }
0x1c: {  	p1 =	slt.u32 s9, $0xF7A;
	s5 =	simm.s32 @!p2 $0x0  }
0x1d: {  	s5 =	simm.s32 @p1 $0x1;
	p0 =	seq.s32 s7, s2  }
0x1e: {  	s7 =	smul.u32 @!p0 $0xF7A, s2;
	p2 =	seq.s32 @!p0 s5, $0x0  }
0x1f: {  	s9 =	smul.u32 $0xF7A, s1;
	s8 =	simm.s32 @!p0 $0x1BF5;
	p2 =	por !p2, p0  }
0x20: {  	[sflag:s8] =	ssyncset.s32 @!p0 $0xFFFFF086;
	s6 =	sadd.s32 @!p0 s3, s7;
	s7 =	simm.s32 @!p0 $0x108  }
0x21: {  	s3 =	sadd.s32 s3, s9;
	s6 =	sadd.s32 @!p0 $0x88, s6;
	s7 =	simm.s32 @p2 $0x1082  }
0x22: {  	[simem:s7], [sflag:s8] =	dma.local @!p0 [hbm:s6], $0xF7A  }
0x23: {  	s9 =	sor.u32 $0xD0000000, s2;
	s6 =	simm.s32 $0x108;
	_ =	swait.ge @!p0 [sflag:s8], $0x0  }
0x24: {  	s3 =	sadd.s32 $0x88, s3;
	s6 =	simm.s32 @!p1 $0x1082;
	[sflag:s4] =	ssyncset.s32 $0xFFFFF086  }
0x25: {  	[simem:s6], [sflag:s4] =	dma.local [hbm:s3], $0xF7A  }
0x26: {  	[smem:$0x3F9F] =	sst s1;
	(tag) =	ssettag s2;
	_ =	strace s9  }
0x27: {  	s1 =	sld [smem:$0x3FAF]  }
0x28: {  	s2 =	sld [smem:$0x3FB0]  }
0x29: {  	s4 =	sld [smem:$0x3FB2]  }
0x2a: {  	p0 =	seq.s32 s5, $0x0;
	s5 =	sld [smem:$0x3FB3]  }
0x2b: {  	s6 =	sld [smem:$0x3FB4]  }
0x2c: {  	s7 =	sld [smem:$0x3FB5]  }
0x2d: {  	s3 =	simm.s32 $0x108;
	s8 =	sld [smem:$0x3FB6]  }
0x2e: {  	s3 =	simm.s32 @!p0 $0x1082;
	s9 =	sld [smem:$0x3FB7]  }
0x2f: {  	lr =	sadd.s32 s0, s3;
	s0 =	sld [smem:$0x3FAE]  }
0x30: {  	s3 =	sld [smem:$0x3FB1]  }
0x31: {  	[smem:$0x3FBA] =	sst s10  }
0x32: {  	s10 =	sld [smem:$0x3FB8];
	_ =	sdelay $0x3  }
0x33: {  	p0 =	seq.s32 s10, $0x1;
	s10 =	sld [smem:$0x3FBA];
	_ =	sdelay $0x3  }
0x34: {  	[smem:$0x3FBA] =	sst s10  }
0x35: {  	s10 =	sld [smem:$0x3FB9];
	_ =	sdelay $0x3  }
0x36: {  	p1 =	seq.s32 s10, $0x1;
	s10 =	sld [smem:$0x3FBA];
	_ =	sdelay $0x3  }
0x37: {  	[smem:$0x3FBA] =	sst s10  }
0x38: {  	s10 =	sld [smem:$0x3FBB]  }
0x39: {  	_ = 	snop;
	(pc) =	sbr.ind lr, $3  }
0x3a: {  	_ = 	snop  }
0x3b: {  	_ = 	snop  }
0x3c: {  	p2 =	seq.s32 s10, $0x1;
	s10 =	sld [smem:$0x3FBA]  }
0x3d: {  	_ =	shalt  }
0x3e: {  	_ =	shalt  }
0x3f: {  	_ =	shalt  }
0x40: {  	_ =	shalt  }
0x41: {  	_ =	shalt  }
0x42: {  	_ =	shalt  }
0x43: {  	_ =	shalt  }
0x44: {  	_ =	shalt  }
0x45: {  	_ =	shalt  }
0x46: {  	_ =	shalt  }
0x47: {  	_ =	shalt  }
0x48: {  	_ =	shalt  }
0x49: {  	_ =	shalt  }
0x4a: {  	_ =	shalt  }
0x4b: {  	_ =	shalt  }
0x4c: {  	_ =	shalt  }
0x4d: {  	_ =	shalt  }
0x4e: {  	_ =	shalt  }
0x4f: {  	_ =	shalt  }
0x50: {  	_ =	shalt  }
0x51: {  	_ =	shalt  }
0x52: {  	_ =	shalt  }
0x53: {  	_ =	shalt  }
0x54: {  	_ =	shalt  }
0x55: {  	_ =	shalt  }
0x56: {  	_ =	shalt  }
0x57: {  	_ =	shalt  }
0x58: {  	_ =	shalt  }
0x59: {  	_ =	shalt  }
0x5a: {  	_ =	shalt  }
0x5b: {  	_ =	shalt  }
0x5c: {  	_ =	shalt  }
0x5d: {  	_ =	shalt  }
0x5e: {  	_ =	shalt  }
0x5f: {  	_ =	shalt  }
0x60: {  	_ =	shalt  }
0x61: {  	_ =	shalt  }
0x62: {  	_ =	shalt  }
0x63: {  	_ =	shalt  }
0x64: {  	_ =	shalt  }
0x65: {  	_ =	shalt  }
0x66: {  	_ =	shalt  }
0x67: {  	_ =	shalt  }
0x68: {  	_ =	shalt  }
0x69: {  	_ =	shalt  }
0x6a: {  	_ =	shalt  }
0x6b: {  	_ =	shalt  }
0x6c: {  	_ =	shalt  }
0x6d: {  	_ =	shalt  }
0x6e: {  	_ =	shalt  }
0x6f: {  	_ =	shalt  }
0x70: {  	_ =	shalt  }
0x71: {  	_ =	shalt  }
0x72: {  	_ =	shalt  }
0x73: {  	_ =	shalt  }
0x74: {  	_ =	shalt  }
0x75: {  	_ =	shalt  }
0x76: {  	_ =	shalt  }
0x77: {  	_ =	shalt  }
0x78: {  	_ =	shalt  }
0x79: {  	_ =	shalt  }
0x7a: {  	_ =	shalt  }
0x7b: {  	_ =	shalt  }
0x7c: {  	_ =	shalt  }
0x7d: {  	_ =	shalt  }
0x7e: {  	_ =	shalt  }
0x7f: {  	_ =	shalt  }
0x80: {  	_ =	shalt  }
0x81: {  	_ =	shalt  }
0x82: {  	_ =	shalt  }
0x83: {  	_ =	shalt  }
0x84: {  	_ =	shalt  }
0x85: {  	_ =	shalt  }
0x86: {  	_ =	shalt  }
0x87: {  	_ =	shalt  }
.Lfunc_end0:
.L_simem_size_0:
called_computation_lowered:
.L_overlay_start_0:
0x88: {  	s2 =	sld [smem:$0x3FD9]  }
0x89: {  	s3 =	sld [smem:$0x3FFE];
	_ =	sdelay $0x1  }
0x8a: {  	s1 =	srdreg.scid  }
0x8b: {  	s0 =	sand.u32 $0x1, s1  }
0x8c: {  	s15 =	sshll.u32 s0, $0xA;
	s2 =	sadd.s32 s3, s2  }
0x8d: {  	s2 =	sadd.s32 s2, s15  }
0x8e: {  	[smem:$0x3FC6] =	sst s2  }
0x8f: {  	_ = 	snop  }
0x90: {  	s2 =	sld [smem:$0x3FD0];
	_ =	sdelay $0x2  }
0x91: {  	s4 =	simm.s32 $0xA;
	s5 =	simm.s32 $0x10;
	s16 =	sld [smem:$0x3FC8]  }
0x92: {  	[smem:s5], [sflag:s4] =	dma.local [hbm:s2], $0x1  }
0x93: {  	_ =	swait.eq [sflag:s4], $0x1  }
0x94: {  	[sflag:s4] =	ssyncset.done $0x0  }
0x95: {  	[sflag:s4] =	ssyncadd.s32 $0xFFFFFFFF  }
0x96: {  	s17 =	sld [smem:$0x11];
	(tm) =	ssettm $0x1  }
0x97: {  	s18 =	sld [smem:$0x3FFB];
	_ =	sdelay $0x3  }
0x98: {  	_ =	strace s18  }
0x99: {  	s4 =	sld [smem:$0x3FFC];
	_ =	sdelay $0x3  }
0x9a: {  	_ =	strace s4  }
0x9b: {  	s4 =	sld [smem:$0x3FFD];
	_ =	sdelay $0x3  }
0x9c: {  	_ =	strace s4  }
0x9d: {  	_ =	strace $0x8FFFFFFF  }
0x9e: {  	s19 =	sld [smem:$0x3FDB];
	_ =	sdelay $0x1  }
0x9f: {  	s20 =	simm.s32 $_scs_section_size  }
0xa0: {  	s6 =	simm.s32 $_size__tile_overlayer_lowered;
	s7 =	simm.s32 $_tile_overlayer_lowered  }
0xa1: {  	s23 =	simm.s32 $0x1BFF;
	s22 =	sshll.u32 s7, $0x1;
	s4 =	sadd.s32 s20, s19  }
0xa2: {  	s8 =	simm.s32 $0x0;
	s21 =	sshll.u32 s6, $0x1;
	s6 =	sadd.s32 s22, s4  }
0xa3: {  	[timem:s8], [sflag:s23] =	dma.local [hbm:s6], s21  }
0xa4: {  	_ =	swait.ge [sflag:s23], s21  }
0xa5: {  	s5 =	ssub.s32 $0x0, s21;
	[sflag:s23] =	ssyncset.done $0x0  }
0xa6: {  	[sflag:s23] =	ssyncadd.s32 s5;
	_ =	sdelay $0x1  }
0xa7: {  	s24 =	simm.s32 $0x1B8B  }
0xa8: {  	_ =	swait.ge [sflag:s24], $0x1  }
0xa9: {  	[sflag:s24] =	ssyncset.done $0x0  }
0xaa: {  	s25 =	simm.s32 $0x1B8E;
	[sflag:s24] =	ssyncadd.s32 $0xFFFFFFFF  }
0xab: {  	s26 =	simm.s32 $execute0_lowered;
	[smem:$0x3FD2] =	sst s25  }
0xac: {  	s5 =	sshll.u32 s26, $0x1;
	_ =	strace $0x80000046;
	[dreg:$0x1] =	wrdreg $0xFFFFFFFF  }
0xad: {  	s28 =	simm.s32 $_size_execute0_lowered;
	s4 =	sadd.s32 s4, s5;
	[dreg:$0x0] =	wrdreg $0x0  }
0xae: {  	s5 =	sshll.u32 s28, $0x1;
	[dreg:$0x2] =	wrdreg s4  }
0xaf: {  	[dreg:$0x3] =	wrdreg s5  }
0xb0: {  	[dreg:$0x4] =	wrdreg $0xC0  }
0xb1: {  	_ =	task [dreg:s8], $0x5FFFF  }
0xb2: {  	[dreg:$0x1] =	wrdreg $0xFFFFFFFF  }
0xb3: {  	[dreg:$0x0] =	wrdreg $0x60  }
0xb4: {  	[dreg:$0x2] =	wrdreg s16  }
0xb5: {  	[dreg:$0x3] =	wrdreg s17  }
0xb6: {  	[dreg:$0x4] =	wrdreg $0x9  }
0xb7: {  	_ =	task.clear_ibuf [dreg:s8], $0x5FFFF;
	_ =	strace $0x90000046  }
0xb8: {  	s29 =	simm.s32 $0x9;
	_ =	strace $0x80000048  }
0xb9: {  	_ =	swait.ge [sflag:s29], $0x1  }
0xba: {  	[sflag:s29] =	ssyncadd.s32 $0xFFFFFFFF  }
0xbb: {  	_ =	strace $0x90000048  }
0xbc: {  	_ =	sfence  }
0xbd: {  	s30 =	sld [smem:$0x0];
	_ =	sdelay $0x2  }
0xbe: {  	s31 =	sshll.u32 s1, $0xD;
	s1 =	sshrl.u32 s1, $0x2  }
0xbf: {  	s3 =	sand.u32 $0x4000, s31;
	s1 =	sadd.s32 s1, s30  }
0xc0: {  	s0 =	sor.u32 s3, s0;
	s1 =	sshll.u32 s1, $0x11  }
0xc1: {  	s0 =	sor.u32 s1, s0  }
0xc2: {  	s0 =	sadd.s32 $0x8F2B, s0  }
0xc3: {  	[sflag:s0] =	ssyncadd.remote.s32 $0x1  }
0xc4: {  	_ =	sfence.sel $0xFFFF  }
0xc5: {  	[dreg:$0x0] =	wrdreg $0xFFFFFFFF;
	(pc) =	sbr.abs _section_cstart, $3  }
0xc6: {  	[dreg:$0x1] =	wrdreg $0xFFFFFFFF  }
0xc7: {  	_ =	task.clear_ibuf [dreg:s8], $0x2FFFF;
	_ =	strace $0x9FFFFFFF  }
0xc8: {  	(tm) =	ssettm $0x7FFFFFFF  }
0xc9: {  	_ =	shalt  }
tec
execute0_lowered:
.L_overlay_start_1:
0x0: {  	(tag) =	ssettag $0x1  }
0x1: {  	s1 =	srdreg.scid  }
0x2: {  	s0 =	rddreg [dreg:$0x0];
	s5 =	stileid.u32;
	s4 =	sand.u32 $0x1, s1  }
0x3: {  	s2 =	simm.s32 $0x0;
	s6 =	sshll.u32 s5, $0x13;
	s7 =	sshll.u32 s4, $0x9  }
0x4: {  	[smem:$0x7FF] =	sst s2;
	s18 =	sor.u32 s7, s6  }
0x5: {  	s3 =	rddreg [dreg:$0x1];
	_ =	strace $0x80000047;
	s1 =	sshrl.u32 s18, $0x3  }
0x6: {  	s8 =	sadd.s32 s0, s1;
	s9 =	sor.u32 $0x2000, s1;
	s21 =	sor.u32 $0x4000, s1  }
0x7: {  	s12 =	sor.u32 $0x6000, s1;
	s1 =	sadd.s32 s3, s1;
	[dreg:$0x3] =	wrdreg s8  }
0x8: {  	s20 =	sadd.s32 s0, s9;
	[dreg:$0xb] =	wrdreg s1  }
0x9: {  	s19 =	sshll.u32 s4, $0x12;
	s11 =	sadd.s32 s0, s21;
	[dreg:$0x4] =	wrdreg s20  }
0xa: {  	s5 =	sor.u32 s19, s6;
	s22 =	sadd.s32 s0, s12;
	[dreg:$0x5] =	wrdreg s11  }
0xb: {  	s10 =	sor.u32 s7, s5;
	s9 =	sadd.s32 s3, s9;
	[dreg:$0x6] =	wrdreg s22  }
0xc: {  	s10 =	sshrl.u32 s10, $0x3;
	s12 =	sadd.s32 s3, s12;
	[dreg:$0xc] =	wrdreg s9  }
0xd: {  	s28 =	simm.s32 $0x2000;
	s13 =	sor.u32 $0x8000, s10;
	[dreg:$0xe] =	wrdreg s12  }
0xe: {  	s14 =	sor.u32 $0xA000, s10;
	s23 =	sadd.s32 s0, s13;
	s1 =	rddreg [dreg:$0x3]  }
0xf: {  	s15 =	sor.u32 $0xC000, s10;
	s24 =	sadd.s32 s0, s14;
	[dreg:$0x7] =	wrdreg s23  }
0x10: {  	s10 =	sor.u32 $0xE000, s10;
	s25 =	sadd.s32 s0, s15;
	[dreg:$0x8] =	wrdreg s24  }
0x11: {  	s31 =	simm.s32 $0x1;
	s26 =	sadd.s32 s0, s10;
	[dreg:$0x9] =	wrdreg s25  }
0x12: {  	s30 =	simm.s32 $0x2;
	s11 =	sadd.s32 s3, s21;
	[dreg:$0xa] =	wrdreg s26  }
0x13: {  	s29 =	simm.s32 $0x3;
	s13 =	sadd.s32 s3, s13;
	[dreg:$0xd] =	wrdreg s11  }
0x14: {  	s16 =	sor.u32 $0x80, s7;
	s14 =	sadd.s32 s3, s14;
	[dreg:$0xf] =	wrdreg s13  }
0x15: {  	s18 =	sor.u32 s6, s16;
	s17 =	sadd.s32 s3, s15;
	[dreg:$0x10] =	wrdreg s14  }
0x16: {  	s19 =	sadd.s32 s3, s10;
	s9 =	sshrl.u32 s18, $0x3;
	[dreg:$0x11] =	wrdreg s17  }
0x17: {  	p0 =	por $0x0, $0x0;
	[dreg:$0x12] =	wrdreg s19;
	s20 =	sadd.s32 s0, s9  }
0x18: {  	s21 =	sadd.s32 s3, s9;
	s22 =	sor.u32 $0x2000, s9;
	[dreg:$0x13] =	wrdreg s20  }
0x19: {  	s4 =	ssub.s32 $0x2, s4;
	[dreg:$0x14] =	wrdreg s21;
	s23 =	sadd.s32 s0, s22  }
0x1a: {  	s25 =	sor.u32 $0x4000, s9;
	s24 =	sadd.s32 s3, s22;
	[dreg:$0x15] =	wrdreg s23  }
0x1b: {  	s8 =	sor.u32 s16, s5;
	s26 =	sadd.s32 s0, s25;
	[dreg:$0x16] =	wrdreg s24  }
0x1c: {  	s9 =	sor.u32 $0x6000, s9;
	s10 =	sadd.s32 s3, s25;
	[dreg:$0x17] =	wrdreg s26  }
0x1d: {  	s8 =	sshrl.u32 s8, $0x3;
	s11 =	sadd.s32 s0, s9;
	[dreg:$0x18] =	wrdreg s10  }
0x1e: {  	s13 =	sor.u32 $0x8000, s8;
	s12 =	sadd.s32 s3, s9;
	[dreg:$0x19] =	wrdreg s11  }
0x1f: {  	s16 =	sor.u32 $0xA000, s8;
	s14 =	sadd.s32 s0, s13;
	[dreg:$0x1a] =	wrdreg s12  }
0x20: {  	s19 =	sor.u32 $0xC000, s8;
	s15 =	sadd.s32 s3, s13;
	[dreg:$0x1b] =	wrdreg s14  }
0x21: {  	s8 =	sor.u32 $0xE000, s8;
	s17 =	sadd.s32 s0, s16;
	[dreg:$0x1c] =	wrdreg s15  }
0x22: {  	s18 =	sadd.s32 s3, s16;
	s20 =	sadd.s32 s0, s19;
	[dreg:$0x1d] =	wrdreg s17  }
0x23: {  	s21 =	sadd.s32 s3, s19;
	s22 =	sor.u32 $0x100, s7;
	[dreg:$0x1e] =	wrdreg s18  }
0x24: {  	s25 =	sadd.s32 s3, s8;
	s7 =	sor.u32 $0x180, s7;
	[dreg:$0x1f] =	wrdreg s20  }
0x25: {  	[smem:$0x7DE] =	sst s21;
	s23 =	sadd.s32 s0, s8;
	s24 =	sor.u32 s6, s22  }
0x26: {  	[smem:$0x7E0] =	sst s25;
	s9 =	sor.u32 s22, s5;
	s26 =	sshrl.u32 s24, $0x3  }
0x27: {  	s6 =	sor.u32 s6, s7;
	[smem:$0x7DF] =	sst s23;
	s11 =	sadd.s32 s0, s26  }
0x28: {  	s12 =	sadd.s32 s3, s26;
	s10 =	sor.u32 $0x2000, s26;
	[smem:$0x7E1] =	sst s11  }
0x29: {  	s5 =	sor.u32 s7, s5;
	[smem:$0x7E2] =	sst s12;
	s13 =	sadd.s32 s0, s10  }
0x2a: {  	s15 =	sor.u32 $0x4000, s26;
	s14 =	sadd.s32 s3, s10;
	[smem:$0x7E3] =	sst s13  }
0x2b: {  	s9 =	sshrl.u32 s9, $0x3;
	s16 =	sadd.s32 s0, s15;
	[smem:$0x7E4] =	sst s14  }
0x2c: {  	s8 =	sor.u32 $0x6000, s26;
	s17 =	sadd.s32 s3, s15;
	[smem:$0x7E5] =	sst s16  }
0x2d: {  	s6 =	sshrl.u32 s6, $0x3;
	s18 =	sadd.s32 s0, s8;
	[smem:$0x7E6] =	sst s17  }
0x2e: {  	s20 =	sor.u32 $0x8000, s9;
	s19 =	sadd.s32 s3, s8;
	[smem:$0x7E7] =	sst s18  }
0x2f: {  	s5 =	sshrl.u32 s5, $0x3;
	s21 =	sadd.s32 s0, s20;
	[smem:$0x7E8] =	sst s19  }
0x30: {  	s23 =	sor.u32 $0xA000, s9;
	s22 =	sadd.s32 s3, s20;
	[smem:$0x7E9] =	sst s21  }
0x31: {  	s26 =	sor.u32 $0xC000, s9;
	s24 =	sadd.s32 s0, s23;
	[smem:$0x7EA] =	sst s22  }
0x32: {  	s25 =	sadd.s32 s3, s23;
	s10 =	sadd.s32 s0, s26;
	[smem:$0x7EB] =	sst s24  }
0x33: {  	s11 =	sadd.s32 s3, s26;
	s12 =	sor.u32 $0xE000, s9;
	[smem:$0x7EC] =	sst s25  }
0x34: {  	s15 =	sadd.s32 s0, s6;
	s20 =	sor.u32 $0x4000, s6;
	[smem:$0x7ED] =	sst s10  }
0x35: {  	s8 =	sor.u32 $0xA000, s5;
	[smem:$0x7EE] =	sst s11;
	s13 =	sadd.s32 s0, s12  }
0x36: {  	s14 =	sadd.s32 s3, s12;
	[smem:$0x7F1] =	sst s15;
	s16 =	sadd.s32 s3, s6  }
0x37: {  	s17 =	sor.u32 $0x2000, s6;
	s21 =	sadd.s32 s0, s20;
	s22 =	sadd.s32 s3, s20  }
0x38: {  	s6 =	sor.u32 $0x6000, s6;
	s25 =	sor.u32 $0x8000, s5;
	[smem:$0x7EF] =	sst s13  }
0x39: {  	s9 =	sadd.s32 s0, s8;
	s10 =	sadd.s32 s3, s8;
	[smem:$0x7F0] =	sst s14  }
0x3a: {  	s11 =	sor.u32 $0xC000, s5;
	s12 =	sshrl.u32 s4, $0x1;
	[smem:$0x7F2] =	sst s16  }
0x3b: {  	s20 =	simm.s32 $0x7;
	s18 =	sadd.s32 s0, s17;
	[smem:$0x7F5] =	sst s21  }
0x3c: {  	s19 =	sadd.s32 s3, s17;
	[smem:$0x7F6] =	sst s22;
	s23 =	sadd.s32 s0, s6  }
0x3d: {  	s24 =	sadd.s32 s3, s6;
	s26 =	sadd.s32 s0, s25;
	[smem:$0x7FB] =	sst s9  }
0x3e: {  	s7 =	sadd.s32 s3, s25;
	[smem:$0x7FC] =	sst s10;
	s13 =	sadd.s32 s0, s11  }
0x3f: {  	s4 =	ssub.s32 s4, s12;
	s14 =	sor.u32 $0xE000, s5;
	s8 =	sadd.s32 s3, s11  }
0x40: {  	s6 =	simm.s32 $0x400;
	s25 =	simm.s32 $0x4000;
	[smem:$0x7F3] =	sst s18  }
0x41: {  	s21 =	simm.s32 $0x8000;
	s17 =	simm.s32 $0xC000;
	[smem:$0x7F4] =	sst s19  }
0x42: {  	s11 =	simm.s32 $0xE000;
	s22 =	simm.s32 $0x6;
	[smem:$0x7F7] =	sst s23  }
0x43: {  	s16 =	simm.s32 $0x9;
	s12 =	simm.s32 $0xD;
	[smem:$0x7F8] =	sst s24  }
0x44: {  	s10 =	simm.s32 $0xE;
	[smem:$0x7F9] =	sst s26;
	s15 =	smax.u32 s4, $0x1  }
0x45: {  	s9 =	simm.s32 $0xF;
	[smem:$0x7FA] =	sst s7;
	p1 =	sne.s32 s15, $0x1  }
.Ltmp0:
0x46: {  	[smem:$0x7FD] =	sst s13;
	s5 =	sadd.s32 s0, s14;
	(pc) =	sbr.rel @!p1 .LBB2_3-.Ltmp0, $4  }
0x47: {  	s3 =	sadd.s32 s3, s14;
	s4 =	simm.s32 $0x80;
	s23 =	simm.s32 $0x6000  }
0x48: {  	s19 =	simm.s32 $0xA000;
	s26 =	simm.s32 $0x4;
	s24 =	simm.s32 $0x5  }
0x49: {  	s18 =	simm.s32 $0x8;
	s14 =	simm.s32 $0xA;
	s13 =	simm.s32 $0xC  }
0x4a: {  	s7 =	simm.s32 $0x10;
	s0 =	sadd.s32 $0xFFFFFFFF, s15;
	s15 =	simm.s32 $0xB  }
0x4b: {  	[smem:$0x7DD] =	sst s0  }
0x4c: {  	[tilespmem:s2], [sflag:$0x1] =	stream.strided.gather [hbm4b:s1+s4], $0x2000, s6, s4, $0x38;
	[tilespmem:$0x10000] =	vst v63  }
0x4d: {  	s0 =	rddreg [dreg:$0x4]  }
0x4e: {  	[tilespmem:s28], [sflag:$0x2] =	stream.strided.gather [hbm4b:s0+s4], $0x2000, s6, s4, $0x38;
	[tilespmem:$0x10000] =	vst v63  }
0x4f: {  	s1 =	rddreg [dreg:$0x5]  }
0x50: {  	[tilespmem:s25], [sflag:$0x3] =	stream.strided.gather [hbm4b:s1+s4], $0x2000, s6, s4, $0x38;
	[tilespmem:$0x10000] =	vst v63  }
0x51: {  	s0 =	rddreg [dreg:$0x6]  }
0x52: {  	[tilespmem:s23], [sflag:$0x4] =	stream.strided.gather [hbm4b:s0+s4], $0x2000, s6, s4, $0x38;
	[tilespmem:$0x10000] =	vst v63  }
0x53: {  	s1 =	rddreg [dreg:$0x7]  }
0x54: {  	[tilespmem:s21], [sflag:$0x5] =	stream.strided.gather [hbm4b:s1+s4], $0x2000, s6, s4, $0x38;
	[tilespmem:$0x10000] =	vst v63  }
0x55: {  	s0 =	rddreg [dreg:$0x8]  }
0x56: {  	[tilespmem:s19], [sflag:$0x6] =	stream.strided.gather [hbm4b:s0+s4], $0x2000, s6, s4, $0x38;
	[tilespmem:$0x10000] =	vst v63  }
0x57: {  	s1 =	rddreg [dreg:$0x9]  }
0x58: {  	[tilespmem:s17], [sflag:$0x7] =	stream.strided.gather [hbm4b:s1+s4], $0x2000, s6, s4, $0x38;
	[tilespmem:$0x10000] =	vst v63  }
0x59: {  	s0 =	rddreg [dreg:$0xa]  }
0x5a: {  	[tilespmem:s11], [sflag:$0x8] =	stream.strided.gather [hbm4b:s0+s4], $0x2000, s6, s4, $0x38;
	[tilespmem:$0x10000] =	vst v63  }
0x5b: {  	_ =	swait.ge [sflag:s31], $0x2000  }
0x5c: {  	[sflag:s31] =	ssyncset.done $0x0  }
0x5d: {  	s1 =	rddreg [dreg:$0xb];
	[sflag:s31] =	ssyncadd.s32 $0xFFFFE000  }
0x5e: {  	[hbm4b:s1+s4] =	stream.strided.scatter [tilespmem:s2], [sflag:$0x9], $0x2000, s6, s4, $0x38;
	[tilespmem:$0x10000] =	vst v63  }
0x5f: {  	_ =	swait.ge [sflag:s30], $0x2000  }
0x60: {  	[sflag:s30] =	ssyncset.done $0x0  }
0x61: {  	s1 =	rddreg [dreg:$0xc];
	[sflag:s30] =	ssyncadd.s32 $0xFFFFE000  }
0x62: {  	[hbm4b:s1+s4] =	stream.strided.scatter [tilespmem:s28], [sflag:$0xA], $0x2000, s6, s4, $0x38;
	[tilespmem:$0x10000] =	vst v63  }
0x63: {  	_ =	swait.ge [sflag:s29], $0x2000  }
0x64: {  	[sflag:s29] =	ssyncset.done $0x0  }
0x65: {  	s1 =	rddreg [dreg:$0xd];
	[sflag:s29] =	ssyncadd.s32 $0xFFFFE000  }
0x66: {  	[hbm4b:s1+s4] =	stream.strided.scatter [tilespmem:s25], [sflag:$0xB], $0x2000, s6, s4, $0x38;
	[tilespmem:$0x10000] =	vst v63  }
0x67: {  	_ =	swait.ge [sflag:s26], $0x2000  }
0x68: {  	[sflag:s26] =	ssyncset.done $0x0  }
0x69: {  	s1 =	rddreg [dreg:$0xe];
	[sflag:s26] =	ssyncadd.s32 $0xFFFFE000  }
0x6a: {  	[hbm4b:s1+s4] =	stream.strided.scatter [tilespmem:s23], [sflag:$0xC], $0x2000, s6, s4, $0x38;
	[tilespmem:$0x10000] =	vst v63  }
0x6b: {  	_ =	swait.ge [sflag:s24], $0x2000  }
0x6c: {  	[sflag:s24] =	ssyncset.done $0x0  }
0x6d: {  	s1 =	rddreg [dreg:$0xf];
	[sflag:s24] =	ssyncadd.s32 $0xFFFFE000  }
0x6e: {  	[hbm4b:s1+s4] =	stream.strided.scatter [tilespmem:s21], [sflag:$0xD], $0x2000, s6, s4, $0x38;
	[tilespmem:$0x10000] =	vst v63  }
0x6f: {  	_ =	swait.ge [sflag:s22], $0x2000  }
0x70: {  	[sflag:s22] =	ssyncset.done $0x0  }
0x71: {  	s1 =	rddreg [dreg:$0x10];
	[sflag:s22] =	ssyncadd.s32 $0xFFFFE000  }
0x72: {  	[hbm4b:s1+s4] =	stream.strided.scatter [tilespmem:s19], [sflag:$0xE], $0x2000, s6, s4, $0x38;
	[tilespmem:$0x10000] =	vst v63  }
0x73: {  	_ =	swait.ge [sflag:s20], $0x2000  }
0x74: {  	[sflag:s20] =	ssyncset.done $0x0  }
0x75: {  	s1 =	rddreg [dreg:$0x11];
	[sflag:s20] =	ssyncadd.s32 $0xFFFFE000  }
0x76: {  	[hbm4b:s1+s4] =	stream.strided.scatter [tilespmem:s17], [sflag:$0xF], $0x2000, s6, s4, $0x38;
	[tilespmem:$0x10000] =	vst v63  }
0x77: {  	_ =	swait.ge [sflag:s18], $0x2000  }
0x78: {  	[sflag:s18] =	ssyncset.done $0x0  }
0x79: {  	s1 =	rddreg [dreg:$0x12];
	[sflag:s18] =	ssyncadd.s32 $0xFFFFE000  }
0x7a: {  	[hbm4b:s1+s4] =	stream.strided.scatter [tilespmem:s11], [sflag:$0x10], $0x2000, s6, s4, $0x38;
	[tilespmem:$0x10000] =	vst v63  }
0x7b: {  	_ =	swait.ge [sflag:s16], $0x2000  }
0x7c: {  	[sflag:s16] =	ssyncset.done $0x0  }
0x7d: {  	s1 =	rddreg [dreg:$0x13];
	[sflag:s16] =	ssyncadd.s32 $0xFFFFE000  }
0x7e: {  	[tilespmem:s2], [sflag:$0x1] =	stream.strided.gather [hbm4b:s1+s4], $0x2000, s6, s4, $0x38;
	[tilespmem:$0x10000] =	vst v63  }
0x7f: {  	_ =	swait.ge [sflag:s31], $0x2000  }
0x80: {  	[sflag:s31] =	ssyncset.done $0x0  }
0x81: {  	s1 =	rddreg [dreg:$0x14];
	[sflag:s31] =	ssyncadd.s32 $0xFFFFE000  }
0x82: {  	[hbm4b:s1+s4] =	stream.strided.scatter [tilespmem:s2], [sflag:$0x9], $0x2000, s6, s4, $0x38;
	[tilespmem:$0x10000] =	vst v63  }
0x83: {  	_ =	swait.ge [sflag:s14], $0x2000  }
0x84: {  	[sflag:s14] =	ssyncset.done $0x0  }
0x85: {  	s1 =	rddreg [dreg:$0x15];
	[sflag:s14] =	ssyncadd.s32 $0xFFFFE000  }
0x86: {  	[tilespmem:s28], [sflag:$0x2] =	stream.strided.gather [hbm4b:s1+s4], $0x2000, s6, s4, $0x38;
	[tilespmem:$0x10000] =	vst v63  }
0x87: {  	_ =	swait.ge [sflag:s30], $0x2000  }
0x88: {  	[sflag:s30] =	ssyncset.done $0x0  }
0x89: {  	s1 =	rddreg [dreg:$0x16];
	[sflag:s30] =	ssyncadd.s32 $0xFFFFE000  }
0x8a: {  	[hbm4b:s1+s4] =	stream.strided.scatter [tilespmem:s28], [sflag:$0xA], $0x2000, s6, s4, $0x38;
	[tilespmem:$0x10000] =	vst v63  }
0x8b: {  	_ =	swait.ge [sflag:s15], $0x2000  }
0x8c: {  	[sflag:s15] =	ssyncset.done $0x0  }
0x8d: {  	s1 =	rddreg [dreg:$0x17];
	[sflag:s15] =	ssyncadd.s32 $0xFFFFE000  }
0x8e: {  	[tilespmem:s25], [sflag:$0x3] =	stream.strided.gather [hbm4b:s1+s4], $0x2000, s6, s4, $0x38;
	[tilespmem:$0x10000] =	vst v63  }
0x8f: {  	_ =	swait.ge [sflag:s29], $0x2000  }
0x90: {  	[sflag:s29] =	ssyncset.done $0x0  }
0x91: {  	s1 =	rddreg [dreg:$0x18];
	[sflag:s29] =	ssyncadd.s32 $0xFFFFE000  }
0x92: {  	[hbm4b:s1+s4] =	stream.strided.scatter [tilespmem:s25], [sflag:$0xB], $0x2000, s6, s4, $0x38;
	[tilespmem:$0x10000] =	vst v63  }
0x93: {  	_ =	swait.ge [sflag:s13], $0x2000  }
0x94: {  	[sflag:s13] =	ssyncset.done $0x0  }
0x95: {  	s1 =	rddreg [dreg:$0x19];
	[sflag:s13] =	ssyncadd.s32 $0xFFFFE000  }
0x96: {  	[tilespmem:s23], [sflag:$0x4] =	stream.strided.gather [hbm4b:s1+s4], $0x2000, s6, s4, $0x38;
	[tilespmem:$0x10000] =	vst v63  }
0x97: {  	_ =	swait.ge [sflag:s26], $0x2000  }
0x98: {  	[sflag:s26] =	ssyncset.done $0x0  }
0x99: {  	s1 =	rddreg [dreg:$0x1a];
	[sflag:s26] =	ssyncadd.s32 $0xFFFFE000  }
0x9a: {  	[hbm4b:s1+s4] =	stream.strided.scatter [tilespmem:s23], [sflag:$0xC], $0x2000, s6, s4, $0x38;
	[tilespmem:$0x10000] =	vst v63  }
0x9b: {  	_ =	swait.ge [sflag:s12], $0x2000  }
0x9c: {  	[sflag:s12] =	ssyncset.done $0x0  }
0x9d: {  	s1 =	rddreg [dreg:$0x1b];
	[sflag:s12] =	ssyncadd.s32 $0xFFFFE000  }
0x9e: {  	[tilespmem:s21], [sflag:$0x5] =	stream.strided.gather [hbm4b:s1+s4], $0x2000, s6, s4, $0x38;
	[tilespmem:$0x10000] =	vst v63  }
0x9f: {  	_ =	swait.ge [sflag:s24], $0x2000  }
0xa0: {  	[sflag:s24] =	ssyncset.done $0x0  }
0xa1: {  	s1 =	rddreg [dreg:$0x1c];
	[sflag:s24] =	ssyncadd.s32 $0xFFFFE000  }
0xa2: {  	[hbm4b:s1+s4] =	stream.strided.scatter [tilespmem:s21], [sflag:$0xD], $0x2000, s6, s4, $0x38;
	[tilespmem:$0x10000] =	vst v63  }
0xa3: {  	_ =	swait.ge [sflag:s10], $0x2000  }
0xa4: {  	[sflag:s10] =	ssyncset.done $0x0  }
0xa5: {  	s1 =	rddreg [dreg:$0x1d];
	[sflag:s10] =	ssyncadd.s32 $0xFFFFE000  }
0xa6: {  	[tilespmem:s19], [sflag:$0x6] =	stream.strided.gather [hbm4b:s1+s4], $0x2000, s6, s4, $0x38;
	[tilespmem:$0x10000] =	vst v63  }
0xa7: {  	_ =	swait.ge [sflag:s22], $0x2000  }
0xa8: {  	[sflag:s22] =	ssyncset.done $0x0  }
0xa9: {  	s1 =	rddreg [dreg:$0x1e];
	[sflag:s22] =	ssyncadd.s32 $0xFFFFE000  }
0xaa: {  	[hbm4b:s1+s4] =	stream.strided.scatter [tilespmem:s19], [sflag:$0xE], $0x2000, s6, s4, $0x38;
	[tilespmem:$0x10000] =	vst v63  }
0xab: {  	_ =	swait.ge [sflag:s9], $0x2000  }
0xac: {  	[sflag:s9] =	ssyncset.done $0x0  }
0xad: {  	s1 =	rddreg [dreg:$0x1f];
	[sflag:s9] =	ssyncadd.s32 $0xFFFFE000  }
0xae: {  	[tilespmem:s17], [sflag:$0x7] =	stream.strided.gather [hbm4b:s1+s4], $0x2000, s6, s4, $0x38;
	[tilespmem:$0x10000] =	vst v63  }
0xaf: {  	_ =	swait.ge [sflag:s20], $0x2000  }
0xb0: {  	s1 =	sld [smem:$0x7DE]  }
0xb1: {  	[sflag:s20] =	ssyncset.done $0x0  }
0xb2: {  	[sflag:s20] =	ssyncadd.s32 $0xFFFFE000  }
0xb3: {  	[hbm4b:s1+s4] =	stream.strided.scatter [tilespmem:s17], [sflag:$0xF], $0x2000, s6, s4, $0x38;
	[tilespmem:$0x10000] =	vst v63  }
0xb4: {  	_ =	swait.ge [sflag:s7], $0x2000  }
0xb5: {  	s1 =	sld [smem:$0x7DF]  }
0xb6: {  	[sflag:s7] =	ssyncset.done $0x0  }
0xb7: {  	[sflag:s7] =	ssyncadd.s32 $0xFFFFE000  }
0xb8: {  	[tilespmem:s11], [sflag:$0x8] =	stream.strided.gather [hbm4b:s1+s4], $0x2000, s6, s4, $0x38;
	[tilespmem:$0x10000] =	vst v63  }
0xb9: {  	_ =	swait.ge [sflag:s18], $0x2000  }
0xba: {  	s1 =	sld [smem:$0x7E0]  }
0xbb: {  	[sflag:s18] =	ssyncset.done $0x0  }
0xbc: {  	[sflag:s18] =	ssyncadd.s32 $0xFFFFE000  }
0xbd: {  	[hbm4b:s1+s4] =	stream.strided.scatter [tilespmem:s11], [sflag:$0x10], $0x2000, s6, s4, $0x38;
	[tilespmem:$0x10000] =	vst v63  }
0xbe: {  	_ =	swait.ge [sflag:s16], $0x2000  }
0xbf: {  	s1 =	sld [smem:$0x7E1]  }
0xc0: {  	[sflag:s16] =	ssyncset.done $0x0  }
0xc1: {  	[sflag:s16] =	ssyncadd.s32 $0xFFFFE000  }
0xc2: {  	[tilespmem:s2], [sflag:$0x1] =	stream.strided.gather [hbm4b:s1+s4], $0x2000, s6, s4, $0x38;
	[tilespmem:$0x10000] =	vst v63  }
0xc3: {  	_ =	swait.ge [sflag:s31], $0x2000  }
0xc4: {  	s1 =	sld [smem:$0x7E2]  }
0xc5: {  	[sflag:s31] =	ssyncset.done $0x0  }
0xc6: {  	[sflag:s31] =	ssyncadd.s32 $0xFFFFE000  }
0xc7: {  	[hbm4b:s1+s4] =	stream.strided.scatter [tilespmem:s2], [sflag:$0x9], $0x2000, s6, s4, $0x38;
	[tilespmem:$0x10000] =	vst v63  }
0xc8: {  	_ =	swait.ge [sflag:s14], $0x2000  }
0xc9: {  	s1 =	sld [smem:$0x7E3]  }
0xca: {  	[sflag:s14] =	ssyncset.done $0x0  }
0xcb: {  	[sflag:s14] =	ssyncadd.s32 $0xFFFFE000  }
0xcc: {  	[tilespmem:s28], [sflag:$0x2] =	stream.strided.gather [hbm4b:s1+s4], $0x2000, s6, s4, $0x38;
	[tilespmem:$0x10000] =	vst v63  }
0xcd: {  	_ =	swait.ge [sflag:s30], $0x2000  }
0xce: {  	s1 =	sld [smem:$0x7E4]  }
0xcf: {  	[sflag:s30] =	ssyncset.done $0x0  }
0xd0: {  	[sflag:s30] =	ssyncadd.s32 $0xFFFFE000  }
0xd1: {  	[hbm4b:s1+s4] =	stream.strided.scatter [tilespmem:s28], [sflag:$0xA], $0x2000, s6, s4, $0x38;
	[tilespmem:$0x10000] =	vst v63  }
0xd2: {  	_ =	swait.ge [sflag:s15], $0x2000  }
0xd3: {  	s1 =	sld [smem:$0x7E5]  }
0xd4: {  	[sflag:s15] =	ssyncset.done $0x0  }
0xd5: {  	[sflag:s15] =	ssyncadd.s32 $0xFFFFE000  }
0xd6: {  	[tilespmem:s25], [sflag:$0x3] =	stream.strided.gather [hbm4b:s1+s4], $0x2000, s6, s4, $0x38;
	[tilespmem:$0x10000] =	vst v63  }
0xd7: {  	_ =	swait.ge [sflag:s29], $0x2000  }
0xd8: {  	s1 =	sld [smem:$0x7E6]  }
0xd9: {  	[sflag:s29] =	ssyncset.done $0x0  }
0xda: {  	[sflag:s29] =	ssyncadd.s32 $0xFFFFE000  }
0xdb: {  	[hbm4b:s1+s4] =	stream.strided.scatter [tilespmem:s25], [sflag:$0xB], $0x2000, s6, s4, $0x38;
	[tilespmem:$0x10000] =	vst v63  }
0xdc: {  	_ =	swait.ge [sflag:s13], $0x2000  }
0xdd: {  	s1 =	sld [smem:$0x7E7]  }
0xde: {  	[sflag:s13] =	ssyncset.done $0x0  }
0xdf: {  	[sflag:s13] =	ssyncadd.s32 $0xFFFFE000  }
0xe0: {  	[tilespmem:s23], [sflag:$0x4] =	stream.strided.gather [hbm4b:s1+s4], $0x2000, s6, s4, $0x38;
	[tilespmem:$0x10000] =	vst v63  }
0xe1: {  	_ =	swait.ge [sflag:s26], $0x2000  }
0xe2: {  	s1 =	sld [smem:$0x7E8]  }
0xe3: {  	[sflag:s26] =	ssyncset.done $0x0  }
0xe4: {  	[sflag:s26] =	ssyncadd.s32 $0xFFFFE000  }
0xe5: {  	[hbm4b:s1+s4] =	stream.strided.scatter [tilespmem:s23], [sflag:$0xC], $0x2000, s6, s4, $0x38;
	[tilespmem:$0x10000] =	vst v63  }
0xe6: {  	_ =	swait.ge [sflag:s12], $0x2000  }
0xe7: {  	s1 =	sld [smem:$0x7E9]  }
0xe8: {  	[sflag:s12] =	ssyncset.done $0x0  }
0xe9: {  	[sflag:s12] =	ssyncadd.s32 $0xFFFFE000  }
0xea: {  	[tilespmem:s21], [sflag:$0x5] =	stream.strided.gather [hbm4b:s1+s4], $0x2000, s6, s4, $0x38;
	[tilespmem:$0x10000] =	vst v63  }
0xeb: {  	_ =	swait.ge [sflag:s24], $0x2000  }
0xec: {  	s1 =	sld [smem:$0x7EA]  }
0xed: {  	[sflag:s24] =	ssyncset.done $0x0  }
0xee: {  	[sflag:s24] =	ssyncadd.s32 $0xFFFFE000  }
0xef: {  	[hbm4b:s1+s4] =	stream.strided.scatter [tilespmem:s21], [sflag:$0xD], $0x2000, s6, s4, $0x38;
	[tilespmem:$0x10000] =	vst v63  }
0xf0: {  	_ =	swait.ge [sflag:s10], $0x2000  }
0xf1: {  	s1 =	sld [smem:$0x7EB]  }
0xf2: {  	[sflag:s10] =	ssyncset.done $0x0  }
0xf3: {  	[sflag:s10] =	ssyncadd.s32 $0xFFFFE000  }
0xf4: {  	[tilespmem:s19], [sflag:$0x6] =	stream.strided.gather [hbm4b:s1+s4], $0x2000, s6, s4, $0x38;
	[tilespmem:$0x10000] =	vst v63  }
0xf5: {  	_ =	swait.ge [sflag:s22], $0x2000  }
0xf6: {  	s1 =	sld [smem:$0x7EC]  }
0xf7: {  	[sflag:s22] =	ssyncset.done $0x0  }
0xf8: {  	[sflag:s22] =	ssyncadd.s32 $0xFFFFE000  }
0xf9: {  	[hbm4b:s1+s4] =	stream.strided.scatter [tilespmem:s19], [sflag:$0xE], $0x2000, s6, s4, $0x38;
	[tilespmem:$0x10000] =	vst v63  }
0xfa: {  	_ =	swait.ge [sflag:s9], $0x2000  }
0xfb: {  	s1 =	sld [smem:$0x7ED]  }
0xfc: {  	[sflag:s9] =	ssyncset.done $0x0  }
0xfd: {  	[sflag:s9] =	ssyncadd.s32 $0xFFFFE000  }
0xfe: {  	[tilespmem:s17], [sflag:$0x7] =	stream.strided.gather [hbm4b:s1+s4], $0x2000, s6, s4, $0x38;
	[tilespmem:$0x10000] =	vst v63  }
0xff: {  	_ =	swait.ge [sflag:s20], $0x2000  }
0x100: {  	s1 =	sld [smem:$0x7EE]  }
0x101: {  	[sflag:s20] =	ssyncset.done $0x0  }
0x102: {  	[sflag:s20] =	ssyncadd.s32 $0xFFFFE000  }
0x103: {  	[hbm4b:s1+s4] =	stream.strided.scatter [tilespmem:s17], [sflag:$0xF], $0x2000, s6, s4, $0x38;
	[tilespmem:$0x10000] =	vst v63  }
0x104: {  	_ =	swait.ge [sflag:s7], $0x2000  }
0x105: {  	s1 =	sld [smem:$0x7EF]  }
0x106: {  	[sflag:s7] =	ssyncset.done $0x0  }
0x107: {  	[sflag:s7] =	ssyncadd.s32 $0xFFFFE000  }
0x108: {  	[tilespmem:s11], [sflag:$0x8] =	stream.strided.gather [hbm4b:s1+s4], $0x2000, s6, s4, $0x38;
	[tilespmem:$0x10000] =	vst v63  }
0x109: {  	_ =	swait.ge [sflag:s18], $0x2000  }
0x10a: {  	s1 =	sld [smem:$0x7F0]  }
0x10b: {  	[sflag:s18] =	ssyncset.done $0x0  }
0x10c: {  	[sflag:s18] =	ssyncadd.s32 $0xFFFFE000  }
0x10d: {  	[hbm4b:s1+s4] =	stream.strided.scatter [tilespmem:s11], [sflag:$0x10], $0x2000, s6, s4, $0x38;
	[tilespmem:$0x10000] =	vst v63  }
0x10e: {  	_ =	swait.ge [sflag:s16], $0x2000  }
0x10f: {  	s1 =	sld [smem:$0x7F1]  }
0x110: {  	[sflag:s16] =	ssyncset.done $0x0  }
0x111: {  	[sflag:s16] =	ssyncadd.s32 $0xFFFFE000  }
0x112: {  	[tilespmem:s2], [sflag:$0x1] =	stream.strided.gather [hbm4b:s1+s4], $0x2000, s6, s4, $0x38;
	[tilespmem:$0x10000] =	vst v63  }
0x113: {  	_ =	swait.ge [sflag:s31], $0x2000  }
0x114: {  	s1 =	sld [smem:$0x7F2]  }
0x115: {  	[sflag:s31] =	ssyncset.done $0x0  }
0x116: {  	[sflag:s31] =	ssyncadd.s32 $0xFFFFE000  }
0x117: {  	[hbm4b:s1+s4] =	stream.strided.scatter [tilespmem:s2], [sflag:$0x9], $0x2000, s6, s4, $0x38;
	[tilespmem:$0x10000] =	vst v63  }
0x118: {  	_ =	swait.ge [sflag:s14], $0x2000  }
0x119: {  	s1 =	sld [smem:$0x7F3]  }
0x11a: {  	[sflag:s14] =	ssyncset.done $0x0  }
0x11b: {  	[sflag:s14] =	ssyncadd.s32 $0xFFFFE000  }
0x11c: {  	[tilespmem:s28], [sflag:$0x2] =	stream.strided.gather [hbm4b:s1+s4], $0x2000, s6, s4, $0x38;
	[tilespmem:$0x10000] =	vst v63  }
0x11d: {  	_ =	swait.ge [sflag:s30], $0x2000  }
0x11e: {  	s1 =	sld [smem:$0x7F4]  }
0x11f: {  	[sflag:s30] =	ssyncset.done $0x0  }
0x120: {  	[sflag:s30] =	ssyncadd.s32 $0xFFFFE000  }
0x121: {  	[hbm4b:s1+s4] =	stream.strided.scatter [tilespmem:s28], [sflag:$0xA], $0x2000, s6, s4, $0x38;
	[tilespmem:$0x10000] =	vst v63  }
0x122: {  	_ =	swait.ge [sflag:s15], $0x2000  }
0x123: {  	s1 =	sld [smem:$0x7F5]  }
0x124: {  	[sflag:s15] =	ssyncset.done $0x0  }
0x125: {  	[sflag:s15] =	ssyncadd.s32 $0xFFFFE000  }
0x126: {  	[tilespmem:s25], [sflag:$0x3] =	stream.strided.gather [hbm4b:s1+s4], $0x2000, s6, s4, $0x38;
	[tilespmem:$0x10000] =	vst v63  }
0x127: {  	_ =	swait.ge [sflag:s29], $0x2000  }
0x128: {  	s1 =	sld [smem:$0x7F6]  }
0x129: {  	[sflag:s29] =	ssyncset.done $0x0  }
0x12a: {  	[sflag:s29] =	ssyncadd.s32 $0xFFFFE000  }
0x12b: {  	[hbm4b:s1+s4] =	stream.strided.scatter [tilespmem:s25], [sflag:$0xB], $0x2000, s6, s4, $0x38;
	[tilespmem:$0x10000] =	vst v63  }
0x12c: {  	_ =	swait.ge [sflag:s13], $0x2000  }
0x12d: {  	s1 =	sld [smem:$0x7F7]  }
0x12e: {  	[sflag:s13] =	ssyncset.done $0x0  }
0x12f: {  	[sflag:s13] =	ssyncadd.s32 $0xFFFFE000  }
0x130: {  	[tilespmem:s23], [sflag:$0x4] =	stream.strided.gather [hbm4b:s1+s4], $0x2000, s6, s4, $0x38;
	[tilespmem:$0x10000] =	vst v63  }
0x131: {  	_ =	swait.ge [sflag:s26], $0x2000  }
0x132: {  	s1 =	sld [smem:$0x7F8]  }
0x133: {  	[sflag:s26] =	ssyncset.done $0x0  }
0x134: {  	[sflag:s26] =	ssyncadd.s32 $0xFFFFE000  }
0x135: {  	[hbm4b:s1+s4] =	stream.strided.scatter [tilespmem:s23], [sflag:$0xC], $0x2000, s6, s4, $0x38;
	[tilespmem:$0x10000] =	vst v63  }
0x136: {  	_ =	swait.ge [sflag:s12], $0x2000  }
0x137: {  	s1 =	sld [smem:$0x7F9]  }
0x138: {  	[sflag:s12] =	ssyncset.done $0x0  }
0x139: {  	[sflag:s12] =	ssyncadd.s32 $0xFFFFE000  }
0x13a: {  	[tilespmem:s21], [sflag:$0x5] =	stream.strided.gather [hbm4b:s1+s4], $0x2000, s6, s4, $0x38;
	[tilespmem:$0x10000] =	vst v63  }
0x13b: {  	_ =	swait.ge [sflag:s24], $0x2000  }
0x13c: {  	s1 =	sld [smem:$0x7FA]  }
0x13d: {  	[sflag:s24] =	ssyncset.done $0x0  }
0x13e: {  	[sflag:s24] =	ssyncadd.s32 $0xFFFFE000  }
0x13f: {  	[hbm4b:s1+s4] =	stream.strided.scatter [tilespmem:s21], [sflag:$0xD], $0x2000, s6, s4, $0x38;
	[tilespmem:$0x10000] =	vst v63  }
0x140: {  	_ =	swait.ge [sflag:s10], $0x2000  }
0x141: {  	s1 =	sld [smem:$0x7FB]  }
0x142: {  	[sflag:s10] =	ssyncset.done $0x0  }
0x143: {  	[sflag:s10] =	ssyncadd.s32 $0xFFFFE000  }
0x144: {  	[tilespmem:s19], [sflag:$0x6] =	stream.strided.gather [hbm4b:s1+s4], $0x2000, s6, s4, $0x38;
	[tilespmem:$0x10000] =	vst v63  }
0x145: {  	_ =	swait.ge [sflag:s22], $0x2000  }
0x146: {  	s1 =	sld [smem:$0x7FC]  }
0x147: {  	[sflag:s22] =	ssyncset.done $0x0  }
0x148: {  	[sflag:s22] =	ssyncadd.s32 $0xFFFFE000  }
0x149: {  	[hbm4b:s1+s4] =	stream.strided.scatter [tilespmem:s19], [sflag:$0xE], $0x2000, s6, s4, $0x38;
	[tilespmem:$0x10000] =	vst v63  }
0x14a: {  	_ =	swait.ge [sflag:s9], $0x2000  }
0x14b: {  	s1 =	sld [smem:$0x7FD]  }
0x14c: {  	[sflag:s9] =	ssyncset.done $0x0  }
0x14d: {  	[sflag:s9] =	ssyncadd.s32 $0xFFFFE000  }
0x14e: {  	[tilespmem:s17], [sflag:$0x7] =	stream.strided.gather [hbm4b:s1+s4], $0x2000, s6, s4, $0x38;
	[tilespmem:$0x10000] =	vst v63  }
0x14f: {  	_ =	swait.ge [sflag:s20], $0x2000  }
0x150: {  	[sflag:s20] =	ssyncset.done $0x0  }
0x151: {  	[sflag:s20] =	ssyncadd.s32 $0xFFFFE000  }
0x152: {  	[hbm4b:s8+s4] =	stream.strided.scatter [tilespmem:s17], [sflag:$0xF], $0x2000, s6, s4, $0x38;
	[tilespmem:$0x10000] =	vst v63  }
0x153: {  	_ =	swait.ge [sflag:s7], $0x2000  }
0x154: {  	[sflag:s7] =	ssyncset.done $0x0  }
0x155: {  	[sflag:s7] =	ssyncadd.s32 $0xFFFFE000  }
0x156: {  	[tilespmem:s11], [sflag:$0x8] =	stream.strided.gather [hbm4b:s5+s4], $0x2000, s6, s4, $0x38;
	[tilespmem:$0x10000] =	vst v63  }
0x157: {  	_ =	swait.ge [sflag:s18], $0x2000  }
0x158: {  	[sflag:s18] =	ssyncset.done $0x0  }
0x159: {  	[sflag:s18] =	ssyncadd.s32 $0xFFFFE000  }
0x15a: {  	[hbm4b:s3+s4] =	stream.strided.scatter [tilespmem:s11], [sflag:$0x10], $0x2000, s6, s4, $0x38;
	[tilespmem:$0x10000] =	vst v63  }
0x15b: {  	_ =	swait.ge [sflag:s16], $0x2000  }
0x15c: {  	[sflag:s16] =	ssyncset.done $0x0  }
0x15d: {  	[sflag:s16] =	ssyncadd.s32 $0xFFFFE000  }
0x15e: {  	_ =	swait.ge [sflag:s14], $0x2000  }
0x15f: {  	[sflag:s14] =	ssyncset.done $0x0  }
0x160: {  	[sflag:s14] =	ssyncadd.s32 $0xFFFFE000  }
0x161: {  	_ =	swait.ge [sflag:s15], $0x2000  }
0x162: {  	[sflag:s15] =	ssyncset.done $0x0  }
0x163: {  	[sflag:s15] =	ssyncadd.s32 $0xFFFFE000  }
0x164: {  	_ =	swait.ge [sflag:s13], $0x2000  }
0x165: {  	[sflag:s13] =	ssyncset.done $0x0  }
0x166: {  	[sflag:s13] =	ssyncadd.s32 $0xFFFFE000  }
0x167: {  	_ =	swait.ge [sflag:s12], $0x2000  }
0x168: {  	[sflag:s12] =	ssyncset.done $0x0  }
0x169: {  	[sflag:s12] =	ssyncadd.s32 $0xFFFFE000  }
0x16a: {  	_ =	swait.ge [sflag:s10], $0x2000  }
0x16b: {  	[sflag:s10] =	ssyncset.done $0x0  }
0x16c: {  	[sflag:s10] =	ssyncadd.s32 $0xFFFFE000  }
0x16d: {  	_ =	swait.ge [sflag:s9], $0x2000  }
0x16e: {  	s1 =	sld [smem:$0x7DD];
	_ =	sdelay $0x2  }
0x16f: {  	p1 =	sne.s32 s1, $0x1  }
.Ltmp1:
0x170: {  	_ = 	snop;
	(pc) =	sbr.rel @!p1 .LBB2_3-.Ltmp1, $4  }
0x171: {  	[sflag:s9] =	ssyncset.done $0x0  }
0x172: {  	[sflag:s9] =	ssyncadd.s32 $0xFFFFE000  }
0x173: {  	p0 =	por $0x1, $0x1;
	_ =	swait.ge [sflag:s7], $0x2000  }
0x174: {  	s0 =	sadd.s32 $0xFFFFFFFF, s1;
	s1 =	rddreg [dreg:$0x3];
	[sflag:s7] =	ssyncset.done $0x0  }
.LBB2_2:
0x175: {  	[sflag:s7] =	ssyncadd.s32 $0xFFFFE000;
	s11 =	simm.s32 $0x0;
	s2 =	smov.u32 s8  }
0x176: {  	[tilespmem:s11], [sflag:$0x1] =	stream.strided.gather [hbm4b:s1+s4], $0x2000, s6, s4, $0x38;
	[tilespmem:$0x10000] =	vst v63  }
0x177: {  	s8 =	smov.u32 s5;
	s5 =	smov.u32 s3;
	s3 =	rddreg [dreg:$0x4]  }
0x178: {  	[tilespmem:s28], [sflag:$0x2] =	stream.strided.gather [hbm4b:s3+s4], $0x2000, s6, s4, $0x38;
	[tilespmem:$0x10000] =	vst v63  }
0x179: {  	s1 =	rddreg [dreg:$0x5]  }
0x17a: {  	[tilespmem:s25], [sflag:$0x3] =	stream.strided.gather [hbm4b:s1+s4], $0x2000, s6, s4, $0x38;
	[tilespmem:$0x10000] =	vst v63  }
0x17b: {  	s3 =	rddreg [dreg:$0x6]  }
0x17c: {  	[tilespmem:s23], [sflag:$0x4] =	stream.strided.gather [hbm4b:s3+s4], $0x2000, s6, s4, $0x38;
	[tilespmem:$0x10000] =	vst v63  }
0x17d: {  	s1 =	rddreg [dreg:$0x7]  }
0x17e: {  	[tilespmem:s21], [sflag:$0x5] =	stream.strided.gather [hbm4b:s1+s4], $0x2000, s6, s4, $0x38;
	[tilespmem:$0x10000] =	vst v63  }
0x17f: {  	s3 =	rddreg [dreg:$0x8]  }
0x180: {  	[tilespmem:s19], [sflag:$0x6] =	stream.strided.gather [hbm4b:s3+s4], $0x2000, s6, s4, $0x38;
	[tilespmem:$0x10000] =	vst v63  }
0x181: {  	s1 =	rddreg [dreg:$0x9]  }
0x182: {  	[tilespmem:s17], [sflag:$0x7] =	stream.strided.gather [hbm4b:s1+s4], $0x2000, s6, s4, $0x38;
	[tilespmem:$0x10000] =	vst v63  }
0x183: {  	s11 =	simm.s32 $0xE000;
	s3 =	rddreg [dreg:$0xa]  }
0x184: {  	[tilespmem:s11], [sflag:$0x8] =	stream.strided.gather [hbm4b:s3+s4], $0x2000, s6, s4, $0x38;
	[tilespmem:$0x10000] =	vst v63  }
0x185: {  	s3 =	smov.u32 s5;
	_ =	swait.ge [sflag:s31], $0x2000  }
0x186: {  	s5 =	smov.u32 s8;
	s8 =	smov.u32 s2;
	[sflag:s31] =	ssyncset.done $0x0  }
0x187: {  	s2 =	simm.s32 $0x0;
	s1 =	rddreg [dreg:$0xb];
	[sflag:s31] =	ssyncadd.s32 $0xFFFFE000  }
0x188: {  	[hbm4b:s1+s4] =	stream.strided.scatter [tilespmem:s2], [sflag:$0x9], $0x2000, s6, s4, $0x38;
	[tilespmem:$0x10000] =	vst v63  }
0x189: {  	_ =	swait.ge [sflag:s30], $0x2000  }
0x18a: {  	[sflag:s30] =	ssyncset.done $0x0  }
0x18b: {  	s1 =	rddreg [dreg:$0xc];
	[sflag:s30] =	ssyncadd.s32 $0xFFFFE000  }
0x18c: {  	[hbm4b:s1+s4] =	stream.strided.scatter [tilespmem:s28], [sflag:$0xA], $0x2000, s6, s4, $0x38;
	[tilespmem:$0x10000] =	vst v63  }
0x18d: {  	_ =	swait.ge [sflag:s29], $0x2000  }
0x18e: {  	[sflag:s29] =	ssyncset.done $0x0  }
0x18f: {  	s1 =	rddreg [dreg:$0xd];
	[sflag:s29] =	ssyncadd.s32 $0xFFFFE000  }
0x190: {  	[hbm4b:s1+s4] =	stream.strided.scatter [tilespmem:s25], [sflag:$0xB], $0x2000, s6, s4, $0x38;
	[tilespmem:$0x10000] =	vst v63  }
0x191: {  	_ =	swait.ge [sflag:s26], $0x2000  }
0x192: {  	[sflag:s26] =	ssyncset.done $0x0  }
0x193: {  	s1 =	rddreg [dreg:$0xe];
	[sflag:s26] =	ssyncadd.s32 $0xFFFFE000  }
0x194: {  	[hbm4b:s1+s4] =	stream.strided.scatter [tilespmem:s23], [sflag:$0xC], $0x2000, s6, s4, $0x38;
	[tilespmem:$0x10000] =	vst v63  }
0x195: {  	_ =	swait.ge [sflag:s24], $0x2000  }
0x196: {  	[sflag:s24] =	ssyncset.done $0x0  }
0x197: {  	s1 =	rddreg [dreg:$0xf];
	[sflag:s24] =	ssyncadd.s32 $0xFFFFE000  }
0x198: {  	[hbm4b:s1+s4] =	stream.strided.scatter [tilespmem:s21], [sflag:$0xD], $0x2000, s6, s4, $0x38;
	[tilespmem:$0x10000] =	vst v63  }
0x199: {  	_ =	swait.ge [sflag:s22], $0x2000  }
0x19a: {  	[sflag:s22] =	ssyncset.done $0x0  }
0x19b: {  	s1 =	rddreg [dreg:$0x10];
	[sflag:s22] =	ssyncadd.s32 $0xFFFFE000  }
0x19c: {  	[hbm4b:s1+s4] =	stream.strided.scatter [tilespmem:s19], [sflag:$0xE], $0x2000, s6, s4, $0x38;
	[tilespmem:$0x10000] =	vst v63  }
0x19d: {  	_ =	swait.ge [sflag:s20], $0x2000  }
0x19e: {  	[sflag:s20] =	ssyncset.done $0x0  }
0x19f: {  	s1 =	rddreg [dreg:$0x11];
	[sflag:s20] =	ssyncadd.s32 $0xFFFFE000  }
0x1a0: {  	[hbm4b:s1+s4] =	stream.strided.scatter [tilespmem:s17], [sflag:$0xF], $0x2000, s6, s4, $0x38;
	[tilespmem:$0x10000] =	vst v63  }
0x1a1: {  	_ =	swait.ge [sflag:s18], $0x2000  }
0x1a2: {  	[sflag:s18] =	ssyncset.done $0x0  }
0x1a3: {  	s1 =	rddreg [dreg:$0x12];
	[sflag:s18] =	ssyncadd.s32 $0xFFFFE000  }
0x1a4: {  	[hbm4b:s1+s4] =	stream.strided.scatter [tilespmem:s11], [sflag:$0x10], $0x2000, s6, s4, $0x38;
	[tilespmem:$0x10000] =	vst v63  }
0x1a5: {  	_ =	swait.ge [sflag:s16], $0x2000  }
0x1a6: {  	[sflag:s16] =	ssyncset.done $0x0  }
0x1a7: {  	s1 =	rddreg [dreg:$0x13];
	[sflag:s16] =	ssyncadd.s32 $0xFFFFE000  }
0x1a8: {  	[tilespmem:s2], [sflag:$0x1] =	stream.strided.gather [hbm4b:s1+s4], $0x2000, s6, s4, $0x38;
	[tilespmem:$0x10000] =	vst v63  }
0x1a9: {  	_ =	swait.ge [sflag:s31], $0x2000  }
0x1aa: {  	[sflag:s31] =	ssyncset.done $0x0  }
0x1ab: {  	s1 =	rddreg [dreg:$0x14];
	[sflag:s31] =	ssyncadd.s32 $0xFFFFE000  }
0x1ac: {  	[hbm4b:s1+s4] =	stream.strided.scatter [tilespmem:s2], [sflag:$0x9], $0x2000, s6, s4, $0x38;
	[tilespmem:$0x10000] =	vst v63  }
0x1ad: {  	_ =	swait.ge [sflag:s14], $0x2000  }
0x1ae: {  	[sflag:s14] =	ssyncset.done $0x0  }
0x1af: {  	s1 =	rddreg [dreg:$0x15];
	[sflag:s14] =	ssyncadd.s32 $0xFFFFE000  }
0x1b0: {  	[tilespmem:s28], [sflag:$0x2] =	stream.strided.gather [hbm4b:s1+s4], $0x2000, s6, s4, $0x38;
	[tilespmem:$0x10000] =	vst v63  }
0x1b1: {  	_ =	swait.ge [sflag:s30], $0x2000  }
0x1b2: {  	[sflag:s30] =	ssyncset.done $0x0  }
0x1b3: {  	s1 =	rddreg [dreg:$0x16];
	[sflag:s30] =	ssyncadd.s32 $0xFFFFE000  }
0x1b4: {  	[hbm4b:s1+s4] =	stream.strided.scatter [tilespmem:s28], [sflag:$0xA], $0x2000, s6, s4, $0x38;
	[tilespmem:$0x10000] =	vst v63  }
0x1b5: {  	_ =	swait.ge [sflag:s15], $0x2000  }
0x1b6: {  	[sflag:s15] =	ssyncset.done $0x0  }
0x1b7: {  	s1 =	rddreg [dreg:$0x17];
	[sflag:s15] =	ssyncadd.s32 $0xFFFFE000  }
0x1b8: {  	[tilespmem:s25], [sflag:$0x3] =	stream.strided.gather [hbm4b:s1+s4], $0x2000, s6, s4, $0x38;
	[tilespmem:$0x10000] =	vst v63  }
0x1b9: {  	_ =	swait.ge [sflag:s29], $0x2000  }
0x1ba: {  	[sflag:s29] =	ssyncset.done $0x0  }
0x1bb: {  	s1 =	rddreg [dreg:$0x18];
	[sflag:s29] =	ssyncadd.s32 $0xFFFFE000  }
0x1bc: {  	[hbm4b:s1+s4] =	stream.strided.scatter [tilespmem:s25], [sflag:$0xB], $0x2000, s6, s4, $0x38;
	[tilespmem:$0x10000] =	vst v63  }
0x1bd: {  	_ =	swait.ge [sflag:s13], $0x2000  }
0x1be: {  	[sflag:s13] =	ssyncset.done $0x0  }
0x1bf: {  	s1 =	rddreg [dreg:$0x19];
	[sflag:s13] =	ssyncadd.s32 $0xFFFFE000  }
0x1c0: {  	[tilespmem:s23], [sflag:$0x4] =	stream.strided.gather [hbm4b:s1+s4], $0x2000, s6, s4, $0x38;
	[tilespmem:$0x10000] =	vst v63  }
0x1c1: {  	_ =	swait.ge [sflag:s26], $0x2000  }
0x1c2: {  	[sflag:s26] =	ssyncset.done $0x0  }
0x1c3: {  	s1 =	rddreg [dreg:$0x1a];
	[sflag:s26] =	ssyncadd.s32 $0xFFFFE000  }
0x1c4: {  	[hbm4b:s1+s4] =	stream.strided.scatter [tilespmem:s23], [sflag:$0xC], $0x2000, s6, s4, $0x38;
	[tilespmem:$0x10000] =	vst v63  }
0x1c5: {  	_ =	swait.ge [sflag:s12], $0x2000  }
0x1c6: {  	[sflag:s12] =	ssyncset.done $0x0  }
0x1c7: {  	s1 =	rddreg [dreg:$0x1b];
	[sflag:s12] =	ssyncadd.s32 $0xFFFFE000  }
0x1c8: {  	[tilespmem:s21], [sflag:$0x5] =	stream.strided.gather [hbm4b:s1+s4], $0x2000, s6, s4, $0x38;
	[tilespmem:$0x10000] =	vst v63  }
0x1c9: {  	_ =	swait.ge [sflag:s24], $0x2000  }
0x1ca: {  	[sflag:s24] =	ssyncset.done $0x0  }
0x1cb: {  	s1 =	rddreg [dreg:$0x1c];
	[sflag:s24] =	ssyncadd.s32 $0xFFFFE000  }
0x1cc: {  	[hbm4b:s1+s4] =	stream.strided.scatter [tilespmem:s21], [sflag:$0xD], $0x2000, s6, s4, $0x38;
	[tilespmem:$0x10000] =	vst v63  }
0x1cd: {  	_ =	swait.ge [sflag:s10], $0x2000  }
0x1ce: {  	[sflag:s10] =	ssyncset.done $0x0  }
0x1cf: {  	s1 =	rddreg [dreg:$0x1d];
	[sflag:s10] =	ssyncadd.s32 $0xFFFFE000  }
0x1d0: {  	[tilespmem:s19], [sflag:$0x6] =	stream.strided.gather [hbm4b:s1+s4], $0x2000, s6, s4, $0x38;
	[tilespmem:$0x10000] =	vst v63  }
0x1d1: {  	_ =	swait.ge [sflag:s22], $0x2000  }
0x1d2: {  	[sflag:s22] =	ssyncset.done $0x0  }
0x1d3: {  	s1 =	rddreg [dreg:$0x1e];
	[sflag:s22] =	ssyncadd.s32 $0xFFFFE000  }
0x1d4: {  	[hbm4b:s1+s4] =	stream.strided.scatter [tilespmem:s19], [sflag:$0xE], $0x2000, s6, s4, $0x38;
	[tilespmem:$0x10000] =	vst v63  }
0x1d5: {  	_ =	swait.ge [sflag:s9], $0x2000  }
0x1d6: {  	[sflag:s9] =	ssyncset.done $0x0  }
0x1d7: {  	s1 =	rddreg [dreg:$0x1f];
	[sflag:s9] =	ssyncadd.s32 $0xFFFFE000  }
0x1d8: {  	[tilespmem:s17], [sflag:$0x7] =	stream.strided.gather [hbm4b:s1+s4], $0x2000, s6, s4, $0x38;
	[tilespmem:$0x10000] =	vst v63  }
0x1d9: {  	_ =	swait.ge [sflag:s20], $0x2000  }
0x1da: {  	s1 =	sld [smem:$0x7DE]  }
0x1db: {  	[sflag:s20] =	ssyncset.done $0x0  }
0x1dc: {  	[sflag:s20] =	ssyncadd.s32 $0xFFFFE000  }
0x1dd: {  	[hbm4b:s1+s4] =	stream.strided.scatter [tilespmem:s17], [sflag:$0xF], $0x2000, s6, s4, $0x38;
	[tilespmem:$0x10000] =	vst v63  }
0x1de: {  	_ =	swait.ge [sflag:s7], $0x2000  }
0x1df: {  	s1 =	sld [smem:$0x7DF]  }
0x1e0: {  	[sflag:s7] =	ssyncset.done $0x0  }
0x1e1: {  	[sflag:s7] =	ssyncadd.s32 $0xFFFFE000  }
0x1e2: {  	[tilespmem:s11], [sflag:$0x8] =	stream.strided.gather [hbm4b:s1+s4], $0x2000, s6, s4, $0x38;
	[tilespmem:$0x10000] =	vst v63  }
0x1e3: {  	_ =	swait.ge [sflag:s18], $0x2000  }
0x1e4: {  	s1 =	sld [smem:$0x7E0]  }
0x1e5: {  	[sflag:s18] =	ssyncset.done $0x0  }
0x1e6: {  	[sflag:s18] =	ssyncadd.s32 $0xFFFFE000  }
0x1e7: {  	[hbm4b:s1+s4] =	stream.strided.scatter [tilespmem:s11], [sflag:$0x10], $0x2000, s6, s4, $0x38;
	[tilespmem:$0x10000] =	vst v63  }
0x1e8: {  	_ =	swait.ge [sflag:s16], $0x2000  }
0x1e9: {  	s1 =	sld [smem:$0x7E1]  }
0x1ea: {  	[sflag:s16] =	ssyncset.done $0x0  }
0x1eb: {  	[sflag:s16] =	ssyncadd.s32 $0xFFFFE000  }
0x1ec: {  	[tilespmem:s2], [sflag:$0x1] =	stream.strided.gather [hbm4b:s1+s4], $0x2000, s6, s4, $0x38;
	[tilespmem:$0x10000] =	vst v63  }
0x1ed: {  	_ =	swait.ge [sflag:s31], $0x2000  }
0x1ee: {  	s1 =	sld [smem:$0x7E2]  }
0x1ef: {  	[sflag:s31] =	ssyncset.done $0x0  }
0x1f0: {  	[sflag:s31] =	ssyncadd.s32 $0xFFFFE000  }
0x1f1: {  	[hbm4b:s1+s4] =	stream.strided.scatter [tilespmem:s2], [sflag:$0x9], $0x2000, s6, s4, $0x38;
	[tilespmem:$0x10000] =	vst v63  }
0x1f2: {  	_ =	swait.ge [sflag:s14], $0x2000  }
0x1f3: {  	s1 =	sld [smem:$0x7E3]  }
0x1f4: {  	[sflag:s14] =	ssyncset.done $0x0  }
0x1f5: {  	[sflag:s14] =	ssyncadd.s32 $0xFFFFE000  }
0x1f6: {  	[tilespmem:s28], [sflag:$0x2] =	stream.strided.gather [hbm4b:s1+s4], $0x2000, s6, s4, $0x38;
	[tilespmem:$0x10000] =	vst v63  }
0x1f7: {  	_ =	swait.ge [sflag:s30], $0x2000  }
0x1f8: {  	s1 =	sld [smem:$0x7E4]  }
0x1f9: {  	[sflag:s30] =	ssyncset.done $0x0  }
0x1fa: {  	[sflag:s30] =	ssyncadd.s32 $0xFFFFE000  }
0x1fb: {  	[hbm4b:s1+s4] =	stream.strided.scatter [tilespmem:s28], [sflag:$0xA], $0x2000, s6, s4, $0x38;
	[tilespmem:$0x10000] =	vst v63  }
0x1fc: {  	_ =	swait.ge [sflag:s15], $0x2000  }
0x1fd: {  	s1 =	sld [smem:$0x7E5]  }
0x1fe: {  	[sflag:s15] =	ssyncset.done $0x0  }
0x1ff: {  	[sflag:s15] =	ssyncadd.s32 $0xFFFFE000  }
0x200: {  	[tilespmem:s25], [sflag:$0x3] =	stream.strided.gather [hbm4b:s1+s4], $0x2000, s6, s4, $0x38;
	[tilespmem:$0x10000] =	vst v63  }
0x201: {  	_ =	swait.ge [sflag:s29], $0x2000  }
0x202: {  	s1 =	sld [smem:$0x7E6]  }
0x203: {  	[sflag:s29] =	ssyncset.done $0x0  }
0x204: {  	[sflag:s29] =	ssyncadd.s32 $0xFFFFE000  }
0x205: {  	[hbm4b:s1+s4] =	stream.strided.scatter [tilespmem:s25], [sflag:$0xB], $0x2000, s6, s4, $0x38;
	[tilespmem:$0x10000] =	vst v63  }
0x206: {  	_ =	swait.ge [sflag:s13], $0x2000  }
0x207: {  	s1 =	sld [smem:$0x7E7]  }
0x208: {  	[sflag:s13] =	ssyncset.done $0x0  }
0x209: {  	[sflag:s13] =	ssyncadd.s32 $0xFFFFE000  }
0x20a: {  	[tilespmem:s23], [sflag:$0x4] =	stream.strided.gather [hbm4b:s1+s4], $0x2000, s6, s4, $0x38;
	[tilespmem:$0x10000] =	vst v63  }
0x20b: {  	_ =	swait.ge [sflag:s26], $0x2000  }
0x20c: {  	s1 =	sld [smem:$0x7E8]  }
0x20d: {  	[sflag:s26] =	ssyncset.done $0x0  }
0x20e: {  	[sflag:s26] =	ssyncadd.s32 $0xFFFFE000  }
0x20f: {  	[hbm4b:s1+s4] =	stream.strided.scatter [tilespmem:s23], [sflag:$0xC], $0x2000, s6, s4, $0x38;
	[tilespmem:$0x10000] =	vst v63  }
0x210: {  	_ =	swait.ge [sflag:s12], $0x2000  }
0x211: {  	s1 =	sld [smem:$0x7E9]  }
0x212: {  	[sflag:s12] =	ssyncset.done $0x0  }
0x213: {  	[sflag:s12] =	ssyncadd.s32 $0xFFFFE000  }
0x214: {  	[tilespmem:s21], [sflag:$0x5] =	stream.strided.gather [hbm4b:s1+s4], $0x2000, s6, s4, $0x38;
	[tilespmem:$0x10000] =	vst v63  }
0x215: {  	_ =	swait.ge [sflag:s24], $0x2000  }
0x216: {  	s1 =	sld [smem:$0x7EA]  }
0x217: {  	[sflag:s24] =	ssyncset.done $0x0  }
0x218: {  	[sflag:s24] =	ssyncadd.s32 $0xFFFFE000  }
0x219: {  	[hbm4b:s1+s4] =	stream.strided.scatter [tilespmem:s21], [sflag:$0xD], $0x2000, s6, s4, $0x38;
	[tilespmem:$0x10000] =	vst v63  }
0x21a: {  	_ =	swait.ge [sflag:s10], $0x2000  }
0x21b: {  	s1 =	sld [smem:$0x7EB]  }
0x21c: {  	[sflag:s10] =	ssyncset.done $0x0  }
0x21d: {  	[sflag:s10] =	ssyncadd.s32 $0xFFFFE000  }
0x21e: {  	[tilespmem:s19], [sflag:$0x6] =	stream.strided.gather [hbm4b:s1+s4], $0x2000, s6, s4, $0x38;
	[tilespmem:$0x10000] =	vst v63  }
0x21f: {  	_ =	swait.ge [sflag:s22], $0x2000  }
0x220: {  	s1 =	sld [smem:$0x7EC]  }
0x221: {  	[sflag:s22] =	ssyncset.done $0x0  }
0x222: {  	[sflag:s22] =	ssyncadd.s32 $0xFFFFE000  }
0x223: {  	[hbm4b:s1+s4] =	stream.strided.scatter [tilespmem:s19], [sflag:$0xE], $0x2000, s6, s4, $0x38;
	[tilespmem:$0x10000] =	vst v63  }
0x224: {  	_ =	swait.ge [sflag:s9], $0x2000  }
0x225: {  	s1 =	sld [smem:$0x7ED]  }
0x226: {  	[sflag:s9] =	ssyncset.done $0x0  }
0x227: {  	[sflag:s9] =	ssyncadd.s32 $0xFFFFE000  }
0x228: {  	[tilespmem:s17], [sflag:$0x7] =	stream.strided.gather [hbm4b:s1+s4], $0x2000, s6, s4, $0x38;
	[tilespmem:$0x10000] =	vst v63  }
0x229: {  	_ =	swait.ge [sflag:s20], $0x2000  }
0x22a: {  	s1 =	sld [smem:$0x7EE]  }
0x22b: {  	[sflag:s20] =	ssyncset.done $0x0  }
0x22c: {  	[sflag:s20] =	ssyncadd.s32 $0xFFFFE000  }
0x22d: {  	[hbm4b:s1+s4] =	stream.strided.scatter [tilespmem:s17], [sflag:$0xF], $0x2000, s6, s4, $0x38;
	[tilespmem:$0x10000] =	vst v63  }
0x22e: {  	_ =	swait.ge [sflag:s7], $0x2000  }
0x22f: {  	s1 =	sld [smem:$0x7EF]  }
0x230: {  	[sflag:s7] =	ssyncset.done $0x0  }
0x231: {  	[sflag:s7] =	ssyncadd.s32 $0xFFFFE000  }
0x232: {  	[tilespmem:s11], [sflag:$0x8] =	stream.strided.gather [hbm4b:s1+s4], $0x2000, s6, s4, $0x38;
	[tilespmem:$0x10000] =	vst v63  }
0x233: {  	_ =	swait.ge [sflag:s18], $0x2000  }
0x234: {  	s1 =	sld [smem:$0x7F0]  }
0x235: {  	[sflag:s18] =	ssyncset.done $0x0  }
0x236: {  	[sflag:s18] =	ssyncadd.s32 $0xFFFFE000  }
0x237: {  	[hbm4b:s1+s4] =	stream.strided.scatter [tilespmem:s11], [sflag:$0x10], $0x2000, s6, s4, $0x38;
	[tilespmem:$0x10000] =	vst v63  }
0x238: {  	_ =	swait.ge [sflag:s16], $0x2000  }
0x239: {  	s1 =	sld [smem:$0x7F1]  }
0x23a: {  	[sflag:s16] =	ssyncset.done $0x0  }
0x23b: {  	[sflag:s16] =	ssyncadd.s32 $0xFFFFE000  }
0x23c: {  	[tilespmem:s2], [sflag:$0x1] =	stream.strided.gather [hbm4b:s1+s4], $0x2000, s6, s4, $0x38;
	[tilespmem:$0x10000] =	vst v63  }
0x23d: {  	_ =	swait.ge [sflag:s31], $0x2000  }
0x23e: {  	s1 =	sld [smem:$0x7F2]  }
0x23f: {  	[sflag:s31] =	ssyncset.done $0x0  }
0x240: {  	[sflag:s31] =	ssyncadd.s32 $0xFFFFE000  }
0x241: {  	[hbm4b:s1+s4] =	stream.strided.scatter [tilespmem:s2], [sflag:$0x9], $0x2000, s6, s4, $0x38;
	[tilespmem:$0x10000] =	vst v63  }
0x242: {  	_ =	swait.ge [sflag:s14], $0x2000  }
0x243: {  	s1 =	sld [smem:$0x7F3]  }
0x244: {  	[sflag:s14] =	ssyncset.done $0x0  }
0x245: {  	[sflag:s14] =	ssyncadd.s32 $0xFFFFE000  }
0x246: {  	[tilespmem:s28], [sflag:$0x2] =	stream.strided.gather [hbm4b:s1+s4], $0x2000, s6, s4, $0x38;
	[tilespmem:$0x10000] =	vst v63  }
0x247: {  	_ =	swait.ge [sflag:s30], $0x2000  }
0x248: {  	s1 =	sld [smem:$0x7F4]  }
0x249: {  	[sflag:s30] =	ssyncset.done $0x0  }
0x24a: {  	[sflag:s30] =	ssyncadd.s32 $0xFFFFE000  }
0x24b: {  	[hbm4b:s1+s4] =	stream.strided.scatter [tilespmem:s28], [sflag:$0xA], $0x2000, s6, s4, $0x38;
	[tilespmem:$0x10000] =	vst v63  }
0x24c: {  	_ =	swait.ge [sflag:s15], $0x2000  }
0x24d: {  	s1 =	sld [smem:$0x7F5]  }
0x24e: {  	[sflag:s15] =	ssyncset.done $0x0  }
0x24f: {  	[sflag:s15] =	ssyncadd.s32 $0xFFFFE000  }
0x250: {  	[tilespmem:s25], [sflag:$0x3] =	stream.strided.gather [hbm4b:s1+s4], $0x2000, s6, s4, $0x38;
	[tilespmem:$0x10000] =	vst v63  }
0x251: {  	_ =	swait.ge [sflag:s29], $0x2000  }
0x252: {  	s1 =	sld [smem:$0x7F6]  }
0x253: {  	[sflag:s29] =	ssyncset.done $0x0  }
0x254: {  	[sflag:s29] =	ssyncadd.s32 $0xFFFFE000  }
0x255: {  	[hbm4b:s1+s4] =	stream.strided.scatter [tilespmem:s25], [sflag:$0xB], $0x2000, s6, s4, $0x38;
	[tilespmem:$0x10000] =	vst v63  }
0x256: {  	_ =	swait.ge [sflag:s13], $0x2000  }
0x257: {  	s1 =	sld [smem:$0x7F7]  }
0x258: {  	[sflag:s13] =	ssyncset.done $0x0  }
0x259: {  	[sflag:s13] =	ssyncadd.s32 $0xFFFFE000  }
0x25a: {  	[tilespmem:s23], [sflag:$0x4] =	stream.strided.gather [hbm4b:s1+s4], $0x2000, s6, s4, $0x38;
	[tilespmem:$0x10000] =	vst v63  }
0x25b: {  	_ =	swait.ge [sflag:s26], $0x2000  }
0x25c: {  	s1 =	sld [smem:$0x7F8]  }
0x25d: {  	[sflag:s26] =	ssyncset.done $0x0  }
0x25e: {  	[sflag:s26] =	ssyncadd.s32 $0xFFFFE000  }
0x25f: {  	[hbm4b:s1+s4] =	stream.strided.scatter [tilespmem:s23], [sflag:$0xC], $0x2000, s6, s4, $0x38;
	[tilespmem:$0x10000] =	vst v63  }
0x260: {  	_ =	swait.ge [sflag:s12], $0x2000  }
0x261: {  	s1 =	sld [smem:$0x7F9]  }
0x262: {  	[sflag:s12] =	ssyncset.done $0x0  }
0x263: {  	[sflag:s12] =	ssyncadd.s32 $0xFFFFE000  }
0x264: {  	[tilespmem:s21], [sflag:$0x5] =	stream.strided.gather [hbm4b:s1+s4], $0x2000, s6, s4, $0x38;
	[tilespmem:$0x10000] =	vst v63  }
0x265: {  	_ =	swait.ge [sflag:s24], $0x2000  }
0x266: {  	s1 =	sld [smem:$0x7FA]  }
0x267: {  	[sflag:s24] =	ssyncset.done $0x0  }
0x268: {  	[sflag:s24] =	ssyncadd.s32 $0xFFFFE000  }
0x269: {  	[hbm4b:s1+s4] =	stream.strided.scatter [tilespmem:s21], [sflag:$0xD], $0x2000, s6, s4, $0x38;
	[tilespmem:$0x10000] =	vst v63  }
0x26a: {  	_ =	swait.ge [sflag:s10], $0x2000  }
0x26b: {  	s1 =	sld [smem:$0x7FB]  }
0x26c: {  	[sflag:s10] =	ssyncset.done $0x0  }
0x26d: {  	[sflag:s10] =	ssyncadd.s32 $0xFFFFE000  }
0x26e: {  	[tilespmem:s19], [sflag:$0x6] =	stream.strided.gather [hbm4b:s1+s4], $0x2000, s6, s4, $0x38;
	[tilespmem:$0x10000] =	vst v63  }
0x26f: {  	_ =	swait.ge [sflag:s22], $0x2000  }
0x270: {  	s1 =	sld [smem:$0x7FC]  }
0x271: {  	[sflag:s22] =	ssyncset.done $0x0  }
0x272: {  	[sflag:s22] =	ssyncadd.s32 $0xFFFFE000  }
0x273: {  	[hbm4b:s1+s4] =	stream.strided.scatter [tilespmem:s19], [sflag:$0xE], $0x2000, s6, s4, $0x38;
	[tilespmem:$0x10000] =	vst v63  }
0x274: {  	_ =	swait.ge [sflag:s9], $0x2000  }
0x275: {  	s1 =	sld [smem:$0x7FD]  }
0x276: {  	[sflag:s9] =	ssyncset.done $0x0  }
0x277: {  	[sflag:s9] =	ssyncadd.s32 $0xFFFFE000  }
0x278: {  	[tilespmem:s17], [sflag:$0x7] =	stream.strided.gather [hbm4b:s1+s4], $0x2000, s6, s4, $0x38;
	[tilespmem:$0x10000] =	vst v63  }
0x279: {  	_ =	swait.ge [sflag:s20], $0x2000  }
0x27a: {  	[sflag:s20] =	ssyncset.done $0x0  }
0x27b: {  	[sflag:s20] =	ssyncadd.s32 $0xFFFFE000  }
0x27c: {  	[hbm4b:s8+s4] =	stream.strided.scatter [tilespmem:s17], [sflag:$0xF], $0x2000, s6, s4, $0x38;
	[tilespmem:$0x10000] =	vst v63  }
0x27d: {  	_ =	swait.ge [sflag:s7], $0x2000  }
0x27e: {  	[sflag:s7] =	ssyncset.done $0x0  }
0x27f: {  	[sflag:s7] =	ssyncadd.s32 $0xFFFFE000  }
0x280: {  	[tilespmem:s11], [sflag:$0x8] =	stream.strided.gather [hbm4b:s5+s4], $0x2000, s6, s4, $0x38;
	[tilespmem:$0x10000] =	vst v63  }
0x281: {  	_ =	swait.ge [sflag:s18], $0x2000  }
0x282: {  	[sflag:s18] =	ssyncset.done $0x0  }
0x283: {  	[sflag:s18] =	ssyncadd.s32 $0xFFFFE000  }
0x284: {  	[hbm4b:s3+s4] =	stream.strided.scatter [tilespmem:s11], [sflag:$0x10], $0x2000, s6, s4, $0x38;
	[tilespmem:$0x10000] =	vst v63  }
0x285: {  	_ =	swait.ge [sflag:s16], $0x2000  }
0x286: {  	[sflag:s16] =	ssyncset.done $0x0  }
0x287: {  	[sflag:s16] =	ssyncadd.s32 $0xFFFFE000  }
0x288: {  	_ =	swait.ge [sflag:s14], $0x2000  }
0x289: {  	[sflag:s14] =	ssyncset.done $0x0  }
0x28a: {  	[sflag:s14] =	ssyncadd.s32 $0xFFFFE000  }
0x28b: {  	_ =	swait.ge [sflag:s15], $0x2000  }
0x28c: {  	[sflag:s15] =	ssyncset.done $0x0  }
0x28d: {  	[sflag:s15] =	ssyncadd.s32 $0xFFFFE000  }
0x28e: {  	_ =	swait.ge [sflag:s13], $0x2000  }
0x28f: {  	[sflag:s13] =	ssyncset.done $0x0  }
0x290: {  	[sflag:s13] =	ssyncadd.s32 $0xFFFFE000  }
0x291: {  	_ =	swait.ge [sflag:s12], $0x2000  }
0x292: {  	[sflag:s12] =	ssyncset.done $0x0  }
0x293: {  	[sflag:s12] =	ssyncadd.s32 $0xFFFFE000  }
0x294: {  	_ =	swait.ge [sflag:s10], $0x2000  }
0x295: {  	[sflag:s10] =	ssyncset.done $0x0  }
0x296: {  	p1 =	sne.s32 s0, $0x1;
	[sflag:s10] =	ssyncadd.s32 $0xFFFFE000  }
.Ltmp2:
0x297: {  	_ =	swait.ge [sflag:s9], $0x2000;
	(pc) =	sbr.rel @p1 .LBB2_2-.Ltmp2, $4  }
0x298: {  	[sflag:s9] =	ssyncset.done $0x0  }
0x299: {  	[sflag:s9] =	ssyncadd.s32 $0xFFFFE000  }
0x29a: {  	_ =	swait.ge [sflag:s7], $0x2000  }
0x29b: {  	s0 =	sadd.s32 $0xFFFFFFFF, s0;
	s1 =	rddreg [dreg:$0x3];
	[sflag:s7] =	ssyncset.done $0x0  }
.LBB2_3:
0x29c: {  	[sflag:s7] =	ssyncadd.s32 @p0 $0xFFFFE000  }
0x29d: {  	[tilespmem:s2], [sflag:$0x1] =	stream.strided.gather [hbm4b:s1+s4], $0x2000, s6, s4, $0x38;
	[tilespmem:$0x10000] =	vst v63  }
0x29e: {  	s0 =	rddreg [dreg:$0x4]  }
0x29f: {  	[tilespmem:s28], [sflag:$0x2] =	stream.strided.gather [hbm4b:s0+s4], $0x2000, s6, s4, $0x38;
	[tilespmem:$0x10000] =	vst v63  }
0x2a0: {  	s1 =	rddreg [dreg:$0x5]  }
0x2a1: {  	[tilespmem:s25], [sflag:$0x3] =	stream.strided.gather [hbm4b:s1+s4], $0x2000, s6, s4, $0x38;
	[tilespmem:$0x10000] =	vst v63  }
0x2a2: {  	s0 =	rddreg [dreg:$0x6]  }
0x2a3: {  	[tilespmem:s23], [sflag:$0x4] =	stream.strided.gather [hbm4b:s0+s4], $0x2000, s6, s4, $0x38;
	[tilespmem:$0x10000] =	vst v63  }
0x2a4: {  	s1 =	rddreg [dreg:$0x7]  }
0x2a5: {  	[tilespmem:s21], [sflag:$0x5] =	stream.strided.gather [hbm4b:s1+s4], $0x2000, s6, s4, $0x38;
	[tilespmem:$0x10000] =	vst v63  }
0x2a6: {  	s0 =	rddreg [dreg:$0x8]  }
0x2a7: {  	[tilespmem:s19], [sflag:$0x6] =	stream.strided.gather [hbm4b:s0+s4], $0x2000, s6, s4, $0x38;
	[tilespmem:$0x10000] =	vst v63  }
0x2a8: {  	s1 =	rddreg [dreg:$0x9]  }
0x2a9: {  	[tilespmem:s17], [sflag:$0x7] =	stream.strided.gather [hbm4b:s1+s4], $0x2000, s6, s4, $0x38;
	[tilespmem:$0x10000] =	vst v63  }
0x2aa: {  	s0 =	rddreg [dreg:$0xa]  }
0x2ab: {  	[tilespmem:s11], [sflag:$0x8] =	stream.strided.gather [hbm4b:s0+s4], $0x2000, s6, s4, $0x38;
	[tilespmem:$0x10000] =	vst v63  }
0x2ac: {  	_ =	swait.ge [sflag:s31], $0x2000  }
0x2ad: {  	[sflag:s31] =	ssyncset.done $0x0  }
0x2ae: {  	s1 =	rddreg [dreg:$0xb];
	[sflag:s31] =	ssyncadd.s32 $0xFFFFE000  }
0x2af: {  	[hbm4b:s1+s4] =	stream.strided.scatter [tilespmem:s2], [sflag:$0x9], $0x2000, s6, s4, $0x38;
	[tilespmem:$0x10000] =	vst v63  }
0x2b0: {  	_ =	swait.ge [sflag:s30], $0x2000  }
0x2b1: {  	[sflag:s30] =	ssyncset.done $0x0  }
0x2b2: {  	s1 =	rddreg [dreg:$0xc];
	[sflag:s30] =	ssyncadd.s32 $0xFFFFE000  }
0x2b3: {  	[hbm4b:s1+s4] =	stream.strided.scatter [tilespmem:s28], [sflag:$0xA], $0x2000, s6, s4, $0x38;
	[tilespmem:$0x10000] =	vst v63  }
0x2b4: {  	_ =	swait.ge [sflag:s29], $0x2000  }
0x2b5: {  	[sflag:s29] =	ssyncset.done $0x0  }
0x2b6: {  	s1 =	rddreg [dreg:$0xd];
	[sflag:s29] =	ssyncadd.s32 $0xFFFFE000  }
0x2b7: {  	[hbm4b:s1+s4] =	stream.strided.scatter [tilespmem:s25], [sflag:$0xB], $0x2000, s6, s4, $0x38;
	[tilespmem:$0x10000] =	vst v63  }
0x2b8: {  	_ =	swait.ge [sflag:s26], $0x2000  }
0x2b9: {  	[sflag:s26] =	ssyncset.done $0x0  }
0x2ba: {  	s1 =	rddreg [dreg:$0xe];
	[sflag:s26] =	ssyncadd.s32 $0xFFFFE000  }
0x2bb: {  	[hbm4b:s1+s4] =	stream.strided.scatter [tilespmem:s23], [sflag:$0xC], $0x2000, s6, s4, $0x38;
	[tilespmem:$0x10000] =	vst v63  }
0x2bc: {  	_ =	swait.ge [sflag:s24], $0x2000  }
0x2bd: {  	[sflag:s24] =	ssyncset.done $0x0  }
0x2be: {  	s1 =	rddreg [dreg:$0xf];
	[sflag:s24] =	ssyncadd.s32 $0xFFFFE000  }
0x2bf: {  	[hbm4b:s1+s4] =	stream.strided.scatter [tilespmem:s21], [sflag:$0xD], $0x2000, s6, s4, $0x38;
	[tilespmem:$0x10000] =	vst v63  }
0x2c0: {  	_ =	swait.ge [sflag:s22], $0x2000  }
0x2c1: {  	[sflag:s22] =	ssyncset.done $0x0  }
0x2c2: {  	s1 =	rddreg [dreg:$0x10];
	[sflag:s22] =	ssyncadd.s32 $0xFFFFE000  }
0x2c3: {  	[hbm4b:s1+s4] =	stream.strided.scatter [tilespmem:s19], [sflag:$0xE], $0x2000, s6, s4, $0x38;
	[tilespmem:$0x10000] =	vst v63  }
0x2c4: {  	_ =	swait.ge [sflag:s20], $0x2000  }
0x2c5: {  	[sflag:s20] =	ssyncset.done $0x0  }
0x2c6: {  	s1 =	rddreg [dreg:$0x11];
	[sflag:s20] =	ssyncadd.s32 $0xFFFFE000  }
0x2c7: {  	[hbm4b:s1+s4] =	stream.strided.scatter [tilespmem:s17], [sflag:$0xF], $0x2000, s6, s4, $0x38;
	[tilespmem:$0x10000] =	vst v63  }
0x2c8: {  	_ =	swait.ge [sflag:s18], $0x2000  }
0x2c9: {  	[sflag:s18] =	ssyncset.done $0x0  }
0x2ca: {  	s1 =	rddreg [dreg:$0x12];
	[sflag:s18] =	ssyncadd.s32 $0xFFFFE000  }
0x2cb: {  	[hbm4b:s1+s4] =	stream.strided.scatter [tilespmem:s11], [sflag:$0x10], $0x2000, s6, s4, $0x38;
	[tilespmem:$0x10000] =	vst v63  }
0x2cc: {  	_ =	swait.ge [sflag:s16], $0x2000  }
0x2cd: {  	[sflag:s16] =	ssyncset.done $0x0  }
0x2ce: {  	s1 =	rddreg [dreg:$0x13];
	[sflag:s16] =	ssyncadd.s32 $0xFFFFE000  }
0x2cf: {  	[tilespmem:s2], [sflag:$0x1] =	stream.strided.gather [hbm4b:s1+s4], $0x2000, s6, s4, $0x38;
	[tilespmem:$0x10000] =	vst v63  }
0x2d0: {  	_ =	swait.ge [sflag:s31], $0x2000  }
0x2d1: {  	[sflag:s31] =	ssyncset.done $0x0  }
0x2d2: {  	s1 =	rddreg [dreg:$0x14];
	[sflag:s31] =	ssyncadd.s32 $0xFFFFE000  }
0x2d3: {  	[hbm4b:s1+s4] =	stream.strided.scatter [tilespmem:s2], [sflag:$0x9], $0x2000, s6, s4, $0x38;
	[tilespmem:$0x10000] =	vst v63  }
0x2d4: {  	_ =	swait.ge [sflag:s14], $0x2000  }
0x2d5: {  	[sflag:s14] =	ssyncset.done $0x0  }
0x2d6: {  	s1 =	rddreg [dreg:$0x15];
	[sflag:s14] =	ssyncadd.s32 $0xFFFFE000  }
0x2d7: {  	[tilespmem:s28], [sflag:$0x2] =	stream.strided.gather [hbm4b:s1+s4], $0x2000, s6, s4, $0x38;
	[tilespmem:$0x10000] =	vst v63  }
0x2d8: {  	_ =	swait.ge [sflag:s30], $0x2000  }
0x2d9: {  	[sflag:s30] =	ssyncset.done $0x0  }
0x2da: {  	s1 =	rddreg [dreg:$0x16];
	[sflag:s30] =	ssyncadd.s32 $0xFFFFE000  }
0x2db: {  	[hbm4b:s1+s4] =	stream.strided.scatter [tilespmem:s28], [sflag:$0xA], $0x2000, s6, s4, $0x38;
	[tilespmem:$0x10000] =	vst v63  }
0x2dc: {  	_ =	swait.ge [sflag:s15], $0x2000  }
0x2dd: {  	[sflag:s15] =	ssyncset.done $0x0  }
0x2de: {  	s1 =	rddreg [dreg:$0x17];
	[sflag:s15] =	ssyncadd.s32 $0xFFFFE000  }
0x2df: {  	[tilespmem:s25], [sflag:$0x3] =	stream.strided.gather [hbm4b:s1+s4], $0x2000, s6, s4, $0x38;
	[tilespmem:$0x10000] =	vst v63  }
0x2e0: {  	_ =	swait.ge [sflag:s29], $0x2000  }
0x2e1: {  	[sflag:s29] =	ssyncset.done $0x0  }
0x2e2: {  	s1 =	rddreg [dreg:$0x18];
	[sflag:s29] =	ssyncadd.s32 $0xFFFFE000  }
0x2e3: {  	[hbm4b:s1+s4] =	stream.strided.scatter [tilespmem:s25], [sflag:$0xB], $0x2000, s6, s4, $0x38;
	[tilespmem:$0x10000] =	vst v63  }
0x2e4: {  	_ =	swait.ge [sflag:s13], $0x2000  }
0x2e5: {  	[sflag:s13] =	ssyncset.done $0x0  }
0x2e6: {  	s1 =	rddreg [dreg:$0x19];
	[sflag:s13] =	ssyncadd.s32 $0xFFFFE000  }
0x2e7: {  	[tilespmem:s23], [sflag:$0x4] =	stream.strided.gather [hbm4b:s1+s4], $0x2000, s6, s4, $0x38;
	[tilespmem:$0x10000] =	vst v63  }
0x2e8: {  	_ =	swait.ge [sflag:s26], $0x2000  }
0x2e9: {  	[sflag:s26] =	ssyncset.done $0x0  }
0x2ea: {  	s1 =	rddreg [dreg:$0x1a];
	[sflag:s26] =	ssyncadd.s32 $0xFFFFE000  }
0x2eb: {  	[hbm4b:s1+s4] =	stream.strided.scatter [tilespmem:s23], [sflag:$0xC], $0x2000, s6, s4, $0x38;
	[tilespmem:$0x10000] =	vst v63  }
0x2ec: {  	_ =	swait.ge [sflag:s12], $0x2000  }
0x2ed: {  	[sflag:s12] =	ssyncset.done $0x0  }
0x2ee: {  	s1 =	rddreg [dreg:$0x1b];
	[sflag:s12] =	ssyncadd.s32 $0xFFFFE000  }
0x2ef: {  	[tilespmem:s21], [sflag:$0x5] =	stream.strided.gather [hbm4b:s1+s4], $0x2000, s6, s4, $0x38;
	[tilespmem:$0x10000] =	vst v63  }
0x2f0: {  	_ =	swait.ge [sflag:s24], $0x2000  }
0x2f1: {  	[sflag:s24] =	ssyncset.done $0x0  }
0x2f2: {  	s1 =	rddreg [dreg:$0x1c];
	[sflag:s24] =	ssyncadd.s32 $0xFFFFE000  }
0x2f3: {  	[hbm4b:s1+s4] =	stream.strided.scatter [tilespmem:s21], [sflag:$0xD], $0x2000, s6, s4, $0x38;
	[tilespmem:$0x10000] =	vst v63  }
0x2f4: {  	_ =	swait.ge [sflag:s10], $0x2000  }
0x2f5: {  	[sflag:s10] =	ssyncset.done $0x0  }
0x2f6: {  	s1 =	rddreg [dreg:$0x1d];
	[sflag:s10] =	ssyncadd.s32 $0xFFFFE000  }
0x2f7: {  	[tilespmem:s19], [sflag:$0x6] =	stream.strided.gather [hbm4b:s1+s4], $0x2000, s6, s4, $0x38;
	[tilespmem:$0x10000] =	vst v63  }
0x2f8: {  	_ =	swait.ge [sflag:s22], $0x2000  }
0x2f9: {  	[sflag:s22] =	ssyncset.done $0x0  }
0x2fa: {  	s1 =	rddreg [dreg:$0x1e];
	[sflag:s22] =	ssyncadd.s32 $0xFFFFE000  }
0x2fb: {  	[hbm4b:s1+s4] =	stream.strided.scatter [tilespmem:s19], [sflag:$0xE], $0x2000, s6, s4, $0x38;
	[tilespmem:$0x10000] =	vst v63  }
0x2fc: {  	_ =	swait.ge [sflag:s9], $0x2000  }
0x2fd: {  	[sflag:s9] =	ssyncset.done $0x0  }
0x2fe: {  	s1 =	rddreg [dreg:$0x1f];
	[sflag:s9] =	ssyncadd.s32 $0xFFFFE000  }
0x2ff: {  	[tilespmem:s17], [sflag:$0x7] =	stream.strided.gather [hbm4b:s1+s4], $0x2000, s6, s4, $0x38;
	[tilespmem:$0x10000] =	vst v63  }
0x300: {  	_ =	swait.ge [sflag:s20], $0x2000  }
0x301: {  	s1 =	sld [smem:$0x7DE]  }
0x302: {  	[sflag:s20] =	ssyncset.done $0x0  }
0x303: {  	[sflag:s20] =	ssyncadd.s32 $0xFFFFE000  }
0x304: {  	[hbm4b:s1+s4] =	stream.strided.scatter [tilespmem:s17], [sflag:$0xF], $0x2000, s6, s4, $0x38;
	[tilespmem:$0x10000] =	vst v63  }
0x305: {  	_ =	swait.ge [sflag:s7], $0x2000  }
0x306: {  	s1 =	sld [smem:$0x7DF]  }
0x307: {  	[sflag:s7] =	ssyncset.done $0x0  }
0x308: {  	[sflag:s7] =	ssyncadd.s32 $0xFFFFE000  }
0x309: {  	[tilespmem:s11], [sflag:$0x8] =	stream.strided.gather [hbm4b:s1+s4], $0x2000, s6, s4, $0x38;
	[tilespmem:$0x10000] =	vst v63  }
0x30a: {  	_ =	swait.ge [sflag:s18], $0x2000  }
0x30b: {  	s1 =	sld [smem:$0x7E0]  }
0x30c: {  	[sflag:s18] =	ssyncset.done $0x0  }
0x30d: {  	[sflag:s18] =	ssyncadd.s32 $0xFFFFE000  }
0x30e: {  	[hbm4b:s1+s4] =	stream.strided.scatter [tilespmem:s11], [sflag:$0x10], $0x2000, s6, s4, $0x38;
	[tilespmem:$0x10000] =	vst v63  }
0x30f: {  	_ =	swait.ge [sflag:s16], $0x2000  }
0x310: {  	s1 =	sld [smem:$0x7E1]  }
0x311: {  	[sflag:s16] =	ssyncset.done $0x0  }
0x312: {  	[sflag:s16] =	ssyncadd.s32 $0xFFFFE000  }
0x313: {  	[tilespmem:s2], [sflag:$0x1] =	stream.strided.gather [hbm4b:s1+s4], $0x2000, s6, s4, $0x38;
	[tilespmem:$0x10000] =	vst v63  }
0x314: {  	_ =	swait.ge [sflag:s31], $0x2000  }
0x315: {  	s1 =	sld [smem:$0x7E2]  }
0x316: {  	[sflag:s31] =	ssyncset.done $0x0  }
0x317: {  	[sflag:s31] =	ssyncadd.s32 $0xFFFFE000  }
0x318: {  	[hbm4b:s1+s4] =	stream.strided.scatter [tilespmem:s2], [sflag:$0x9], $0x2000, s6, s4, $0x38;
	[tilespmem:$0x10000] =	vst v63  }
0x319: {  	_ =	swait.ge [sflag:s14], $0x2000  }
0x31a: {  	s1 =	sld [smem:$0x7E3]  }
0x31b: {  	[sflag:s14] =	ssyncset.done $0x0  }
0x31c: {  	[sflag:s14] =	ssyncadd.s32 $0xFFFFE000  }
0x31d: {  	[tilespmem:s28], [sflag:$0x2] =	stream.strided.gather [hbm4b:s1+s4], $0x2000, s6, s4, $0x38;
	[tilespmem:$0x10000] =	vst v63  }
0x31e: {  	_ =	swait.ge [sflag:s30], $0x2000  }
0x31f: {  	s1 =	sld [smem:$0x7E4]  }
0x320: {  	[sflag:s30] =	ssyncset.done $0x0  }
0x321: {  	[sflag:s30] =	ssyncadd.s32 $0xFFFFE000  }
0x322: {  	[hbm4b:s1+s4] =	stream.strided.scatter [tilespmem:s28], [sflag:$0xA], $0x2000, s6, s4, $0x38;
	[tilespmem:$0x10000] =	vst v63  }
0x323: {  	_ =	swait.ge [sflag:s15], $0x2000  }
0x324: {  	s1 =	sld [smem:$0x7E5]  }
0x325: {  	[sflag:s15] =	ssyncset.done $0x0  }
0x326: {  	[sflag:s15] =	ssyncadd.s32 $0xFFFFE000  }
0x327: {  	[tilespmem:s25], [sflag:$0x3] =	stream.strided.gather [hbm4b:s1+s4], $0x2000, s6, s4, $0x38;
	[tilespmem:$0x10000] =	vst v63  }
0x328: {  	_ =	swait.ge [sflag:s29], $0x2000  }
0x329: {  	s1 =	sld [smem:$0x7E6]  }
0x32a: {  	[sflag:s29] =	ssyncset.done $0x0  }
0x32b: {  	[sflag:s29] =	ssyncadd.s32 $0xFFFFE000  }
0x32c: {  	[hbm4b:s1+s4] =	stream.strided.scatter [tilespmem:s25], [sflag:$0xB], $0x2000, s6, s4, $0x38;
	[tilespmem:$0x10000] =	vst v63  }
0x32d: {  	_ =	swait.ge [sflag:s13], $0x2000  }
0x32e: {  	s1 =	sld [smem:$0x7E7]  }
0x32f: {  	[sflag:s13] =	ssyncset.done $0x0  }
0x330: {  	[sflag:s13] =	ssyncadd.s32 $0xFFFFE000  }
0x331: {  	[tilespmem:s23], [sflag:$0x4] =	stream.strided.gather [hbm4b:s1+s4], $0x2000, s6, s4, $0x38;
	[tilespmem:$0x10000] =	vst v63  }
0x332: {  	_ =	swait.ge [sflag:s26], $0x2000  }
0x333: {  	s1 =	sld [smem:$0x7E8]  }
0x334: {  	[sflag:s26] =	ssyncset.done $0x0  }
0x335: {  	[sflag:s26] =	ssyncadd.s32 $0xFFFFE000  }
0x336: {  	[hbm4b:s1+s4] =	stream.strided.scatter [tilespmem:s23], [sflag:$0xC], $0x2000, s6, s4, $0x38;
	[tilespmem:$0x10000] =	vst v63  }
0x337: {  	_ =	swait.ge [sflag:s12], $0x2000  }
0x338: {  	s1 =	sld [smem:$0x7E9]  }
0x339: {  	[sflag:s12] =	ssyncset.done $0x0  }
0x33a: {  	[sflag:s12] =	ssyncadd.s32 $0xFFFFE000  }
0x33b: {  	[tilespmem:s21], [sflag:$0x5] =	stream.strided.gather [hbm4b:s1+s4], $0x2000, s6, s4, $0x38;
	[tilespmem:$0x10000] =	vst v63  }
0x33c: {  	_ =	swait.ge [sflag:s24], $0x2000  }
0x33d: {  	s1 =	sld [smem:$0x7EA]  }
0x33e: {  	[sflag:s24] =	ssyncset.done $0x0  }
0x33f: {  	[sflag:s24] =	ssyncadd.s32 $0xFFFFE000  }
0x340: {  	[hbm4b:s1+s4] =	stream.strided.scatter [tilespmem:s21], [sflag:$0xD], $0x2000, s6, s4, $0x38;
	[tilespmem:$0x10000] =	vst v63  }
0x341: {  	_ =	swait.ge [sflag:s10], $0x2000  }
0x342: {  	s1 =	sld [smem:$0x7EB]  }
0x343: {  	[sflag:s10] =	ssyncset.done $0x0  }
0x344: {  	[sflag:s10] =	ssyncadd.s32 $0xFFFFE000  }
0x345: {  	[tilespmem:s19], [sflag:$0x6] =	stream.strided.gather [hbm4b:s1+s4], $0x2000, s6, s4, $0x38;
	[tilespmem:$0x10000] =	vst v63  }
0x346: {  	_ =	swait.ge [sflag:s22], $0x2000  }
0x347: {  	s1 =	sld [smem:$0x7EC]  }
0x348: {  	[sflag:s22] =	ssyncset.done $0x0  }
0x349: {  	[sflag:s22] =	ssyncadd.s32 $0xFFFFE000  }
0x34a: {  	[hbm4b:s1+s4] =	stream.strided.scatter [tilespmem:s19], [sflag:$0xE], $0x2000, s6, s4, $0x38;
	[tilespmem:$0x10000] =	vst v63  }
0x34b: {  	_ =	swait.ge [sflag:s9], $0x2000  }
0x34c: {  	s1 =	sld [smem:$0x7ED]  }
0x34d: {  	[sflag:s9] =	ssyncset.done $0x0  }
0x34e: {  	[sflag:s9] =	ssyncadd.s32 $0xFFFFE000  }
0x34f: {  	[tilespmem:s17], [sflag:$0x7] =	stream.strided.gather [hbm4b:s1+s4], $0x2000, s6, s4, $0x38;
	[tilespmem:$0x10000] =	vst v63  }
0x350: {  	_ =	swait.ge [sflag:s20], $0x2000  }
0x351: {  	s1 =	sld [smem:$0x7EE]  }
0x352: {  	[sflag:s20] =	ssyncset.done $0x0  }
0x353: {  	[sflag:s20] =	ssyncadd.s32 $0xFFFFE000  }
0x354: {  	[hbm4b:s1+s4] =	stream.strided.scatter [tilespmem:s17], [sflag:$0xF], $0x2000, s6, s4, $0x38;
	[tilespmem:$0x10000] =	vst v63  }
0x355: {  	_ =	swait.ge [sflag:s7], $0x2000  }
0x356: {  	s1 =	sld [smem:$0x7EF]  }
0x357: {  	[sflag:s7] =	ssyncset.done $0x0  }
0x358: {  	[sflag:s7] =	ssyncadd.s32 $0xFFFFE000  }
0x359: {  	[tilespmem:s11], [sflag:$0x8] =	stream.strided.gather [hbm4b:s1+s4], $0x2000, s6, s4, $0x38;
	[tilespmem:$0x10000] =	vst v63  }
0x35a: {  	_ =	swait.ge [sflag:s18], $0x2000  }
0x35b: {  	s1 =	sld [smem:$0x7F0]  }
0x35c: {  	[sflag:s18] =	ssyncset.done $0x0  }
0x35d: {  	[sflag:s18] =	ssyncadd.s32 $0xFFFFE000  }
0x35e: {  	[hbm4b:s1+s4] =	stream.strided.scatter [tilespmem:s11], [sflag:$0x10], $0x2000, s6, s4, $0x38;
	[tilespmem:$0x10000] =	vst v63  }
0x35f: {  	_ =	swait.ge [sflag:s16], $0x2000  }
0x360: {  	s1 =	sld [smem:$0x7F1]  }
0x361: {  	[sflag:s16] =	ssyncset.done $0x0  }
0x362: {  	[sflag:s16] =	ssyncadd.s32 $0xFFFFE000  }
0x363: {  	[tilespmem:s2], [sflag:$0x1] =	stream.strided.gather [hbm4b:s1+s4], $0x2000, s6, s4, $0x38;
	[tilespmem:$0x10000] =	vst v63  }
0x364: {  	_ =	swait.ge [sflag:s31], $0x2000  }
0x365: {  	s1 =	sld [smem:$0x7F2]  }
0x366: {  	[sflag:s31] =	ssyncset.done $0x0  }
0x367: {  	[sflag:s31] =	ssyncadd.s32 $0xFFFFE000  }
0x368: {  	[hbm4b:s1+s4] =	stream.strided.scatter [tilespmem:s2], [sflag:$0x9], $0x2000, s6, s4, $0x38;
	[tilespmem:$0x10000] =	vst v63  }
0x369: {  	_ =	swait.ge [sflag:s14], $0x2000  }
0x36a: {  	s1 =	sld [smem:$0x7F3]  }
0x36b: {  	[sflag:s14] =	ssyncset.done $0x0  }
0x36c: {  	[sflag:s14] =	ssyncadd.s32 $0xFFFFE000  }
0x36d: {  	[tilespmem:s28], [sflag:$0x2] =	stream.strided.gather [hbm4b:s1+s4], $0x2000, s6, s4, $0x38;
	[tilespmem:$0x10000] =	vst v63  }
0x36e: {  	_ =	swait.ge [sflag:s30], $0x2000  }
0x36f: {  	s2 =	sld [smem:$0x7F4]  }
0x370: {  	[sflag:s30] =	ssyncset.done $0x0  }
0x371: {  	[sflag:s30] =	ssyncadd.s32 $0xFFFFE000  }
0x372: {  	[hbm4b:s2+s4] =	stream.strided.scatter [tilespmem:s28], [sflag:$0xA], $0x2000, s6, s4, $0x38;
	[tilespmem:$0x10000] =	vst v63  }
0x373: {  	_ =	swait.ge [sflag:s15], $0x2000  }
0x374: {  	s30 =	sld [smem:$0x7F5]  }
0x375: {  	[sflag:s15] =	ssyncset.done $0x0  }
0x376: {  	[sflag:s15] =	ssyncadd.s32 $0xFFFFE000  }
0x377: {  	[tilespmem:s25], [sflag:$0x3] =	stream.strided.gather [hbm4b:s30+s4], $0x2000, s6, s4, $0x38;
	[tilespmem:$0x10000] =	vst v63  }
0x378: {  	_ =	swait.ge [sflag:s29], $0x2000  }
0x379: {  	s31 =	sld [smem:$0x7F6]  }
0x37a: {  	[sflag:s29] =	ssyncset.done $0x0  }
0x37b: {  	[sflag:s29] =	ssyncadd.s32 $0xFFFFE000  }
0x37c: {  	[hbm4b:s31+s4] =	stream.strided.scatter [tilespmem:s25], [sflag:$0xB], $0x2000, s6, s4, $0x38;
	[tilespmem:$0x10000] =	vst v63  }
0x37d: {  	_ =	swait.ge [sflag:s13], $0x2000  }
0x37e: {  	s1 =	sld [smem:$0x7F7]  }
0x37f: {  	[sflag:s13] =	ssyncset.done $0x0  }
0x380: {  	[sflag:s13] =	ssyncadd.s32 $0xFFFFE000  }
0x381: {  	[tilespmem:s23], [sflag:$0x4] =	stream.strided.gather [hbm4b:s1+s4], $0x2000, s6, s4, $0x38;
	[tilespmem:$0x10000] =	vst v63  }
0x382: {  	_ =	swait.ge [sflag:s26], $0x2000  }
0x383: {  	s2 =	sld [smem:$0x7F8]  }
0x384: {  	[sflag:s26] =	ssyncset.done $0x0  }
0x385: {  	[sflag:s26] =	ssyncadd.s32 $0xFFFFE000  }
0x386: {  	[hbm4b:s2+s4] =	stream.strided.scatter [tilespmem:s23], [sflag:$0xC], $0x2000, s6, s4, $0x38;
	[tilespmem:$0x10000] =	vst v63  }
0x387: {  	_ =	swait.ge [sflag:s12], $0x2000  }
0x388: {  	s25 =	sld [smem:$0x7F9]  }
0x389: {  	[sflag:s12] =	ssyncset.done $0x0  }
0x38a: {  	[sflag:s12] =	ssyncadd.s32 $0xFFFFE000  }
0x38b: {  	[tilespmem:s21], [sflag:$0x5] =	stream.strided.gather [hbm4b:s25+s4], $0x2000, s6, s4, $0x38;
	[tilespmem:$0x10000] =	vst v63  }
0x38c: {  	_ =	swait.ge [sflag:s24], $0x2000  }
0x38d: {  	s26 =	sld [smem:$0x7FA]  }
0x38e: {  	[sflag:s24] =	ssyncset.done $0x0  }
0x38f: {  	[sflag:s24] =	ssyncadd.s32 $0xFFFFE000  }
0x390: {  	[hbm4b:s26+s4] =	stream.strided.scatter [tilespmem:s21], [sflag:$0xD], $0x2000, s6, s4, $0x38;
	[tilespmem:$0x10000] =	vst v63  }
0x391: {  	_ =	swait.ge [sflag:s10], $0x2000  }
0x392: {  	s28 =	sld [smem:$0x7FB]  }
0x393: {  	[sflag:s10] =	ssyncset.done $0x0  }
0x394: {  	[sflag:s10] =	ssyncadd.s32 $0xFFFFE000  }
0x395: {  	[tilespmem:s19], [sflag:$0x6] =	stream.strided.gather [hbm4b:s28+s4], $0x2000, s6, s4, $0x38;
	[tilespmem:$0x10000] =	vst v63  }
0x396: {  	_ =	swait.ge [sflag:s22], $0x2000  }
0x397: {  	s29 =	sld [smem:$0x7FC]  }
0x398: {  	[sflag:s22] =	ssyncset.done $0x0  }
0x399: {  	[sflag:s22] =	ssyncadd.s32 $0xFFFFE000  }
0x39a: {  	[hbm4b:s29+s4] =	stream.strided.scatter [tilespmem:s19], [sflag:$0xE], $0x2000, s6, s4, $0x38;
	[tilespmem:$0x10000] =	vst v63  }
0x39b: {  	_ =	swait.ge [sflag:s9], $0x2000  }
0x39c: {  	s30 =	sld [smem:$0x7FD]  }
0x39d: {  	[sflag:s9] =	ssyncset.done $0x0  }
0x39e: {  	[sflag:s9] =	ssyncadd.s32 $0xFFFFE000  }
0x39f: {  	[tilespmem:s17], [sflag:$0x7] =	stream.strided.gather [hbm4b:s30+s4], $0x2000, s6, s4, $0x38;
	[tilespmem:$0x10000] =	vst v63  }
0x3a0: {  	_ =	swait.ge [sflag:s20], $0x2000  }
0x3a1: {  	[sflag:s20] =	ssyncset.done $0x0  }
0x3a2: {  	[sflag:s20] =	ssyncadd.s32 $0xFFFFE000  }
0x3a3: {  	[hbm4b:s8+s4] =	stream.strided.scatter [tilespmem:s17], [sflag:$0xF], $0x2000, s6, s4, $0x38;
	[tilespmem:$0x10000] =	vst v63  }
0x3a4: {  	_ =	swait.ge [sflag:s7], $0x2000  }
0x3a5: {  	[sflag:s7] =	ssyncset.done $0x0  }
0x3a6: {  	[sflag:s7] =	ssyncadd.s32 $0xFFFFE000  }
0x3a7: {  	[tilespmem:s11], [sflag:$0x8] =	stream.strided.gather [hbm4b:s5+s4], $0x2000, s6, s4, $0x38;
	[tilespmem:$0x10000] =	vst v63  }
0x3a8: {  	_ =	swait.ge [sflag:s18], $0x2000  }
0x3a9: {  	[sflag:s18] =	ssyncset.done $0x0  }
0x3aa: {  	[sflag:s18] =	ssyncadd.s32 $0xFFFFE000  }
0x3ab: {  	[hbm4b:s3+s4] =	stream.strided.scatter [tilespmem:s11], [sflag:$0x10], $0x2000, s6, s4, $0x38;
	[tilespmem:$0x10000] =	vst v63  }
0x3ac: {  	_ =	swait.ge [sflag:s16], $0x2000  }
0x3ad: {  	[sflag:s16] =	ssyncset.done $0x0  }
0x3ae: {  	[sflag:s16] =	ssyncadd.s32 $0xFFFFE000  }
0x3af: {  	_ =	swait.ge [sflag:s14], $0x2000  }
0x3b0: {  	[sflag:s14] =	ssyncset.done $0x0  }
0x3b1: {  	[sflag:s14] =	ssyncadd.s32 $0xFFFFE000  }
0x3b2: {  	_ =	swait.ge [sflag:s15], $0x2000  }
0x3b3: {  	[sflag:s15] =	ssyncset.done $0x0  }
0x3b4: {  	[sflag:s15] =	ssyncadd.s32 $0xFFFFE000  }
0x3b5: {  	_ =	swait.ge [sflag:s13], $0x2000  }
0x3b6: {  	[sflag:s13] =	ssyncset.done $0x0  }
0x3b7: {  	[sflag:s13] =	ssyncadd.s32 $0xFFFFE000  }
0x3b8: {  	_ =	swait.ge [sflag:s12], $0x2000  }
0x3b9: {  	[sflag:s12] =	ssyncset.done $0x0  }
0x3ba: {  	[sflag:s12] =	ssyncadd.s32 $0xFFFFE000  }
0x3bb: {  	_ =	swait.ge [sflag:s10], $0x2000  }
0x3bc: {  	[sflag:s10] =	ssyncset.done $0x0  }
0x3bd: {  	[sflag:s10] =	ssyncadd.s32 $0xFFFFE000  }
0x3be: {  	_ =	swait.ge [sflag:s9], $0x2000  }
0x3bf: {  	[sflag:s9] =	ssyncset.done $0x0  }
0x3c0: {  	[sflag:s9] =	ssyncadd.s32 $0xFFFFE000  }
0x3c1: {  	_ =	swait.ge [sflag:s7], $0x2000  }
0x3c2: {  	[sflag:s7] =	ssyncset.done $0x0  }
0x3c3: {  	[sflag:s7] =	ssyncadd.s32 $0xFFFFE000  }
0x3c4: {  	_ =	sfence.sel $0x180000  }
0x3c5: {  	[bflag:$0x0] =	sbarrier.arrive $0xFFFF  }
0x3c6: {  	_ =	strace $0x90000047  }
0x3c7: {  	s31 =	stileid.u32;
	[bflag:$0x2] =	sbarrier.arrive $0xFFFF  }
0x3c8: {  	p0 =	sne.s32 s31, $0x0;
	s0 =	rddreg [dreg:$0x2]  }
0x3c9: {  	s0 =	sadd.s32 @!p0 $0x100000, s0  }
0x3ca: {  	[sflag:s0] =	ssyncadd.tile.s32 @!p0 $0x1;
	_ =	shalt  }
.Lfunc_end2:
_tile_overlayer_lowered:
.L_overlay_start_2:
0x3cb: {  	(tag) =	ssettag $0x2  }
0x3cc: {  	s0 =	rddreg [dreg:$0x0];
	s2 =	stileid.u32  }
0x3cd: {  	s1 =	rddreg [dreg:$0x1];
	p0 =	sne.s32 s2, $0x0  }
0x3ce: {  	s3 =	rddreg [dreg:$0x2];
	[bflag:$0x3] =	sbarrier.arrive $0xFFFF;
	s2 =	simm.s32 @!p0 $0x1C11  }
0x3cf: {  	[timem:s3], [sflag:s2] =	dma.local @!p0 [hbm:s0], s1  }
0x3d0: {  	s0 =	simm.s32 @!p0 $0x11  }
0x3d1: {  	_ =	swait.ge @!p0 [sflag:s0], s1  }
0x3d2: {  	s1 =	ssub.s32 @!p0 $0x0, s1;
	[sflag:s0] =	ssyncset.done @!p0 $0x0  }
0x3d3: {  	[sflag:s0] =	ssyncadd.s32 @!p0 s1  }
0x3d4: {  	[bflag:$0x3] =	sbarrier.arrive $0xFFFF  }
0x3d5: {  	_ =	shalt  }

</sc_bundles>
